<compile_context>
chip_gen: v7x
topology: tpu7x:2x2x1
jax: 0.10.2.dev20260603
libtpu: 0.0.44.dev20260713+nightly
codegen_flags: <defaults>
</compile_context>

<pallas_src>
import functools

import jax
import jax.numpy as jnp
from jax import lax
from jax.experimental import pallas as pl
from jax.experimental.pallas import tpu as pltpu
from jax.experimental.pallas import tpu_sc as plsc

_NC = 2
_NS = 16
_NW = _NC * _NS
_L = 16

_EPS = 1e-12


def _rsqrt_scalar(v):
    i = lax.bitcast_convert_type(v, jnp.int32)
    i = jnp.int32(0x5F3759DF) - (i >> 1)
    y = lax.bitcast_convert_type(i, jnp.float32)
    for _ in range(2):
        y = y * (1.5 - 0.5 * v * y * y)
    return y


def _build_sc_call(B, S, H, VOCAB, NBINS, S_PAD):
    rows_per_w = B // _NW
    n_chunks = 2
    chunk = S // n_chunks
    nj = H // _L
    mesh = plsc.VectorSubcoreMesh(
        core_axis_name="c", subcore_axis_name="s",
        num_cores=_NC, num_subcores=_NS)

    @functools.partial(
        pl.kernel,
        out_type=jax.ShapeDtypeStruct((B, S, H), jnp.float32),
        mesh=mesh,
        compiler_params=pltpu.CompilerParams(needs_layout_passes=False),
        scratch_types=[
            pltpu.VMEM((rows_per_w, n_chunks, chunk), jnp.int32),
            pltpu.VMEM((rows_per_w, S_PAD), jnp.int32),
            pltpu.VMEM((S, H), jnp.float32),
            pltpu.VMEM((S, H), jnp.float32),
            pltpu.VMEM((S, H), jnp.float32),
            pltpu.VMEM((NBINS, H), jnp.float32),
            pltpu.VMEM((S, H), jnp.float32),
            pltpu.VMEM((2, H), jnp.float32),
            pltpu.SemaphoreType.DMA,
            pltpu.SemaphoreType.DMA,
            pltpu.SemaphoreType.DMA,
            pltpu.SemaphoreType.DMA,
            pltpu.SemaphoreType.DMA,
            pltpu.SemaphoreType.DMA,
        ],
    )
    def sc_kernel(ids_hbm, bins_hbm, gene_hbm, expr_hbm, pos_hbm, gam_hbm,
                  bet_hbm, out_hbm, ids_v, bins_v, buf0, buf1, buf2,
                  expr_v, pos_v, gb_v, g0, g1, g2, o0, o1, o2):
        wid = lax.axis_index("s") * _NC + lax.axis_index("c")
        base = wid * rows_per_w
        bufs = [buf0, buf1, buf2]
        gsems = [g0, g1, g2]
        osems = [o0, o1, o2]

        pltpu.sync_copy(ids_hbm.at[pl.ds(base, rows_per_w)], ids_v)
        pltpu.sync_copy(bins_hbm.at[pl.ds(base, rows_per_w)], bins_v)
        pltpu.sync_copy(expr_hbm, expr_v)
        pltpu.sync_copy(pos_hbm.at[pl.ds(0, S)], pos_v)
        pltpu.sync_copy(gam_hbm, gb_v.at[0])
        pltpu.sync_copy(bet_hbm, gb_v.at[1])

        gams = [gb_v[0, pl.ds(16 * j, 16)] for j in range(nj)]
        bets = [gb_v[1, pl.ds(16 * j, 16)] for j in range(nj)]
        invh = jnp.float32(1.0 / H)

        def start_gather(b, rloc):
            for k in range(n_chunks):
                pltpu.async_copy(
                    gene_hbm.at[ids_v.at[rloc, k]],
                    bufs[b].at[pl.ds(k * chunk, chunk)], gsems[b])

        def wait_gather(b, rloc):
            for k in range(n_chunks):
                pltpu.make_async_copy(
                    gene_hbm.at[ids_v.at[rloc, k]],
                    bufs[b].at[pl.ds(k * chunk, chunk)], gsems[b]).wait()

        def start_out(b, rloc):
            pltpu.async_copy(bufs[b], out_hbm.at[base + rloc], osems[b])

        def wait_out(b, rloc):
            pltpu.make_async_copy(
                bufs[b], out_hbm.at[base + rloc], osems[b]).wait()

        def token(buf, s, bin_s):
            xs = []
            s1 = None
            s2 = None
            for j in range(nj):
                ev = expr_v[bin_s, pl.ds(16 * j, 16)]
                gv = buf[s, pl.ds(16 * j, 16)]
                pv = pos_v[s, pl.ds(16 * j, 16)]
                x = gv + ev + pv
                xs.append(x)
                s1 = x if s1 is None else s1 + x
                s2 = x * x if s2 is None else s2 + x * x
            mean_s = jnp.sum(s1) * invh
            var_s = jnp.sum(s2) * invh - mean_s * mean_s + jnp.float32(_EPS)
            iv_s = _rsqrt_scalar(var_s)
            inv = jnp.full((_L,), iv_s, dtype=jnp.float32)
            mean = jnp.full((_L,), mean_s, dtype=jnp.float32)
            for j in range(nj):
                y = (xs[j] - mean) * inv
                buf[s, pl.ds(16 * j, 16)] = y * gams[j] + bets[j]

        def compute(b, rloc):
            buf = bufs[b]
            usplat = jnp.full((_L,), rloc, dtype=jnp.int32)

            @plsc.parallel_loop(0, S, step=1, unroll=1)
            def _body(s):
                ssplat = jnp.full((_L,), s, dtype=jnp.int32)
                binv = plsc.load_gather(bins_v, [usplat, ssplat])
                token(buf, s, binv[0])

        start_gather(0, 0)

        def pipe3(k, c):
            for jph in range(3):
                r = 3 * k + jph

                @pl.when(r < rows_per_w)
                def _():
                    wait_gather(jph, r)

                    @pl.when(jnp.logical_and(r >= 2, r + 1 < rows_per_w))
                    def _():
                        wait_out((jph + 1) % 3, r - 2)

                    @pl.when(r + 1 < rows_per_w)
                    def _():
                        start_gather((jph + 1) % 3, r + 1)

                    compute(jph, r)
                    start_out(jph, r)
            return c

        lax.fori_loop(0, (rows_per_w + 2) // 3, pipe3, 0, unroll=False)
        wait_out((rows_per_w - 3) % 3, rows_per_w - 3)
        wait_out((rows_per_w - 2) % 3, rows_per_w - 2)
        wait_out((rows_per_w - 1) % 3, rows_per_w - 1)

    return sc_kernel


def kernel(gene_ids, expression_bins, gene_table, expr_table, pos_table,
           ln_gamma, ln_beta):
    B, S = gene_ids.shape
    VOCAB, H = gene_table.shape
    NBINS = expr_table.shape[0]
    ids2 = gene_ids.reshape(B, 2, S // 2)
    s_pad = ((S + _L - 1) // _L) * _L
    bins_p = jnp.pad(expression_bins, ((0, 0), (0, s_pad - S)))
    fn = _build_sc_call(B, S, H, VOCAB, NBINS, s_pad)
    return fn(ids2, bins_p, gene_table, expr_table, pos_table,
              ln_gamma, ln_beta)

# --- scband reference (transcript-rebuilt; emitter-appended) ---
"""Pipeline reference for scband-gene-expression-embedding-25134148616884 (READ-ONLY COPY).

The authoritative reference and input builder live on the scoring server;
editing this copy changes nothing except your own understanding.
"""

import jax, jax.numpy as jnp
import numpy as np

VOCAB = 100000
HIDDEN = 128
PAD_ID = 0
N_BINS = 51
MAX_POS = 512
EPS = 1e-12
B, S = 1024, 200


def setup_inputs(seed: int = 0) -> dict:
    key = jax.random.key(seed)
    k1, k2, k3, k4, k5 = jax.random.split(key, 5)
    gene_ids = jax.random.randint(k1, (B, S), 0, VOCAB, dtype=jnp.int64 if jax.config.jax_enable_x64 else jnp.int32).astype(jnp.int32)
    expression_bins = jax.random.randint(k2, (B, S), 0, N_BINS).astype(jnp.int32)
    gene_table = jax.random.normal(k3, (VOCAB, HIDDEN), dtype=jnp.float32) * 0.02
    gene_table = gene_table.at[PAD_ID].set(0.0)  # padding_idx row initialized to zeros
    expr_table = jax.random.normal(k4, (N_BINS, HIDDEN), dtype=jnp.float32) * 0.02
    pos_table = jax.random.normal(k5, (MAX_POS, HIDDEN), dtype=jnp.float32) * 0.02
    ln_gamma = jnp.ones((HIDDEN,), dtype=jnp.float32)
    ln_beta = jnp.zeros((HIDDEN,), dtype=jnp.float32)
    return {
        "gene_ids": gene_ids,
        "expression_bins": expression_bins,
        "gene_table": gene_table,
        "expr_table": expr_table,
        "pos_table": pos_table,
        "ln_gamma": ln_gamma,
        "ln_beta": ln_beta,
    }


def reference(gene_ids, expression_bins, gene_table, expr_table, pos_table, ln_gamma, ln_beta):
    seq_len = gene_ids.shape[1]
    emb = jnp.take(gene_table, gene_ids, axis=0)
    emb = emb + jnp.take(expr_table, expression_bins, axis=0)
    position_ids = jnp.arange(seq_len, dtype=jnp.int32)[None, :]
    emb = emb + jnp.take(pos_table, position_ids, axis=0)
    mean = jnp.mean(emb, axis=-1, keepdims=True)
    var = jnp.mean(jnp.square(emb - mean), axis=-1, keepdims=True)
    emb = (emb - mean) / jnp.sqrt(var + EPS)
    emb = emb * ln_gamma + ln_beta
    # dropout is identity in eval mode
    return emb

if __name__ == "__main__":
    import jax
    _d = setup_inputs()
    print(jax.jit(kernel)(*tuple(_d.values())))

</pallas_src>

<mosaic_0001>
#map = affine_map<(d0, d1) -> (0, 0, 0)>
#map1 = affine_map<(d0, d1) -> (0, 0)>
#map2 = affine_map<(d0, d1) -> (0)>
module attributes {stable_mosaic.version = 14 : i64} {
  func.func @sc_kernel(%arg0: i32, %arg1: i32, %arg2: memref<1024x2x100xi32, #tpu.memory_space<hbm>>, %arg3: memref<1024x208xi32, #tpu.memory_space<hbm>>, %arg4: memref<100000x128xf32, #tpu.memory_space<hbm>>, %arg5: memref<51x128xf32, #tpu.memory_space<hbm>>, %arg6: memref<512x128xf32, #tpu.memory_space<hbm>>, %arg7: memref<128xf32, #tpu.memory_space<hbm>>, %arg8: memref<128xf32, #tpu.memory_space<hbm>>, %arg9: memref<1024x200x128xf32, #tpu.memory_space<hbm>>, %arg10: memref<32x2x100xi32, #tpu.memory_space<vmem>>, %arg11: memref<32x208xi32, #tpu.memory_space<vmem>>, %arg12: memref<200x128xf32, #tpu.memory_space<vmem>>, %arg13: memref<200x128xf32, #tpu.memory_space<vmem>>, %arg14: memref<200x128xf32, #tpu.memory_space<vmem>>, %arg15: memref<51x128xf32, #tpu.memory_space<vmem>>, %arg16: memref<200x128xf32, #tpu.memory_space<vmem>>, %arg17: memref<2x128xf32, #tpu.memory_space<vmem>>, %arg18: memref<!tpu.dma_semaphore, #tpu.memory_space<semaphore_mem>>, %arg19: memref<!tpu.dma_semaphore, #tpu.memory_space<semaphore_mem>>, %arg20: memref<!tpu.dma_semaphore, #tpu.memory_space<semaphore_mem>>, %arg21: memref<!tpu.dma_semaphore, #tpu.memory_space<semaphore_mem>>, %arg22: memref<!tpu.dma_semaphore, #tpu.memory_space<semaphore_mem>>, %arg23: memref<!tpu.dma_semaphore, #tpu.memory_space<semaphore_mem>>) attributes {dimension_semantics = [#tpu.dimension_semantics<core_parallel>, #tpu.dimension_semantics<subcore_parallel>], iteration_bounds = array<i64: 2, 16>, scalar_prefetch = 0 : i64, scratch_operands = 14 : i64, tpu.core_type = #tpu.core_type<sc_vector_subcore>, window_params = [{transform_indices = #map}, {transform_indices = #map1}, {transform_indices = #map1}, {transform_indices = #map1}, {transform_indices = #map1}, {transform_indices = #map2}, {transform_indices = #map2}, {transform_indices = #map}]} {
    %mul3A = arith.constant 2 : i32
    %mul3A_0 = arith.muli %arg1, %mul3A : i32
    %add3A = arith.addi %mul3A_0, %arg0 : i32
    %mul3A_1 = arith.constant 32 : i32
    %mul3A_2 = arith.muli %add3A, %mul3A_1 : i32
    "tpu.region"() ({
      %run_scoped3A_123 = tpu.sem_alloc : memref<!tpu.dma_semaphore, #tpu.memory_space<semaphore_mem>>
      %dma_start3A_124 = arith.constant 0 : i32
      %dma_start3A_125 = arith.constant 0 : i32
      %dma_start3A_126 = tpu.memref_slice %arg2[%mul3A_2, %dma_start3A_124, %dma_start3A_125] : memref<1024x2x100xi32, #tpu.memory_space<hbm>> -> memref<32x2x100xi32, #tpu.memory_space<hbm>>
      %dma_start3A_127 = arith.constant 0 : i32
      %dma_start3A_128 = arith.constant 0 : i32
      %dma_start3A_129 = tpu.memref_slice %arg2[%mul3A_2, %dma_start3A_127, %dma_start3A_128] : memref<1024x2x100xi32, #tpu.memory_space<hbm>> -> memref<32x2x100xi32, #tpu.memory_space<hbm>>
      tpu.enqueue_dma source(%dma_start3A_129 : memref<32x2x100xi32, #tpu.memory_space<hbm>>) target(%arg10 : memref<32x2x100xi32, #tpu.memory_space<vmem>>) target_semaphore(%run_scoped3A_123 : memref<!tpu.dma_semaphore, #tpu.memory_space<semaphore_mem>>)
      %dma_wait3A_130 = arith.constant 0 : i32
      %dma_wait3A_131 = arith.constant 0 : i32
      %dma_wait3A_132 = tpu.memref_slice %arg2[%mul3A_2, %dma_wait3A_130, %dma_wait3A_131] : memref<1024x2x100xi32, #tpu.memory_space<hbm>> -> memref<32x2x100xi32, #tpu.memory_space<hbm>>
      %dma_wait3A_133 = arith.constant 0 : i32
      %dma_wait3A_134 = arith.constant 0 : i32
      %dma_wait3A_135 = tpu.memref_slice %arg2[%mul3A_2, %dma_wait3A_133, %dma_wait3A_134] : memref<1024x2x100xi32, #tpu.memory_space<hbm>> -> memref<32x2x100xi32, #tpu.memory_space<hbm>>
      tpu.wait_dma2 semaphore(%run_scoped3A_123 : memref<!tpu.dma_semaphore, #tpu.memory_space<semaphore_mem>>) src(%dma_wait3A_135 : memref<32x2x100xi32, #tpu.memory_space<hbm>>) dst(%arg10 : memref<32x2x100xi32, #tpu.memory_space<vmem>>)
      tpu.yield
    }) : () -> ()
    "tpu.region"() ({
      %run_scoped3A_123 = tpu.sem_alloc : memref<!tpu.dma_semaphore, #tpu.memory_space<semaphore_mem>>
      %dma_start3A_124 = arith.constant 0 : i32
      %dma_start3A_125 = tpu.memref_slice %arg3[%mul3A_2, %dma_start3A_124] : memref<1024x208xi32, #tpu.memory_space<hbm>> -> memref<32x208xi32, #tpu.memory_space<hbm>>
      %dma_start3A_126 = arith.constant 0 : i32
      %dma_start3A_127 = tpu.memref_slice %arg3[%mul3A_2, %dma_start3A_126] : memref<1024x208xi32, #tpu.memory_space<hbm>> -> memref<32x208xi32, #tpu.memory_space<hbm>>
      tpu.enqueue_dma source(%dma_start3A_127 : memref<32x208xi32, #tpu.memory_space<hbm>>) target(%arg11 : memref<32x208xi32, #tpu.memory_space<vmem>>) target_semaphore(%run_scoped3A_123 : memref<!tpu.dma_semaphore, #tpu.memory_space<semaphore_mem>>)
      %dma_wait3A_128 = arith.constant 0 : i32
      %dma_wait3A_129 = tpu.memref_slice %arg3[%mul3A_2, %dma_wait3A_128] : memref<1024x208xi32, #tpu.memory_space<hbm>> -> memref<32x208xi32, #tpu.memory_space<hbm>>
      %dma_wait3A_130 = arith.constant 0 : i32
      %dma_wait3A_131 = tpu.memref_slice %arg3[%mul3A_2, %dma_wait3A_130] : memref<1024x208xi32, #tpu.memory_space<hbm>> -> memref<32x208xi32, #tpu.memory_space<hbm>>
      tpu.wait_dma2 semaphore(%run_scoped3A_123 : memref<!tpu.dma_semaphore, #tpu.memory_space<semaphore_mem>>) src(%dma_wait3A_131 : memref<32x208xi32, #tpu.memory_space<hbm>>) dst(%arg11 : memref<32x208xi32, #tpu.memory_space<vmem>>)
      tpu.yield
    }) : () -> ()
    "tpu.region"() ({
      %run_scoped3A_123 = tpu.sem_alloc : memref<!tpu.dma_semaphore, #tpu.memory_space<semaphore_mem>>
      tpu.enqueue_dma source(%arg5 : memref<51x128xf32, #tpu.memory_space<hbm>>) target(%arg15 : memref<51x128xf32, #tpu.memory_space<vmem>>) target_semaphore(%run_scoped3A_123 : memref<!tpu.dma_semaphore, #tpu.memory_space<semaphore_mem>>)
      tpu.wait_dma2 semaphore(%run_scoped3A_123 : memref<!tpu.dma_semaphore, #tpu.memory_space<semaphore_mem>>) src(%arg5 : memref<51x128xf32, #tpu.memory_space<hbm>>) dst(%arg15 : memref<51x128xf32, #tpu.memory_space<vmem>>)
      tpu.yield
    }) : () -> ()
    "tpu.region"() ({
      %run_scoped3A_123 = tpu.sem_alloc : memref<!tpu.dma_semaphore, #tpu.memory_space<semaphore_mem>>
      %dma_start3A_124 = arith.constant 0 : i32
      %dma_start3A_125 = arith.constant 0 : i32
      %dma_start3A_126 = tpu.memref_slice %arg6[%dma_start3A_124, %dma_start3A_125] : memref<512x128xf32, #tpu.memory_space<hbm>> -> memref<200x128xf32, #tpu.memory_space<hbm>>
      %dma_start3A_127 = arith.constant 0 : i32
      %dma_start3A_128 = arith.constant 0 : i32
      %dma_start3A_129 = tpu.memref_slice %arg6[%dma_start3A_127, %dma_start3A_128] : memref<512x128xf32, #tpu.memory_space<hbm>> -> memref<200x128xf32, #tpu.memory_space<hbm>>
      tpu.enqueue_dma source(%dma_start3A_129 : memref<200x128xf32, #tpu.memory_space<hbm>>) target(%arg16 : memref<200x128xf32, #tpu.memory_space<vmem>>) target_semaphore(%run_scoped3A_123 : memref<!tpu.dma_semaphore, #tpu.memory_space<semaphore_mem>>)
      %dma_wait3A_130 = arith.constant 0 : i32
      %dma_wait3A_131 = arith.constant 0 : i32
      %dma_wait3A_132 = tpu.memref_slice %arg6[%dma_wait3A_130, %dma_wait3A_131] : memref<512x128xf32, #tpu.memory_space<hbm>> -> memref<200x128xf32, #tpu.memory_space<hbm>>
      %dma_wait3A_133 = arith.constant 0 : i32
      %dma_wait3A_134 = arith.constant 0 : i32
      %dma_wait3A_135 = tpu.memref_slice %arg6[%dma_wait3A_133, %dma_wait3A_134] : memref<512x128xf32, #tpu.memory_space<hbm>> -> memref<200x128xf32, #tpu.memory_space<hbm>>
      tpu.wait_dma2 semaphore(%run_scoped3A_123 : memref<!tpu.dma_semaphore, #tpu.memory_space<semaphore_mem>>) src(%dma_wait3A_135 : memref<200x128xf32, #tpu.memory_space<hbm>>) dst(%arg16 : memref<200x128xf32, #tpu.memory_space<vmem>>)
      tpu.yield
    }) : () -> ()
    %run_scoped3A = arith.constant 0 : i32
    "tpu.region"() ({
      %run_scoped3A_123 = tpu.sem_alloc : memref<!tpu.dma_semaphore, #tpu.memory_space<semaphore_mem>>
      %dma_start3A_124 = arith.constant 0 : i32
      %dma_start3A_125 = tpu.memref_slice %arg17[%run_scoped3A, %dma_start3A_124] : memref<2x128xf32, #tpu.memory_space<vmem>> -> memref<1x128xf32, #tpu.memory_space<vmem>>
      %dma_start3A_126 = tpu.memref_squeeze %dma_start3A_125 : memref<1x128xf32, #tpu.memory_space<vmem>> -> memref<128xf32, #tpu.memory_space<vmem>>
      %dma_start3A_127 = arith.constant 0 : i32
      %dma_start3A_128 = tpu.memref_slice %arg17[%run_scoped3A, %dma_start3A_127] : memref<2x128xf32, #tpu.memory_space<vmem>> -> memref<1x128xf32, #tpu.memory_space<vmem>>
      %dma_start3A_129 = tpu.memref_squeeze %dma_start3A_128 : memref<1x128xf32, #tpu.memory_space<vmem>> -> memref<128xf32, #tpu.memory_space<vmem>>
      tpu.enqueue_dma source(%arg7 : memref<128xf32, #tpu.memory_space<hbm>>) target(%dma_start3A_129 : memref<128xf32, #tpu.memory_space<vmem>>) target_semaphore(%run_scoped3A_123 : memref<!tpu.dma_semaphore, #tpu.memory_space<semaphore_mem>>)
      %dma_wait3A_130 = arith.constant 0 : i32
      %dma_wait3A_131 = tpu.memref_slice %arg17[%run_scoped3A, %dma_wait3A_130] : memref<2x128xf32, #tpu.memory_space<vmem>> -> memref<1x128xf32, #tpu.memory_space<vmem>>
      %dma_wait3A_132 = tpu.memref_squeeze %dma_wait3A_131 : memref<1x128xf32, #tpu.memory_space<vmem>> -> memref<128xf32, #tpu.memory_space<vmem>>
      %dma_wait3A_133 = arith.constant 0 : i32
      %dma_wait3A_134 = tpu.memref_slice %arg17[%run_scoped3A, %dma_wait3A_133] : memref<2x128xf32, #tpu.memory_space<vmem>> -> memref<1x128xf32, #tpu.memory_space<vmem>>
      %dma_wait3A_135 = tpu.memref_squeeze %dma_wait3A_134 : memref<1x128xf32, #tpu.memory_space<vmem>> -> memref<128xf32, #tpu.memory_space<vmem>>
      tpu.wait_dma2 semaphore(%run_scoped3A_123 : memref<!tpu.dma_semaphore, #tpu.memory_space<semaphore_mem>>) src(%arg7 : memref<128xf32, #tpu.memory_space<hbm>>) dst(%dma_wait3A_135 : memref<128xf32, #tpu.memory_space<vmem>>)
      tpu.yield
    }) : () -> ()
    %run_scoped3A_3 = arith.constant 1 : i32
    "tpu.region"() ({
      %run_scoped3A_123 = tpu.sem_alloc : memref<!tpu.dma_semaphore, #tpu.memory_space<semaphore_mem>>
      %dma_start3A_124 = arith.constant 0 : i32
      %dma_start3A_125 = tpu.memref_slice %arg17[%run_scoped3A_3, %dma_start3A_124] : memref<2x128xf32, #tpu.memory_space<vmem>> -> memref<1x128xf32, #tpu.memory_space<vmem>>
      %dma_start3A_126 = tpu.memref_squeeze %dma_start3A_125 : memref<1x128xf32, #tpu.memory_space<vmem>> -> memref<128xf32, #tpu.memory_space<vmem>>
      %dma_start3A_127 = arith.constant 0 : i32
      %dma_start3A_128 = tpu.memref_slice %arg17[%run_scoped3A_3, %dma_start3A_127] : memref<2x128xf32, #tpu.memory_space<vmem>> -> memref<1x128xf32, #tpu.memory_space<vmem>>
      %dma_start3A_129 = tpu.memref_squeeze %dma_start3A_128 : memref<1x128xf32, #tpu.memory_space<vmem>> -> memref<128xf32, #tpu.memory_space<vmem>>
      tpu.enqueue_dma source(%arg8 : memref<128xf32, #tpu.memory_space<hbm>>) target(%dma_start3A_129 : memref<128xf32, #tpu.memory_space<vmem>>) target_semaphore(%run_scoped3A_123 : memref<!tpu.dma_semaphore, #tpu.memory_space<semaphore_mem>>)
      %dma_wait3A_130 = arith.constant 0 : i32
      %dma_wait3A_131 = tpu.memref_slice %arg17[%run_scoped3A_3, %dma_wait3A_130] : memref<2x128xf32, #tpu.memory_space<vmem>> -> memref<1x128xf32, #tpu.memory_space<vmem>>
      %dma_wait3A_132 = tpu.memref_squeeze %dma_wait3A_131 : memref<1x128xf32, #tpu.memory_space<vmem>> -> memref<128xf32, #tpu.memory_space<vmem>>
      %dma_wait3A_133 = arith.constant 0 : i32
      %dma_wait3A_134 = tpu.memref_slice %arg17[%run_scoped3A_3, %dma_wait3A_133] : memref<2x128xf32, #tpu.memory_space<vmem>> -> memref<1x128xf32, #tpu.memory_space<vmem>>
      %dma_wait3A_135 = tpu.memref_squeeze %dma_wait3A_134 : memref<1x128xf32, #tpu.memory_space<vmem>> -> memref<128xf32, #tpu.memory_space<vmem>>
      tpu.wait_dma2 semaphore(%run_scoped3A_123 : memref<!tpu.dma_semaphore, #tpu.memory_space<semaphore_mem>>) src(%arg8 : memref<128xf32, #tpu.memory_space<hbm>>) dst(%dma_wait3A_135 : memref<128xf32, #tpu.memory_space<vmem>>)
      tpu.yield
    }) : () -> ()
    %get3A = arith.constant 0 : i32
    %get3A_4 = arith.index_cast %get3A : i32 to index
    %get3A_5 = arith.constant 0 : index
    %get3A_6 = tpu.vector_load %arg17[%get3A_4, %get3A_5] {strides = array<i32>} : memref<2x128xf32, #tpu.memory_space<vmem>>, vector<16xf32>,
    %get3A_7 = arith.constant 0 : i32
    %get3A_8 = arith.index_cast %get3A_7 : i32 to index
    %get3A_9 = arith.constant 16 : index
    %get3A_10 = tpu.vector_load %arg17[%get3A_8, %get3A_9] {strides = array<i32>} : memref<2x128xf32, #tpu.memory_space<vmem>>, vector<16xf32>,
    %get3A_11 = arith.constant 0 : i32
    %get3A_12 = arith.index_cast %get3A_11 : i32 to index
    %get3A_13 = arith.constant 32 : index
    %get3A_14 = tpu.vector_load %arg17[%get3A_12, %get3A_13] {strides = array<i32>} : memref<2x128xf32, #tpu.memory_space<vmem>>, vector<16xf32>,
    %get3A_15 = arith.constant 0 : i32
    %get3A_16 = arith.index_cast %get3A_15 : i32 to index
    %get3A_17 = arith.constant 48 : index
    %get3A_18 = tpu.vector_load %arg17[%get3A_16, %get3A_17] {strides = array<i32>} : memref<2x128xf32, #tpu.memory_space<vmem>>, vector<16xf32>,
    %get3A_19 = arith.constant 0 : i32
    %get3A_20 = arith.index_cast %get3A_19 : i32 to index
    %get3A_21 = arith.constant 64 : index
    %get3A_22 = tpu.vector_load %arg17[%get3A_20, %get3A_21] {strides = array<i32>} : memref<2x128xf32, #tpu.memory_space<vmem>>, vector<16xf32>,
    %get3A_23 = arith.constant 0 : i32
    %get3A_24 = arith.index_cast %get3A_23 : i32 to index
    %get3A_25 = arith.constant 80 : index
    %get3A_26 = tpu.vector_load %arg17[%get3A_24, %get3A_25] {strides = array<i32>} : memref<2x128xf32, #tpu.memory_space<vmem>>, vector<16xf32>,
    %get3A_27 = arith.constant 0 : i32
    %get3A_28 = arith.index_cast %get3A_27 : i32 to index
    %get3A_29 = arith.constant 96 : index
    %get3A_30 = tpu.vector_load %arg17[%get3A_28, %get3A_29] {strides = array<i32>} : memref<2x128xf32, #tpu.memory_space<vmem>>, vector<16xf32>,
    %get3A_31 = arith.constant 0 : i32
    %get3A_32 = arith.index_cast %get3A_31 : i32 to index
    %get3A_33 = arith.constant 112 : index
    %get3A_34 = tpu.vector_load %arg17[%get3A_32, %get3A_33] {strides = array<i32>} : memref<2x128xf32, #tpu.memory_space<vmem>>, vector<16xf32>,
    %get3A_35 = arith.constant 1 : i32
    %get3A_36 = arith.index_cast %get3A_35 : i32 to index
    %get3A_37 = arith.constant 0 : index
    %get3A_38 = tpu.vector_load %arg17[%get3A_36, %get3A_37] {strides = array<i32>} : memref<2x128xf32, #tpu.memory_space<vmem>>, vector<16xf32>,
    %get3A_39 = arith.constant 1 : i32
    %get3A_40 = arith.index_cast %get3A_39 : i32 to index
    %get3A_41 = arith.constant 16 : index
    %get3A_42 = tpu.vector_load %arg17[%get3A_40, %get3A_41] {strides = array<i32>} : memref<2x128xf32, #tpu.memory_space<vmem>>, vector<16xf32>,
    %get3A_43 = arith.constant 1 : i32
    %get3A_44 = arith.index_cast %get3A_43 : i32 to index
    %get3A_45 = arith.constant 32 : index
    %get3A_46 = tpu.vector_load %arg17[%get3A_44, %get3A_45] {strides = array<i32>} : memref<2x128xf32, #tpu.memory_space<vmem>>, vector<16xf32>,
    %get3A_47 = arith.constant 1 : i32
    %get3A_48 = arith.index_cast %get3A_47 : i32 to index
    %get3A_49 = arith.constant 48 : index
    %get3A_50 = tpu.vector_load %arg17[%get3A_48, %get3A_49] {strides = array<i32>} : memref<2x128xf32, #tpu.memory_space<vmem>>, vector<16xf32>,
    %get3A_51 = arith.constant 1 : i32
    %get3A_52 = arith.index_cast %get3A_51 : i32 to index
    %get3A_53 = arith.constant 64 : index
    %get3A_54 = tpu.vector_load %arg17[%get3A_52, %get3A_53] {strides = array<i32>} : memref<2x128xf32, #tpu.memory_space<vmem>>, vector<16xf32>,
    %get3A_55 = arith.constant 1 : i32
    %get3A_56 = arith.index_cast %get3A_55 : i32 to index
    %get3A_57 = arith.constant 80 : index
    %get3A_58 = tpu.vector_load %arg17[%get3A_56, %get3A_57] {strides = array<i32>} : memref<2x128xf32, #tpu.memory_space<vmem>>, vector<16xf32>,
    %get3A_59 = arith.constant 1 : i32
    %get3A_60 = arith.index_cast %get3A_59 : i32 to index
    %get3A_61 = arith.constant 96 : index
    %get3A_62 = tpu.vector_load %arg17[%get3A_60, %get3A_61] {strides = array<i32>} : memref<2x128xf32, #tpu.memory_space<vmem>>, vector<16xf32>,
    %get3A_63 = arith.constant 1 : i32
    %get3A_64 = arith.index_cast %get3A_63 : i32 to index
    %get3A_65 = arith.constant 112 : index
    %get3A_66 = tpu.vector_load %arg17[%get3A_64, %get3A_65] {strides = array<i32>} : memref<2x128xf32, #tpu.memory_space<vmem>>, vector<16xf32>,
    %dma_start3A = arith.constant 0 : i32
    %dma_start3A_67 = arith.constant 0 : i32
    %dma_start3A_68 = arith.constant 0 : i32
    %dma_start3A_69 = arith.constant 0 : i32
    %dma_start3A_70 = tpu.memref_slice %arg12[%dma_start3A_68, %dma_start3A_69] : memref<200x128xf32, #tpu.memory_space<vmem>> -> memref<100x128xf32, #tpu.memory_space<vmem>>
    %dma_start3A_71 = arith.constant 0 : i32
    %dma_start3A_72 = tpu.memref_slice %arg10[%dma_start3A, %dma_start3A_67, %dma_start3A_71] : memref<32x2x100xi32, #tpu.memory_space<vmem>> -> memref<1x1x100xi32, #tpu.memory_space<vmem>>
    %dma_start3A_73 = tpu.memref_squeeze %dma_start3A_72 : memref<1x1x100xi32, #tpu.memory_space<vmem>> -> memref<100xi32, #tpu.memory_space<vmem>>
    %dma_start3A_74 = arith.constant 0 : i32
    %dma_start3A_75 = arith.constant 0 : i32
    %dma_start3A_76 = tpu.memref_slice %arg4[%dma_start3A_74, %dma_start3A_75] : memref<100000x128xf32, #tpu.memory_space<hbm>> -> memref<100000x128xf32, #tpu.memory_space<hbm>>
    tpu.enqueue_indirect_dma source(%dma_start3A_76 : memref<100000x128xf32, #tpu.memory_space<hbm>>) target(%dma_start3A_70 : memref<100x128xf32, #tpu.memory_space<vmem>>) offsets(%dma_start3A_73 : memref<100xi32, #tpu.memory_space<vmem>>) semaphore(%arg18 : memref<!tpu.dma_semaphore, #tpu.memory_space<semaphore_mem>>)
    %dma_start3A_77 = arith.constant 0 : i32
    %dma_start3A_78 = arith.constant 1 : i32
    %dma_start3A_79 = arith.constant 100 : i32
    %dma_start3A_80 = arith.constant 0 : i32
    %dma_start3A_81 = tpu.memref_slice %arg12[%dma_start3A_79, %dma_start3A_80] : memref<200x128xf32, #tpu.memory_space<vmem>> -> memref<100x128xf32, #tpu.memory_space<vmem>>
    %dma_start3A_82 = arith.constant 0 : i32
    %dma_start3A_83 = tpu.memref_slice %arg10[%dma_start3A_77, %dma_start3A_78, %dma_start3A_82] : memref<32x2x100xi32, #tpu.memory_space<vmem>> -> memref<1x1x100xi32, #tpu.memory_space<vmem>>
    %dma_start3A_84 = tpu.memref_squeeze %dma_start3A_83 : memref<1x1x100xi32, #tpu.memory_space<vmem>> -> memref<100xi32, #tpu.memory_space<vmem>>
    %dma_start3A_85 = arith.constant 0 : i32
    %dma_start3A_86 = arith.constant 0 : i32
    %dma_start3A_87 = tpu.memref_slice %arg4[%dma_start3A_85, %dma_start3A_86] : memref<100000x128xf32, #tpu.memory_space<hbm>> -> memref<100000x128xf32, #tpu.memory_space<hbm>>
    tpu.enqueue_indirect_dma source(%dma_start3A_87 : memref<100000x128xf32, #tpu.memory_space<hbm>>) target(%dma_start3A_81 : memref<100x128xf32, #tpu.memory_space<vmem>>) offsets(%dma_start3A_84 : memref<100xi32, #tpu.memory_space<vmem>>) semaphore(%arg18 : memref<!tpu.dma_semaphore, #tpu.memory_space<semaphore_mem>>)
    %scan3A = arith.constant 0 : i32
    %scan3A_88 = arith.constant 7.812500e-03 : f32
    %scan3A_89 = arith.constant 0 : i32
    %scan3A_90 = arith.constant 11 : i32
    %scan3A_91 = arith.addi %scan3A_89, %scan3A_90 : i32
    %scan3A_92 = arith.constant 1 : i32
    scf.for %scan3A_123 = %scan3A_89 to %scan3A_91 step %scan3A_92  : i32 {
      %mul3A_124 = arith.constant 3 : i32
      %mul3A_125 = arith.muli %mul3A_124, %scan3A_123 : i32
      %add3A_126 = arith.constant 0 : i32
      %add3A_127 = arith.addi %mul3A_125, %add3A_126 : i32
      %lt3A = arith.constant 32 : i32
      %lt3A_128 = arith.cmpi slt, %add3A_127, %lt3A : i32
      %convert_element_type3A = arith.extui %lt3A_128 : i1 to i32
      %cond3A = arith.constant 0 : i32
      %cond3A_129 = arith.cmpi ne, %convert_element_type3A, %cond3A : i32
      scf.if %cond3A_129 {
        %dma_wait3A_148 = arith.constant 0 : i32
        %dma_wait3A_149 = arith.constant 0 : i32
        %dma_wait3A_150 = arith.constant 0 : i32
        %dma_wait3A_151 = tpu.memref_slice %arg12[%dma_wait3A_149, %dma_wait3A_150] : memref<200x128xf32, #tpu.memory_space<vmem>> -> memref<100x128xf32, #tpu.memory_space<vmem>>
        %dma_wait3A_152 = arith.constant 0 : i32
        %dma_wait3A_153 = tpu.memref_slice %arg10[%add3A_127, %dma_wait3A_148, %dma_wait3A_152] : memref<32x2x100xi32, #tpu.memory_space<vmem>> -> memref<1x1x100xi32, #tpu.memory_space<vmem>>
        %dma_wait3A_154 = tpu.memref_squeeze %dma_wait3A_153 : memref<1x1x100xi32, #tpu.memory_space<vmem>> -> memref<100xi32, #tpu.memory_space<vmem>>
        %dma_wait3A_155 = arith.constant 0 : i32
        %dma_wait3A_156 = arith.constant 0 : i32
        %dma_wait3A_157 = tpu.memref_slice %arg4[%dma_wait3A_155, %dma_wait3A_156] : memref<100000x128xf32, #tpu.memory_space<hbm>> -> memref<100000x128xf32, #tpu.memory_space<hbm>>
        tpu.wait_indirect_dma semaphore(%arg18 : memref<!tpu.dma_semaphore, #tpu.memory_space<semaphore_mem>>) src(%dma_wait3A_157 : memref<100000x128xf32, #tpu.memory_space<hbm>>) dst(%dma_wait3A_151 : memref<100x128xf32, #tpu.memory_space<vmem>>)
        %dma_wait3A_158 = arith.constant 1 : i32
        %dma_wait3A_159 = arith.constant 100 : i32
        %dma_wait3A_160 = arith.constant 0 : i32
        %dma_wait3A_161 = tpu.memref_slice %arg12[%dma_wait3A_159, %dma_wait3A_160] : memref<200x128xf32, #tpu.memory_space<vmem>> -> memref<100x128xf32, #tpu.memory_space<vmem>>
        %dma_wait3A_162 = arith.constant 0 : i32
        %dma_wait3A_163 = tpu.memref_slice %arg10[%add3A_127, %dma_wait3A_158, %dma_wait3A_162] : memref<32x2x100xi32, #tpu.memory_space<vmem>> -> memref<1x1x100xi32, #tpu.memory_space<vmem>>
        %dma_wait3A_164 = tpu.memref_squeeze %dma_wait3A_163 : memref<1x1x100xi32, #tpu.memory_space<vmem>> -> memref<100xi32, #tpu.memory_space<vmem>>
        %dma_wait3A_165 = arith.constant 0 : i32
        %dma_wait3A_166 = arith.constant 0 : i32
        %dma_wait3A_167 = tpu.memref_slice %arg4[%dma_wait3A_165, %dma_wait3A_166] : memref<100000x128xf32, #tpu.memory_space<hbm>> -> memref<100000x128xf32, #tpu.memory_space<hbm>>
        tpu.wait_indirect_dma semaphore(%arg18 : memref<!tpu.dma_semaphore, #tpu.memory_space<semaphore_mem>>) src(%dma_wait3A_167 : memref<100000x128xf32, #tpu.memory_space<hbm>>) dst(%dma_wait3A_161 : memref<100x128xf32, #tpu.memory_space<vmem>>)
        %ge3A = arith.constant 2 : i32
        %ge3A_168 = arith.cmpi sge, %add3A_127, %ge3A : i32
        %add3A_169 = arith.constant 1 : i32
        %add3A_170 = arith.addi %add3A_127, %add3A_169 : i32
        %lt3A_171 = arith.constant 32 : i32
        %lt3A_172 = arith.cmpi slt, %add3A_170, %lt3A_171 : i32
        %and3A = arith.andi %ge3A_168, %lt3A_172 : i1
        %convert_element_type3A_173 = arith.extui %and3A : i1 to i32
        %cond3A_174 = arith.constant 0 : i32
        %cond3A_175 = arith.cmpi ne, %convert_element_type3A_173, %cond3A_174 : i32
        scf.if %cond3A_175 {
          %sub3A = arith.constant 2 : i32
          %sub3A_194 = arith.subi %add3A_127, %sub3A : i32
          %add3A_195 = arith.addi %mul3A_2, %sub3A_194 : i32
          %dma_wait3A_196 = arith.constant 0 : i32
          %dma_wait3A_197 = arith.constant 0 : i32
          %dma_wait3A_198 = tpu.memref_slice %arg9[%add3A_195, %dma_wait3A_196, %dma_wait3A_197] : memref<1024x200x128xf32, #tpu.memory_space<hbm>> -> memref<1x200x128xf32, #tpu.memory_space<hbm>>
          %dma_wait3A_199 = tpu.memref_squeeze %dma_wait3A_198 : memref<1x200x128xf32, #tpu.memory_space<hbm>> -> memref<200x128xf32, #tpu.memory_space<hbm>>
          %dma_wait3A_200 = arith.constant 0 : i32
          %dma_wait3A_201 = arith.constant 0 : i32
          %dma_wait3A_202 = tpu.memref_slice %arg9[%add3A_195, %dma_wait3A_200, %dma_wait3A_201] : memref<1024x200x128xf32, #tpu.memory_space<hbm>> -> memref<1x200x128xf32, #tpu.memory_space<hbm>>
          %dma_wait3A_203 = tpu.memref_squeeze %dma_wait3A_202 : memref<1x200x128xf32, #tpu.memory_space<hbm>> -> memref<200x128xf32, #tpu.memory_space<hbm>>
          tpu.wait_dma2 semaphore(%arg22 : memref<!tpu.dma_semaphore, #tpu.memory_space<semaphore_mem>>) src(%arg13 : memref<200x128xf32, #tpu.memory_space<vmem>>) dst(%dma_wait3A_203 : memref<200x128xf32, #tpu.memory_space<hbm>>)
        } else {
        }
        %add3A_176 = arith.constant 1 : i32
        %add3A_177 = arith.addi %add3A_127, %add3A_176 : i32
        %lt3A_178 = arith.constant 32 : i32
        %lt3A_179 = arith.cmpi slt, %add3A_177, %lt3A_178 : i32
        %convert_element_type3A_180 = arith.extui %lt3A_179 : i1 to i32
        %cond3A_181 = arith.constant 0 : i32
        %cond3A_182 = arith.cmpi ne, %convert_element_type3A_180, %cond3A_181 : i32
        scf.if %cond3A_182 {
          %add3A_194 = arith.constant 1 : i32
          %add3A_195 = arith.addi %add3A_127, %add3A_194 : i32
          %dma_start3A_196 = arith.constant 0 : i32
          %dma_start3A_197 = arith.constant 0 : i32
          %dma_start3A_198 = arith.constant 0 : i32
          %dma_start3A_199 = tpu.memref_slice %arg13[%dma_start3A_197, %dma_start3A_198] : memref<200x128xf32, #tpu.memory_space<vmem>> -> memref<100x128xf32, #tpu.memory_space<vmem>>
          %dma_start3A_200 = arith.constant 0 : i32
          %dma_start3A_201 = tpu.memref_slice %arg10[%add3A_195, %dma_start3A_196, %dma_start3A_200] : memref<32x2x100xi32, #tpu.memory_space<vmem>> -> memref<1x1x100xi32, #tpu.memory_space<vmem>>
          %dma_start3A_202 = tpu.memref_squeeze %dma_start3A_201 : memref<1x1x100xi32, #tpu.memory_space<vmem>> -> memref<100xi32, #tpu.memory_space<vmem>>
          %dma_start3A_203 = arith.constant 0 : i32
          %dma_start3A_204 = arith.constant 0 : i32
          %dma_start3A_205 = tpu.memref_slice %arg4[%dma_start3A_203, %dma_start3A_204] : memref<100000x128xf32, #tpu.memory_space<hbm>> -> memref<100000x128xf32, #tpu.memory_space<hbm>>
          tpu.enqueue_indirect_dma source(%dma_start3A_205 : memref<100000x128xf32, #tpu.memory_space<hbm>>) target(%dma_start3A_199 : memref<100x128xf32, #tpu.memory_space<vmem>>) offsets(%dma_start3A_202 : memref<100xi32, #tpu.memory_space<vmem>>) semaphore(%arg19 : memref<!tpu.dma_semaphore, #tpu.memory_space<semaphore_mem>>)
          %dma_start3A_206 = arith.constant 1 : i32
          %dma_start3A_207 = arith.constant 100 : i32
          %dma_start3A_208 = arith.constant 0 : i32
          %dma_start3A_209 = tpu.memref_slice %arg13[%dma_start3A_207, %dma_start3A_208] : memref<200x128xf32, #tpu.memory_space<vmem>> -> memref<100x128xf32, #tpu.memory_space<vmem>>
          %dma_start3A_210 = arith.constant 0 : i32
          %dma_start3A_211 = tpu.memref_slice %arg10[%add3A_195, %dma_start3A_206, %dma_start3A_210] : memref<32x2x100xi32, #tpu.memory_space<vmem>> -> memref<1x1x100xi32, #tpu.memory_space<vmem>>
          %dma_start3A_212 = tpu.memref_squeeze %dma_start3A_211 : memref<1x1x100xi32, #tpu.memory_space<vmem>> -> memref<100xi32, #tpu.memory_space<vmem>>
          %dma_start3A_213 = arith.constant 0 : i32
          %dma_start3A_214 = arith.constant 0 : i32
          %dma_start3A_215 = tpu.memref_slice %arg4[%dma_start3A_213, %dma_start3A_214] : memref<100000x128xf32, #tpu.memory_space<hbm>> -> memref<100000x128xf32, #tpu.memory_space<hbm>>
          tpu.enqueue_indirect_dma source(%dma_start3A_215 : memref<100000x128xf32, #tpu.memory_space<hbm>>) target(%dma_start3A_209 : memref<100x128xf32, #tpu.memory_space<vmem>>) offsets(%dma_start3A_212 : memref<100xi32, #tpu.memory_space<vmem>>) semaphore(%arg19 : memref<!tpu.dma_semaphore, #tpu.memory_space<semaphore_mem>>)
        } else {
        }
        %broadcast_in_dim3A = vector.broadcast %add3A_127 : i32 to vector<16xi32>
        %parallel_loop3A = arith.constant 0 : i32
        %parallel_loop3A_183 = arith.constant 200 : i32
        %parallel_loop3A_184 = arith.constant 1 : i32
        scf.for %parallel_loop3A_194 = %parallel_loop3A to %parallel_loop3A_183 step %parallel_loop3A_184  : i32 {
          %parallel_loop3A_195 = vector.broadcast %parallel_loop3A_194 : i32 to vector<16xi32>
          %parallel_loop3A_196 = tpu.vector_load_idx %arg11[%broadcast_in_dim3A, %parallel_loop3A_195] : memref<32x208xi32, #tpu.memory_space<vmem>>[vector<16xi32>, vector<16xi32>], vector<16xi32>,
          %parallel_loop3A_197 = vector.extract_strided_slice %parallel_loop3A_196 {offsets = [0], sizes = [1], strides = [1]} : vector<16xi32> to vector<1xi32>
          %parallel_loop3A_198 = vector.extract %parallel_loop3A_197[0] : i32 from vector<1xi32>
          %parallel_loop3A_199 = arith.index_cast %parallel_loop3A_198 : i32 to index
          %parallel_loop3A_200 = arith.constant 0 : index
          %parallel_loop3A_201 = tpu.vector_load %arg15[%parallel_loop3A_199, %parallel_loop3A_200] {strides = array<i32>} : memref<51x128xf32, #tpu.memory_space<vmem>>, vector<16xf32>,
          %parallel_loop3A_202 = arith.index_cast %parallel_loop3A_194 : i32 to index
          %parallel_loop3A_203 = arith.constant 0 : index
          %parallel_loop3A_204 = tpu.vector_load %arg12[%parallel_loop3A_202, %parallel_loop3A_203] {strides = array<i32>} : memref<200x128xf32, #tpu.memory_space<vmem>>, vector<16xf32>,
          %parallel_loop3A_205 = arith.index_cast %parallel_loop3A_194 : i32 to index
          %parallel_loop3A_206 = arith.constant 0 : index
          %parallel_loop3A_207 = tpu.vector_load %arg16[%parallel_loop3A_205, %parallel_loop3A_206] {strides = array<i32>} : memref<200x128xf32, #tpu.memory_space<vmem>>, vector<16xf32>,
          %parallel_loop3A_208 = arith.addf %parallel_loop3A_204, %parallel_loop3A_201 : vector<16xf32>
          %parallel_loop3A_209 = arith.addf %parallel_loop3A_208, %parallel_loop3A_207 : vector<16xf32>
          %parallel_loop3A_210 = arith.mulf %parallel_loop3A_209, %parallel_loop3A_209 : vector<16xf32>
          %parallel_loop3A_211 = arith.index_cast %parallel_loop3A_198 : i32 to index
          %parallel_loop3A_212 = arith.constant 16 : index
          %parallel_loop3A_213 = tpu.vector_load %arg15[%parallel_loop3A_211, %parallel_loop3A_212] {strides = array<i32>} : memref<51x128xf32, #tpu.memory_space<vmem>>, vector<16xf32>,
          %parallel_loop3A_214 = arith.index_cast %parallel_loop3A_194 : i32 to index
          %parallel_loop3A_215 = arith.constant 16 : index
          %parallel_loop3A_216 = tpu.vector_load %arg12[%parallel_loop3A_214, %parallel_loop3A_215] {strides = array<i32>} : memref<200x128xf32, #tpu.memory_space<vmem>>, vector<16xf32>,
          %parallel_loop3A_217 = arith.index_cast %parallel_loop3A_194 : i32 to index
          %parallel_loop3A_218 = arith.constant 16 : index
          %parallel_loop3A_219 = tpu.vector_load %arg16[%parallel_loop3A_217, %parallel_loop3A_218] {strides = array<i32>} : memref<200x128xf32, #tpu.memory_space<vmem>>, vector<16xf32>,
          %parallel_loop3A_220 = arith.addf %parallel_loop3A_216, %parallel_loop3A_213 : vector<16xf32>
          %parallel_loop3A_221 = arith.addf %parallel_loop3A_220, %parallel_loop3A_219 : vector<16xf32>
          %parallel_loop3A_222 = arith.addf %parallel_loop3A_209, %parallel_loop3A_221 : vector<16xf32>
          %parallel_loop3A_223 = arith.mulf %parallel_loop3A_221, %parallel_loop3A_221 : vector<16xf32>
          %parallel_loop3A_224 = arith.addf %parallel_loop3A_210, %parallel_loop3A_223 : vector<16xf32>
          %parallel_loop3A_225 = arith.index_cast %parallel_loop3A_198 : i32 to index
          %parallel_loop3A_226 = arith.constant 32 : index
          %parallel_loop3A_227 = tpu.vector_load %arg15[%parallel_loop3A_225, %parallel_loop3A_226] {strides = array<i32>} : memref<51x128xf32, #tpu.memory_space<vmem>>, vector<16xf32>,
          %parallel_loop3A_228 = arith.index_cast %parallel_loop3A_194 : i32 to index
          %parallel_loop3A_229 = arith.constant 32 : index
          %parallel_loop3A_230 = tpu.vector_load %arg12[%parallel_loop3A_228, %parallel_loop3A_229] {strides = array<i32>} : memref<200x128xf32, #tpu.memory_space<vmem>>, vector<16xf32>,
          %parallel_loop3A_231 = arith.index_cast %parallel_loop3A_194 : i32 to index
          %parallel_loop3A_232 = arith.constant 32 : index
          %parallel_loop3A_233 = tpu.vector_load %arg16[%parallel_loop3A_231, %parallel_loop3A_232] {strides = array<i32>} : memref<200x128xf32, #tpu.memory_space<vmem>>, vector<16xf32>,
          %parallel_loop3A_234 = arith.addf %parallel_loop3A_230, %parallel_loop3A_227 : vector<16xf32>
          %parallel_loop3A_235 = arith.addf %parallel_loop3A_234, %parallel_loop3A_233 : vector<16xf32>
          %parallel_loop3A_236 = arith.addf %parallel_loop3A_222, %parallel_loop3A_235 : vector<16xf32>
          %parallel_loop3A_237 = arith.mulf %parallel_loop3A_235, %parallel_loop3A_235 : vector<16xf32>
          %parallel_loop3A_238 = arith.addf %parallel_loop3A_224, %parallel_loop3A_237 : vector<16xf32>
          %parallel_loop3A_239 = arith.index_cast %parallel_loop3A_198 : i32 to index
          %parallel_loop3A_240 = arith.constant 48 : index
          %parallel_loop3A_241 = tpu.vector_load %arg15[%parallel_loop3A_239, %parallel_loop3A_240] {strides = array<i32>} : memref<51x128xf32, #tpu.memory_space<vmem>>, vector<16xf32>,
          %parallel_loop3A_242 = arith.index_cast %parallel_loop3A_194 : i32 to index
          %parallel_loop3A_243 = arith.constant 48 : index
          %parallel_loop3A_244 = tpu.vector_load %arg12[%parallel_loop3A_242, %parallel_loop3A_243] {strides = array<i32>} : memref<200x128xf32, #tpu.memory_space<vmem>>, vector<16xf32>,
          %parallel_loop3A_245 = arith.index_cast %parallel_loop3A_194 : i32 to index
          %parallel_loop3A_246 = arith.constant 48 : index
          %parallel_loop3A_247 = tpu.vector_load %arg16[%parallel_loop3A_245, %parallel_loop3A_246] {strides = array<i32>} : memref<200x128xf32, #tpu.memory_space<vmem>>, vector<16xf32>,
          %parallel_loop3A_248 = arith.addf %parallel_loop3A_244, %parallel_loop3A_241 : vector<16xf32>
          %parallel_loop3A_249 = arith.addf %parallel_loop3A_248, %parallel_loop3A_247 : vector<16xf32>
          %parallel_loop3A_250 = arith.addf %parallel_loop3A_236, %parallel_loop3A_249 : vector<16xf32>
          %parallel_loop3A_251 = arith.mulf %parallel_loop3A_249, %parallel_loop3A_249 : vector<16xf32>
          %parallel_loop3A_252 = arith.addf %parallel_loop3A_238, %parallel_loop3A_251 : vector<16xf32>
          %parallel_loop3A_253 = arith.index_cast %parallel_loop3A_198 : i32 to index
          %parallel_loop3A_254 = arith.constant 64 : index
          %parallel_loop3A_255 = tpu.vector_load %arg15[%parallel_loop3A_253, %parallel_loop3A_254] {strides = array<i32>} : memref<51x128xf32, #tpu.memory_space<vmem>>, vector<16xf32>,
          %parallel_loop3A_256 = arith.index_cast %parallel_loop3A_194 : i32 to index
          %parallel_loop3A_257 = arith.constant 64 : index
          %parallel_loop3A_258 = tpu.vector_load %arg12[%parallel_loop3A_256, %parallel_loop3A_257] {strides = array<i32>} : memref<200x128xf32, #tpu.memory_space<vmem>>, vector<16xf32>,
          %parallel_loop3A_259 = arith.index_cast %parallel_loop3A_194 : i32 to index
          %parallel_loop3A_260 = arith.constant 64 : index
          %parallel_loop3A_261 = tpu.vector_load %arg16[%parallel_loop3A_259, %parallel_loop3A_260] {strides = array<i32>} : memref<200x128xf32, #tpu.memory_space<vmem>>, vector<16xf32>,
          %parallel_loop3A_262 = arith.addf %parallel_loop3A_258, %parallel_loop3A_255 : vector<16xf32>
          %parallel_loop3A_263 = arith.addf %parallel_loop3A_262, %parallel_loop3A_261 : vector<16xf32>
          %parallel_loop3A_264 = arith.addf %parallel_loop3A_250, %parallel_loop3A_263 : vector<16xf32>
          %parallel_loop3A_265 = arith.mulf %parallel_loop3A_263, %parallel_loop3A_263 : vector<16xf32>
          %parallel_loop3A_266 = arith.addf %parallel_loop3A_252, %parallel_loop3A_265 : vector<16xf32>
          %parallel_loop3A_267 = arith.index_cast %parallel_loop3A_198 : i32 to index
          %parallel_loop3A_268 = arith.constant 80 : index
          %parallel_loop3A_269 = tpu.vector_load %arg15[%parallel_loop3A_267, %parallel_loop3A_268] {strides = array<i32>} : memref<51x128xf32, #tpu.memory_space<vmem>>, vector<16xf32>,
          %parallel_loop3A_270 = arith.index_cast %parallel_loop3A_194 : i32 to index
          %parallel_loop3A_271 = arith.constant 80 : index
          %parallel_loop3A_272 = tpu.vector_load %arg12[%parallel_loop3A_270, %parallel_loop3A_271] {strides = array<i32>} : memref<200x128xf32, #tpu.memory_space<vmem>>, vector<16xf32>,
          %parallel_loop3A_273 = arith.index_cast %parallel_loop3A_194 : i32 to index
          %parallel_loop3A_274 = arith.constant 80 : index
          %parallel_loop3A_275 = tpu.vector_load %arg16[%parallel_loop3A_273, %parallel_loop3A_274] {strides = array<i32>} : memref<200x128xf32, #tpu.memory_space<vmem>>, vector<16xf32>,
          %parallel_loop3A_276 = arith.addf %parallel_loop3A_272, %parallel_loop3A_269 : vector<16xf32>
          %parallel_loop3A_277 = arith.addf %parallel_loop3A_276, %parallel_loop3A_275 : vector<16xf32>
          %parallel_loop3A_278 = arith.addf %parallel_loop3A_264, %parallel_loop3A_277 : vector<16xf32>
          %parallel_loop3A_279 = arith.mulf %parallel_loop3A_277, %parallel_loop3A_277 : vector<16xf32>
          %parallel_loop3A_280 = arith.addf %parallel_loop3A_266, %parallel_loop3A_279 : vector<16xf32>
          %parallel_loop3A_281 = arith.index_cast %parallel_loop3A_198 : i32 to index
          %parallel_loop3A_282 = arith.constant 96 : index
          %parallel_loop3A_283 = tpu.vector_load %arg15[%parallel_loop3A_281, %parallel_loop3A_282] {strides = array<i32>} : memref<51x128xf32, #tpu.memory_space<vmem>>, vector<16xf32>,
          %parallel_loop3A_284 = arith.index_cast %parallel_loop3A_194 : i32 to index
          %parallel_loop3A_285 = arith.constant 96 : index
          %parallel_loop3A_286 = tpu.vector_load %arg12[%parallel_loop3A_284, %parallel_loop3A_285] {strides = array<i32>} : memref<200x128xf32, #tpu.memory_space<vmem>>, vector<16xf32>,
          %parallel_loop3A_287 = arith.index_cast %parallel_loop3A_194 : i32 to index
          %parallel_loop3A_288 = arith.constant 96 : index
          %parallel_loop3A_289 = tpu.vector_load %arg16[%parallel_loop3A_287, %parallel_loop3A_288] {strides = array<i32>} : memref<200x128xf32, #tpu.memory_space<vmem>>, vector<16xf32>,
          %parallel_loop3A_290 = arith.addf %parallel_loop3A_286, %parallel_loop3A_283 : vector<16xf32>
          %parallel_loop3A_291 = arith.addf %parallel_loop3A_290, %parallel_loop3A_289 : vector<16xf32>
          %parallel_loop3A_292 = arith.addf %parallel_loop3A_278, %parallel_loop3A_291 : vector<16xf32>
          %parallel_loop3A_293 = arith.mulf %parallel_loop3A_291, %parallel_loop3A_291 : vector<16xf32>
          %parallel_loop3A_294 = arith.addf %parallel_loop3A_280, %parallel_loop3A_293 : vector<16xf32>
          %parallel_loop3A_295 = arith.index_cast %parallel_loop3A_198 : i32 to index
          %parallel_loop3A_296 = arith.constant 112 : index
          %parallel_loop3A_297 = tpu.vector_load %arg15[%parallel_loop3A_295, %parallel_loop3A_296] {strides = array<i32>} : memref<51x128xf32, #tpu.memory_space<vmem>>, vector<16xf32>,
          %parallel_loop3A_298 = arith.index_cast %parallel_loop3A_194 : i32 to index
          %parallel_loop3A_299 = arith.constant 112 : index
          %parallel_loop3A_300 = tpu.vector_load %arg12[%parallel_loop3A_298, %parallel_loop3A_299] {strides = array<i32>} : memref<200x128xf32, #tpu.memory_space<vmem>>, vector<16xf32>,
          %parallel_loop3A_301 = arith.index_cast %parallel_loop3A_194 : i32 to index
          %parallel_loop3A_302 = arith.constant 112 : index
          %parallel_loop3A_303 = tpu.vector_load %arg16[%parallel_loop3A_301, %parallel_loop3A_302] {strides = array<i32>} : memref<200x128xf32, #tpu.memory_space<vmem>>, vector<16xf32>,
          %parallel_loop3A_304 = arith.addf %parallel_loop3A_300, %parallel_loop3A_297 : vector<16xf32>
          %parallel_loop3A_305 = arith.addf %parallel_loop3A_304, %parallel_loop3A_303 : vector<16xf32>
          %parallel_loop3A_306 = arith.addf %parallel_loop3A_292, %parallel_loop3A_305 : vector<16xf32>
          %parallel_loop3A_307 = arith.mulf %parallel_loop3A_305, %parallel_loop3A_305 : vector<16xf32>
          %parallel_loop3A_308 = arith.addf %parallel_loop3A_294, %parallel_loop3A_307 : vector<16xf32>
          %parallel_loop3A_309 = arith.constant true
          %parallel_loop3A_310 = vector.broadcast %parallel_loop3A_309 : i1 to vector<16xi1>
          %parallel_loop3A_311 = tpu.scan <sum>, %parallel_loop3A_306 masked %parallel_loop3A_310 : vector<16xf32>, vector<16xi1> -> vector<16xf32>
          %parallel_loop3A_312 = vector.extract %parallel_loop3A_311[15] : f32 from vector<16xf32>
          %parallel_loop3A_313 = arith.mulf %parallel_loop3A_312, %scan3A_88 : f32
          %parallel_loop3A_314 = arith.constant true
          %parallel_loop3A_315 = vector.broadcast %parallel_loop3A_314 : i1 to vector<16xi1>
          %parallel_loop3A_316 = tpu.scan <sum>, %parallel_loop3A_308 masked %parallel_loop3A_315 : vector<16xf32>, vector<16xi1> -> vector<16xf32>
          %parallel_loop3A_317 = vector.extract %parallel_loop3A_316[15] : f32 from vector<16xf32>
          %parallel_loop3A_318 = arith.mulf %parallel_loop3A_317, %scan3A_88 : f32
          %parallel_loop3A_319 = arith.mulf %parallel_loop3A_313, %parallel_loop3A_313 : f32
          %parallel_loop3A_320 = arith.subf %parallel_loop3A_318, %parallel_loop3A_319 : f32
          %parallel_loop3A_321 = arith.constant 9.99999996E-13 : f32
          %parallel_loop3A_322 = arith.addf %parallel_loop3A_320, %parallel_loop3A_321 : f32
          %parallel_loop3A_323 = arith.bitcast %parallel_loop3A_322 : f32 to i32
          %parallel_loop3A_324 = arith.constant 1 : i32
          %parallel_loop3A_325 = arith.shrsi %parallel_loop3A_323, %parallel_loop3A_324 : i32
          %parallel_loop3A_326 = arith.constant 1597463007 : i32
          %parallel_loop3A_327 = arith.subi %parallel_loop3A_326, %parallel_loop3A_325 : i32
          %parallel_loop3A_328 = arith.bitcast %parallel_loop3A_327 : i32 to f32
          %parallel_loop3A_329 = arith.constant 5.000000e-01 : f32
          %parallel_loop3A_330 = arith.mulf %parallel_loop3A_329, %parallel_loop3A_322 : f32
          %parallel_loop3A_331 = arith.mulf %parallel_loop3A_330, %parallel_loop3A_328 : f32
          %parallel_loop3A_332 = arith.mulf %parallel_loop3A_331, %parallel_loop3A_328 : f32
          %parallel_loop3A_333 = arith.constant 1.500000e+00 : f32
          %parallel_loop3A_334 = arith.subf %parallel_loop3A_333, %parallel_loop3A_332 : f32
          %parallel_loop3A_335 = arith.mulf %parallel_loop3A_328, %parallel_loop3A_334 : f32
          %parallel_loop3A_336 = arith.constant 5.000000e-01 : f32
          %parallel_loop3A_337 = arith.mulf %parallel_loop3A_336, %parallel_loop3A_322 : f32
          %parallel_loop3A_338 = arith.mulf %parallel_loop3A_337, %parallel_loop3A_335 : f32
          %parallel_loop3A_339 = arith.mulf %parallel_loop3A_338, %parallel_loop3A_335 : f32
          %parallel_loop3A_340 = arith.constant 1.500000e+00 : f32
          %parallel_loop3A_341 = arith.subf %parallel_loop3A_340, %parallel_loop3A_339 : f32
          %parallel_loop3A_342 = arith.mulf %parallel_loop3A_335, %parallel_loop3A_341 : f32
          %parallel_loop3A_343 = vector.broadcast %parallel_loop3A_342 : f32 to vector<16xf32>
          %parallel_loop3A_344 = vector.broadcast %parallel_loop3A_313 : f32 to vector<16xf32>
          %parallel_loop3A_345 = arith.subf %parallel_loop3A_209, %parallel_loop3A_344 : vector<16xf32>
          %parallel_loop3A_346 = arith.mulf %parallel_loop3A_345, %parallel_loop3A_343 : vector<16xf32>
          %parallel_loop3A_347 = arith.mulf %parallel_loop3A_346, %get3A_6 : vector<16xf32>
          %parallel_loop3A_348 = arith.addf %parallel_loop3A_347, %get3A_38 : vector<16xf32>
          %parallel_loop3A_349 = arith.index_cast %parallel_loop3A_194 : i32 to index
          %parallel_loop3A_350 = arith.constant 0 : index
          %parallel_loop3A_351 = tpu.vector_load %arg12[%parallel_loop3A_349, %parallel_loop3A_350] {strides = array<i32>} : memref<200x128xf32, #tpu.memory_space<vmem>>, vector<16xf32>,
          tpu.vector_store %arg12[%parallel_loop3A_349, %parallel_loop3A_350], %parallel_loop3A_348 {strides = array<i32>} : memref<200x128xf32, #tpu.memory_space<vmem>>, vector<16xf32>,
          %parallel_loop3A_352 = arith.subf %parallel_loop3A_221, %parallel_loop3A_344 : vector<16xf32>
          %parallel_loop3A_353 = arith.mulf %parallel_loop3A_352, %parallel_loop3A_343 : vector<16xf32>
          %parallel_loop3A_354 = arith.mulf %parallel_loop3A_353, %get3A_10 : vector<16xf32>
          %parallel_loop3A_355 = arith.addf %parallel_loop3A_354, %get3A_42 : vector<16xf32>
          %parallel_loop3A_356 = arith.index_cast %parallel_loop3A_194 : i32 to index
          %parallel_loop3A_357 = arith.constant 16 : index
          %parallel_loop3A_358 = tpu.vector_load %arg12[%parallel_loop3A_356, %parallel_loop3A_357] {strides = array<i32>} : memref<200x128xf32, #tpu.memory_space<vmem>>, vector<16xf32>,
          tpu.vector_store %arg12[%parallel_loop3A_356, %parallel_loop3A_357], %parallel_loop3A_355 {strides = array<i32>} : memref<200x128xf32, #tpu.memory_space<vmem>>, vector<16xf32>,
          %parallel_loop3A_359 = arith.subf %parallel_loop3A_235, %parallel_loop3A_344 : vector<16xf32>
          %parallel_loop3A_360 = arith.mulf %parallel_loop3A_359, %parallel_loop3A_343 : vector<16xf32>
          %parallel_loop3A_361 = arith.mulf %parallel_loop3A_360, %get3A_14 : vector<16xf32>
          %parallel_loop3A_362 = arith.addf %parallel_loop3A_361, %get3A_46 : vector<16xf32>
          %parallel_loop3A_363 = arith.index_cast %parallel_loop3A_194 : i32 to index
          %parallel_loop3A_364 = arith.constant 32 : index
          %parallel_loop3A_365 = tpu.vector_load %arg12[%parallel_loop3A_363, %parallel_loop3A_364] {strides = array<i32>} : memref<200x128xf32, #tpu.memory_space<vmem>>, vector<16xf32>,
          tpu.vector_store %arg12[%parallel_loop3A_363, %parallel_loop3A_364], %parallel_loop3A_362 {strides = array<i32>} : memref<200x128xf32, #tpu.memory_space<vmem>>, vector<16xf32>,
          %parallel_loop3A_366 = arith.subf %parallel_loop3A_249, %parallel_loop3A_344 : vector<16xf32>
          %parallel_loop3A_367 = arith.mulf %parallel_loop3A_366, %parallel_loop3A_343 : vector<16xf32>
          %parallel_loop3A_368 = arith.mulf %parallel_loop3A_367, %get3A_18 : vector<16xf32>
          %parallel_loop3A_369 = arith.addf %parallel_loop3A_368, %get3A_50 : vector<16xf32>
          %parallel_loop3A_370 = arith.index_cast %parallel_loop3A_194 : i32 to index
          %parallel_loop3A_371 = arith.constant 48 : index
          %parallel_loop3A_372 = tpu.vector_load %arg12[%parallel_loop3A_370, %parallel_loop3A_371] {strides = array<i32>} : memref<200x128xf32, #tpu.memory_space<vmem>>, vector<16xf32>,
          tpu.vector_store %arg12[%parallel_loop3A_370, %parallel_loop3A_371], %parallel_loop3A_369 {strides = array<i32>} : memref<200x128xf32, #tpu.memory_space<vmem>>, vector<16xf32>,
          %parallel_loop3A_373 = arith.subf %parallel_loop3A_263, %parallel_loop3A_344 : vector<16xf32>
          %parallel_loop3A_374 = arith.mulf %parallel_loop3A_373, %parallel_loop3A_343 : vector<16xf32>
          %parallel_loop3A_375 = arith.mulf %parallel_loop3A_374, %get3A_22 : vector<16xf32>
          %parallel_loop3A_376 = arith.addf %parallel_loop3A_375, %get3A_54 : vector<16xf32>
          %parallel_loop3A_377 = arith.index_cast %parallel_loop3A_194 : i32 to index
          %parallel_loop3A_378 = arith.constant 64 : index
          %parallel_loop3A_379 = tpu.vector_load %arg12[%parallel_loop3A_377, %parallel_loop3A_378] {strides = array<i32>} : memref<200x128xf32, #tpu.memory_space<vmem>>, vector<16xf32>,
          tpu.vector_store %arg12[%parallel_loop3A_377, %parallel_loop3A_378], %parallel_loop3A_376 {strides = array<i32>} : memref<200x128xf32, #tpu.memory_space<vmem>>, vector<16xf32>,
          %parallel_loop3A_380 = arith.subf %parallel_loop3A_277, %parallel_loop3A_344 : vector<16xf32>
          %parallel_loop3A_381 = arith.mulf %parallel_loop3A_380, %parallel_loop3A_343 : vector<16xf32>
          %parallel_loop3A_382 = arith.mulf %parallel_loop3A_381, %get3A_26 : vector<16xf32>
          %parallel_loop3A_383 = arith.addf %parallel_loop3A_382, %get3A_58 : vector<16xf32>
          %parallel_loop3A_384 = arith.index_cast %parallel_loop3A_194 : i32 to index
          %parallel_loop3A_385 = arith.constant 80 : index
          %parallel_loop3A_386 = tpu.vector_load %arg12[%parallel_loop3A_384, %parallel_loop3A_385] {strides = array<i32>} : memref<200x128xf32, #tpu.memory_space<vmem>>, vector<16xf32>,
          tpu.vector_store %arg12[%parallel_loop3A_384, %parallel_loop3A_385], %parallel_loop3A_383 {strides = array<i32>} : memref<200x128xf32, #tpu.memory_space<vmem>>, vector<16xf32>,
          %parallel_loop3A_387 = arith.subf %parallel_loop3A_291, %parallel_loop3A_344 : vector<16xf32>
          %parallel_loop3A_388 = arith.mulf %parallel_loop3A_387, %parallel_loop3A_343 : vector<16xf32>
          %parallel_loop3A_389 = arith.mulf %parallel_loop3A_388, %get3A_30 : vector<16xf32>
          %parallel_loop3A_390 = arith.addf %parallel_loop3A_389, %get3A_62 : vector<16xf32>
          %parallel_loop3A_391 = arith.index_cast %parallel_loop3A_194 : i32 to index
          %parallel_loop3A_392 = arith.constant 96 : index
          %parallel_loop3A_393 = tpu.vector_load %arg12[%parallel_loop3A_391, %parallel_loop3A_392] {strides = array<i32>} : memref<200x128xf32, #tpu.memory_space<vmem>>, vector<16xf32>,
          tpu.vector_store %arg12[%parallel_loop3A_391, %parallel_loop3A_392], %parallel_loop3A_390 {strides = array<i32>} : memref<200x128xf32, #tpu.memory_space<vmem>>, vector<16xf32>,
          %parallel_loop3A_394 = arith.subf %parallel_loop3A_305, %parallel_loop3A_344 : vector<16xf32>
          %parallel_loop3A_395 = arith.mulf %parallel_loop3A_394, %parallel_loop3A_343 : vector<16xf32>
          %parallel_loop3A_396 = arith.mulf %parallel_loop3A_395, %get3A_34 : vector<16xf32>
          %parallel_loop3A_397 = arith.addf %parallel_loop3A_396, %get3A_66 : vector<16xf32>
          %parallel_loop3A_398 = arith.index_cast %parallel_loop3A_194 : i32 to index
          %parallel_loop3A_399 = arith.constant 112 : index
          %parallel_loop3A_400 = tpu.vector_load %arg12[%parallel_loop3A_398, %parallel_loop3A_399] {strides = array<i32>} : memref<200x128xf32, #tpu.memory_space<vmem>>, vector<16xf32>,
          tpu.vector_store %arg12[%parallel_loop3A_398, %parallel_loop3A_399], %parallel_loop3A_397 {strides = array<i32>} : memref<200x128xf32, #tpu.memory_space<vmem>>, vector<16xf32>,
        } {sc.loop_unroll_factor = 1 : i64, sc.parallel_access}
        %add3A_185 = arith.addi %mul3A_2, %add3A_127 : i32
        %dma_start3A_186 = arith.constant 0 : i32
        %dma_start3A_187 = arith.constant 0 : i32
        %dma_start3A_188 = tpu.memref_slice %arg9[%add3A_185, %dma_start3A_186, %dma_start3A_187] : memref<1024x200x128xf32, #tpu.memory_space<hbm>> -> memref<1x200x128xf32, #tpu.memory_space<hbm>>
        %dma_start3A_189 = tpu.memref_squeeze %dma_start3A_188 : memref<1x200x128xf32, #tpu.memory_space<hbm>> -> memref<200x128xf32, #tpu.memory_space<hbm>>
        %dma_start3A_190 = arith.constant 0 : i32
        %dma_start3A_191 = arith.constant 0 : i32
        %dma_start3A_192 = tpu.memref_slice %arg9[%add3A_185, %dma_start3A_190, %dma_start3A_191] : memref<1024x200x128xf32, #tpu.memory_space<hbm>> -> memref<1x200x128xf32, #tpu.memory_space<hbm>>
        %dma_start3A_193 = tpu.memref_squeeze %dma_start3A_192 : memref<1x200x128xf32, #tpu.memory_space<hbm>> -> memref<200x128xf32, #tpu.memory_space<hbm>>
        tpu.enqueue_dma source(%arg12 : memref<200x128xf32, #tpu.memory_space<vmem>>) target(%dma_start3A_193 : memref<200x128xf32, #tpu.memory_space<hbm>>) target_semaphore(%arg21 : memref<!tpu.dma_semaphore, #tpu.memory_space<semaphore_mem>>)
      } else {
      }
      %mul3A_130 = arith.constant 3 : i32
      %mul3A_131 = arith.muli %mul3A_130, %scan3A_123 : i32
      %add3A_132 = arith.constant 1 : i32
      %add3A_133 = arith.addi %mul3A_131, %add3A_132 : i32
      %lt3A_134 = arith.constant 32 : i32
      %lt3A_135 = arith.cmpi slt, %add3A_133, %lt3A_134 : i32
      %convert_element_type3A_136 = arith.extui %lt3A_135 : i1 to i32
      %cond3A_137 = arith.constant 0 : i32
      %cond3A_138 = arith.cmpi ne, %convert_element_type3A_136, %cond3A_137 : i32
      scf.if %cond3A_138 {
        %dma_wait3A_148 = arith.constant 0 : i32
        %dma_wait3A_149 = arith.constant 0 : i32
        %dma_wait3A_150 = arith.constant 0 : i32
        %dma_wait3A_151 = tpu.memref_slice %arg13[%dma_wait3A_149, %dma_wait3A_150] : memref<200x128xf32, #tpu.memory_space<vmem>> -> memref<100x128xf32, #tpu.memory_space<vmem>>
        %dma_wait3A_152 = arith.constant 0 : i32
        %dma_wait3A_153 = tpu.memref_slice %arg10[%add3A_133, %dma_wait3A_148, %dma_wait3A_152] : memref<32x2x100xi32, #tpu.memory_space<vmem>> -> memref<1x1x100xi32, #tpu.memory_space<vmem>>
        %dma_wait3A_154 = tpu.memref_squeeze %dma_wait3A_153 : memref<1x1x100xi32, #tpu.memory_space<vmem>> -> memref<100xi32, #tpu.memory_space<vmem>>
        %dma_wait3A_155 = arith.constant 0 : i32
        %dma_wait3A_156 = arith.constant 0 : i32
        %dma_wait3A_157 = tpu.memref_slice %arg4[%dma_wait3A_155, %dma_wait3A_156] : memref<100000x128xf32, #tpu.memory_space<hbm>> -> memref<100000x128xf32, #tpu.memory_space<hbm>>
        tpu.wait_indirect_dma semaphore(%arg19 : memref<!tpu.dma_semaphore, #tpu.memory_space<semaphore_mem>>) src(%dma_wait3A_157 : memref<100000x128xf32, #tpu.memory_space<hbm>>) dst(%dma_wait3A_151 : memref<100x128xf32, #tpu.memory_space<vmem>>)
        %dma_wait3A_158 = arith.constant 1 : i32
        %dma_wait3A_159 = arith.constant 100 : i32
        %dma_wait3A_160 = arith.constant 0 : i32
        %dma_wait3A_161 = tpu.memref_slice %arg13[%dma_wait3A_159, %dma_wait3A_160] : memref<200x128xf32, #tpu.memory_space<vmem>> -> memref<100x128xf32, #tpu.memory_space<vmem>>
        %dma_wait3A_162 = arith.constant 0 : i32
        %dma_wait3A_163 = tpu.memref_slice %arg10[%add3A_133, %dma_wait3A_158, %dma_wait3A_162] : memref<32x2x100xi32, #tpu.memory_space<vmem>> -> memref<1x1x100xi32, #tpu.memory_space<vmem>>
        %dma_wait3A_164 = tpu.memref_squeeze %dma_wait3A_163 : memref<1x1x100xi32, #tpu.memory_space<vmem>> -> memref<100xi32, #tpu.memory_space<vmem>>
        %dma_wait3A_165 = arith.constant 0 : i32
        %dma_wait3A_166 = arith.constant 0 : i32
        %dma_wait3A_167 = tpu.memref_slice %arg4[%dma_wait3A_165, %dma_wait3A_166] : memref<100000x128xf32, #tpu.memory_space<hbm>> -> memref<100000x128xf32, #tpu.memory_space<hbm>>
        tpu.wait_indirect_dma semaphore(%arg19 : memref<!tpu.dma_semaphore, #tpu.memory_space<semaphore_mem>>) src(%dma_wait3A_167 : memref<100000x128xf32, #tpu.memory_space<hbm>>) dst(%dma_wait3A_161 : memref<100x128xf32, #tpu.memory_space<vmem>>)
        %ge3A = arith.constant 2 : i32
        %ge3A_168 = arith.cmpi sge, %add3A_133, %ge3A : i32
        %add3A_169 = arith.constant 1 : i32
        %add3A_170 = arith.addi %add3A_133, %add3A_169 : i32
        %lt3A_171 = arith.constant 32 : i32
        %lt3A_172 = arith.cmpi slt, %add3A_170, %lt3A_171 : i32
        %and3A = arith.andi %ge3A_168, %lt3A_172 : i1
        %convert_element_type3A_173 = arith.extui %and3A : i1 to i32
        %cond3A_174 = arith.constant 0 : i32
        %cond3A_175 = arith.cmpi ne, %convert_element_type3A_173, %cond3A_174 : i32
        scf.if %cond3A_175 {
          %sub3A = arith.constant 2 : i32
          %sub3A_194 = arith.subi %add3A_133, %sub3A : i32
          %add3A_195 = arith.addi %mul3A_2, %sub3A_194 : i32
          %dma_wait3A_196 = arith.constant 0 : i32
          %dma_wait3A_197 = arith.constant 0 : i32
          %dma_wait3A_198 = tpu.memref_slice %arg9[%add3A_195, %dma_wait3A_196, %dma_wait3A_197] : memref<1024x200x128xf32, #tpu.memory_space<hbm>> -> memref<1x200x128xf32, #tpu.memory_space<hbm>>
          %dma_wait3A_199 = tpu.memref_squeeze %dma_wait3A_198 : memref<1x200x128xf32, #tpu.memory_space<hbm>> -> memref<200x128xf32, #tpu.memory_space<hbm>>
          %dma_wait3A_200 = arith.constant 0 : i32
          %dma_wait3A_201 = arith.constant 0 : i32
          %dma_wait3A_202 = tpu.memref_slice %arg9[%add3A_195, %dma_wait3A_200, %dma_wait3A_201] : memref<1024x200x128xf32, #tpu.memory_space<hbm>> -> memref<1x200x128xf32, #tpu.memory_space<hbm>>
          %dma_wait3A_203 = tpu.memref_squeeze %dma_wait3A_202 : memref<1x200x128xf32, #tpu.memory_space<hbm>> -> memref<200x128xf32, #tpu.memory_space<hbm>>
          tpu.wait_dma2 semaphore(%arg23 : memref<!tpu.dma_semaphore, #tpu.memory_space<semaphore_mem>>) src(%arg14 : memref<200x128xf32, #tpu.memory_space<vmem>>) dst(%dma_wait3A_203 : memref<200x128xf32, #tpu.memory_space<hbm>>)
        } else {
        }
        %add3A_176 = arith.constant 1 : i32
        %add3A_177 = arith.addi %add3A_133, %add3A_176 : i32
        %lt3A_178 = arith.constant 32 : i32
        %lt3A_179 = arith.cmpi slt, %add3A_177, %lt3A_178 : i32
        %convert_element_type3A_180 = arith.extui %lt3A_179 : i1 to i32
        %cond3A_181 = arith.constant 0 : i32
        %cond3A_182 = arith.cmpi ne, %convert_element_type3A_180, %cond3A_181 : i32
        scf.if %cond3A_182 {
          %add3A_194 = arith.constant 1 : i32
          %add3A_195 = arith.addi %add3A_133, %add3A_194 : i32
          %dma_start3A_196 = arith.constant 0 : i32
          %dma_start3A_197 = arith.constant 0 : i32
          %dma_start3A_198 = arith.constant 0 : i32
          %dma_start3A_199 = tpu.memref_slice %arg14[%dma_start3A_197, %dma_start3A_198] : memref<200x128xf32, #tpu.memory_space<vmem>> -> memref<100x128xf32, #tpu.memory_space<vmem>>
          %dma_start3A_200 = arith.constant 0 : i32
          %dma_start3A_201 = tpu.memref_slice %arg10[%add3A_195, %dma_start3A_196, %dma_start3A_200] : memref<32x2x100xi32, #tpu.memory_space<vmem>> -> memref<1x1x100xi32, #tpu.memory_space<vmem>>
          %dma_start3A_202 = tpu.memref_squeeze %dma_start3A_201 : memref<1x1x100xi32, #tpu.memory_space<vmem>> -> memref<100xi32, #tpu.memory_space<vmem>>
          %dma_start3A_203 = arith.constant 0 : i32
          %dma_start3A_204 = arith.constant 0 : i32
          %dma_start3A_205 = tpu.memref_slice %arg4[%dma_start3A_203, %dma_start3A_204] : memref<100000x128xf32, #tpu.memory_space<hbm>> -> memref<100000x128xf32, #tpu.memory_space<hbm>>
          tpu.enqueue_indirect_dma source(%dma_start3A_205 : memref<100000x128xf32, #tpu.memory_space<hbm>>) target(%dma_start3A_199 : memref<100x128xf32, #tpu.memory_space<vmem>>) offsets(%dma_start3A_202 : memref<100xi32, #tpu.memory_space<vmem>>) semaphore(%arg20 : memref<!tpu.dma_semaphore, #tpu.memory_space<semaphore_mem>>)
          %dma_start3A_206 = arith.constant 1 : i32
          %dma_start3A_207 = arith.constant 100 : i32
          %dma_start3A_208 = arith.constant 0 : i32
          %dma_start3A_209 = tpu.memref_slice %arg14[%dma_start3A_207, %dma_start3A_208] : memref<200x128xf32, #tpu.memory_space<vmem>> -> memref<100x128xf32, #tpu.memory_space<vmem>>
          %dma_start3A_210 = arith.constant 0 : i32
          %dma_start3A_211 = tpu.memref_slice %arg10[%add3A_195, %dma_start3A_206, %dma_start3A_210] : memref<32x2x100xi32, #tpu.memory_space<vmem>> -> memref<1x1x100xi32, #tpu.memory_space<vmem>>
          %dma_start3A_212 = tpu.memref_squeeze %dma_start3A_211 : memref<1x1x100xi32, #tpu.memory_space<vmem>> -> memref<100xi32, #tpu.memory_space<vmem>>
          %dma_start3A_213 = arith.constant 0 : i32
          %dma_start3A_214 = arith.constant 0 : i32
          %dma_start3A_215 = tpu.memref_slice %arg4[%dma_start3A_213, %dma_start3A_214] : memref<100000x128xf32, #tpu.memory_space<hbm>> -> memref<100000x128xf32, #tpu.memory_space<hbm>>
          tpu.enqueue_indirect_dma source(%dma_start3A_215 : memref<100000x128xf32, #tpu.memory_space<hbm>>) target(%dma_start3A_209 : memref<100x128xf32, #tpu.memory_space<vmem>>) offsets(%dma_start3A_212 : memref<100xi32, #tpu.memory_space<vmem>>) semaphore(%arg20 : memref<!tpu.dma_semaphore, #tpu.memory_space<semaphore_mem>>)
        } else {
        }
        %broadcast_in_dim3A = vector.broadcast %add3A_133 : i32 to vector<16xi32>
        %parallel_loop3A = arith.constant 0 : i32
        %parallel_loop3A_183 = arith.constant 200 : i32
        %parallel_loop3A_184 = arith.constant 1 : i32
        scf.for %parallel_loop3A_194 = %parallel_loop3A to %parallel_loop3A_183 step %parallel_loop3A_184  : i32 {
          %parallel_loop3A_195 = vector.broadcast %parallel_loop3A_194 : i32 to vector<16xi32>
          %parallel_loop3A_196 = tpu.vector_load_idx %arg11[%broadcast_in_dim3A, %parallel_loop3A_195] : memref<32x208xi32, #tpu.memory_space<vmem>>[vector<16xi32>, vector<16xi32>], vector<16xi32>,
          %parallel_loop3A_197 = vector.extract_strided_slice %parallel_loop3A_196 {offsets = [0], sizes = [1], strides = [1]} : vector<16xi32> to vector<1xi32>
          %parallel_loop3A_198 = vector.extract %parallel_loop3A_197[0] : i32 from vector<1xi32>
          %parallel_loop3A_199 = arith.index_cast %parallel_loop3A_198 : i32 to index
          %parallel_loop3A_200 = arith.constant 0 : index
          %parallel_loop3A_201 = tpu.vector_load %arg15[%parallel_loop3A_199, %parallel_loop3A_200] {strides = array<i32>} : memref<51x128xf32, #tpu.memory_space<vmem>>, vector<16xf32>,
          %parallel_loop3A_202 = arith.index_cast %parallel_loop3A_194 : i32 to index
          %parallel_loop3A_203 = arith.constant 0 : index
          %parallel_loop3A_204 = tpu.vector_load %arg13[%parallel_loop3A_202, %parallel_loop3A_203] {strides = array<i32>} : memref<200x128xf32, #tpu.memory_space<vmem>>, vector<16xf32>,
          %parallel_loop3A_205 = arith.index_cast %parallel_loop3A_194 : i32 to index
          %parallel_loop3A_206 = arith.constant 0 : index
          %parallel_loop3A_207 = tpu.vector_load %arg16[%parallel_loop3A_205, %parallel_loop3A_206] {strides = array<i32>} : memref<200x128xf32, #tpu.memory_space<vmem>>, vector<16xf32>,
          %parallel_loop3A_208 = arith.addf %parallel_loop3A_204, %parallel_loop3A_201 : vector<16xf32>
          %parallel_loop3A_209 = arith.addf %parallel_loop3A_208, %parallel_loop3A_207 : vector<16xf32>
          %parallel_loop3A_210 = arith.mulf %parallel_loop3A_209, %parallel_loop3A_209 : vector<16xf32>
          %parallel_loop3A_211 = arith.index_cast %parallel_loop3A_198 : i32 to index
          %parallel_loop3A_212 = arith.constant 16 : index
          %parallel_loop3A_213 = tpu.vector_load %arg15[%parallel_loop3A_211, %parallel_loop3A_212] {strides = array<i32>} : memref<51x128xf32, #tpu.memory_space<vmem>>, vector<16xf32>,
          %parallel_loop3A_214 = arith.index_cast %parallel_loop3A_194 : i32 to index
          %parallel_loop3A_215 = arith.constant 16 : index
          %parallel_loop3A_216 = tpu.vector_load %arg13[%parallel_loop3A_214, %parallel_loop3A_215] {strides = array<i32>} : memref<200x128xf32, #tpu.memory_space<vmem>>, vector<16xf32>,
          %parallel_loop3A_217 = arith.index_cast %parallel_loop3A_194 : i32 to index
          %parallel_loop3A_218 = arith.constant 16 : index
          %parallel_loop3A_219 = tpu.vector_load %arg16[%parallel_loop3A_217, %parallel_loop3A_218] {strides = array<i32>} : memref<200x128xf32, #tpu.memory_space<vmem>>, vector<16xf32>,
          %parallel_loop3A_220 = arith.addf %parallel_loop3A_216, %parallel_loop3A_213 : vector<16xf32>
          %parallel_loop3A_221 = arith.addf %parallel_loop3A_220, %parallel_loop3A_219 : vector<16xf32>
          %parallel_loop3A_222 = arith.addf %parallel_loop3A_209, %parallel_loop3A_221 : vector<16xf32>
          %parallel_loop3A_223 = arith.mulf %parallel_loop3A_221, %parallel_loop3A_221 : vector<16xf32>
          %parallel_loop3A_224 = arith.addf %parallel_loop3A_210, %parallel_loop3A_223 : vector<16xf32>
          %parallel_loop3A_225 = arith.index_cast %parallel_loop3A_198 : i32 to index
          %parallel_loop3A_226 = arith.constant 32 : index
          %parallel_loop3A_227 = tpu.vector_load %arg15[%parallel_loop3A_225, %parallel_loop3A_226] {strides = array<i32>} : memref<51x128xf32, #tpu.memory_space<vmem>>, vector<16xf32>,
          %parallel_loop3A_228 = arith.index_cast %parallel_loop3A_194 : i32 to index
          %parallel_loop3A_229 = arith.constant 32 : index
          %parallel_loop3A_230 = tpu.vector_load %arg13[%parallel_loop3A_228, %parallel_loop3A_229] {strides = array<i32>} : memref<200x128xf32, #tpu.memory_space<vmem>>, vector<16xf32>,
          %parallel_loop3A_231 = arith.index_cast %parallel_loop3A_194 : i32 to index
          %parallel_loop3A_232 = arith.constant 32 : index
          %parallel_loop3A_233 = tpu.vector_load %arg16[%parallel_loop3A_231, %parallel_loop3A_232] {strides = array<i32>} : memref<200x128xf32, #tpu.memory_space<vmem>>, vector<16xf32>,
          %parallel_loop3A_234 = arith.addf %parallel_loop3A_230, %parallel_loop3A_227 : vector<16xf32>
          %parallel_loop3A_235 = arith.addf %parallel_loop3A_234, %parallel_loop3A_233 : vector<16xf32>
          %parallel_loop3A_236 = arith.addf %parallel_loop3A_222, %parallel_loop3A_235 : vector<16xf32>
          %parallel_loop3A_237 = arith.mulf %parallel_loop3A_235, %parallel_loop3A_235 : vector<16xf32>
          %parallel_loop3A_238 = arith.addf %parallel_loop3A_224, %parallel_loop3A_237 : vector<16xf32>
          %parallel_loop3A_239 = arith.index_cast %parallel_loop3A_198 : i32 to index
          %parallel_loop3A_240 = arith.constant 48 : index
          %parallel_loop3A_241 = tpu.vector_load %arg15[%parallel_loop3A_239, %parallel_loop3A_240] {strides = array<i32>} : memref<51x128xf32, #tpu.memory_space<vmem>>, vector<16xf32>,
          %parallel_loop3A_242 = arith.index_cast %parallel_loop3A_194 : i32 to index
          %parallel_loop3A_243 = arith.constant 48 : index
          %parallel_loop3A_244 = tpu.vector_load %arg13[%parallel_loop3A_242, %parallel_loop3A_243] {strides = array<i32>} : memref<200x128xf32, #tpu.memory_space<vmem>>, vector<16xf32>,
          %parallel_loop3A_245 = arith.index_cast %parallel_loop3A_194 : i32 to index
          %parallel_loop3A_246 = arith.constant 48 : index
          %parallel_loop3A_247 = tpu.vector_load %arg16[%parallel_loop3A_245, %parallel_loop3A_246] {strides = array<i32>} : memref<200x128xf32, #tpu.memory_space<vmem>>, vector<16xf32>,
          %parallel_loop3A_248 = arith.addf %parallel_loop3A_244, %parallel_loop3A_241 : vector<16xf32>
          %parallel_loop3A_249 = arith.addf %parallel_loop3A_248, %parallel_loop3A_247 : vector<16xf32>
          %parallel_loop3A_250 = arith.addf %parallel_loop3A_236, %parallel_loop3A_249 : vector<16xf32>
          %parallel_loop3A_251 = arith.mulf %parallel_loop3A_249, %parallel_loop3A_249 : vector<16xf32>
          %parallel_loop3A_252 = arith.addf %parallel_loop3A_238, %parallel_loop3A_251 : vector<16xf32>
          %parallel_loop3A_253 = arith.index_cast %parallel_loop3A_198 : i32 to index
          %parallel_loop3A_254 = arith.constant 64 : index
          %parallel_loop3A_255 = tpu.vector_load %arg15[%parallel_loop3A_253, %parallel_loop3A_254] {strides = array<i32>} : memref<51x128xf32, #tpu.memory_space<vmem>>, vector<16xf32>,
          %parallel_loop3A_256 = arith.index_cast %parallel_loop3A_194 : i32 to index
          %parallel_loop3A_257 = arith.constant 64 : index
          %parallel_loop3A_258 = tpu.vector_load %arg13[%parallel_loop3A_256, %parallel_loop3A_257] {strides = array<i32>} : memref<200x128xf32, #tpu.memory_space<vmem>>, vector<16xf32>,
          %parallel_loop3A_259 = arith.index_cast %parallel_loop3A_194 : i32 to index
          %parallel_loop3A_260 = arith.constant 64 : index
          %parallel_loop3A_261 = tpu.vector_load %arg16[%parallel_loop3A_259, %parallel_loop3A_260] {strides = array<i32>} : memref<200x128xf32, #tpu.memory_space<vmem>>, vector<16xf32>,
          %parallel_loop3A_262 = arith.addf %parallel_loop3A_258, %parallel_loop3A_255 : vector<16xf32>
          %parallel_loop3A_263 = arith.addf %parallel_loop3A_262, %parallel_loop3A_261 : vector<16xf32>
          %parallel_loop3A_264 = arith.addf %parallel_loop3A_250, %parallel_loop3A_263 : vector<16xf32>
          %parallel_loop3A_265 = arith.mulf %parallel_loop3A_263, %parallel_loop3A_263 : vector<16xf32>
          %parallel_loop3A_266 = arith.addf %parallel_loop3A_252, %parallel_loop3A_265 : vector<16xf32>
          %parallel_loop3A_267 = arith.index_cast %parallel_loop3A_198 : i32 to index
          %parallel_loop3A_268 = arith.constant 80 : index
          %parallel_loop3A_269 = tpu.vector_load %arg15[%parallel_loop3A_267, %parallel_loop3A_268] {strides = array<i32>} : memref<51x128xf32, #tpu.memory_space<vmem>>, vector<16xf32>,
          %parallel_loop3A_270 = arith.index_cast %parallel_loop3A_194 : i32 to index
          %parallel_loop3A_271 = arith.constant 80 : index
          %parallel_loop3A_272 = tpu.vector_load %arg13[%parallel_loop3A_270, %parallel_loop3A_271] {strides = array<i32>} : memref<200x128xf32, #tpu.memory_space<vmem>>, vector<16xf32>,
          %parallel_loop3A_273 = arith.index_cast %parallel_loop3A_194 : i32 to index
          %parallel_loop3A_274 = arith.constant 80 : index
          %parallel_loop3A_275 = tpu.vector_load %arg16[%parallel_loop3A_273, %parallel_loop3A_274] {strides = array<i32>} : memref<200x128xf32, #tpu.memory_space<vmem>>, vector<16xf32>,
          %parallel_loop3A_276 = arith.addf %parallel_loop3A_272, %parallel_loop3A_269 : vector<16xf32>
          %parallel_loop3A_277 = arith.addf %parallel_loop3A_276, %parallel_loop3A_275 : vector<16xf32>
          %parallel_loop3A_278 = arith.addf %parallel_loop3A_264, %parallel_loop3A_277 : vector<16xf32>
          %parallel_loop3A_279 = arith.mulf %parallel_loop3A_277, %parallel_loop3A_277 : vector<16xf32>
          %parallel_loop3A_280 = arith.addf %parallel_loop3A_266, %parallel_loop3A_279 : vector<16xf32>
          %parallel_loop3A_281 = arith.index_cast %parallel_loop3A_198 : i32 to index
          %parallel_loop3A_282 = arith.constant 96 : index
          %parallel_loop3A_283 = tpu.vector_load %arg15[%parallel_loop3A_281, %parallel_loop3A_282] {strides = array<i32>} : memref<51x128xf32, #tpu.memory_space<vmem>>, vector<16xf32>,
          %parallel_loop3A_284 = arith.index_cast %parallel_loop3A_194 : i32 to index
          %parallel_loop3A_285 = arith.constant 96 : index
          %parallel_loop3A_286 = tpu.vector_load %arg13[%parallel_loop3A_284, %parallel_loop3A_285] {strides = array<i32>} : memref<200x128xf32, #tpu.memory_space<vmem>>, vector<16xf32>,
          %parallel_loop3A_287 = arith.index_cast %parallel_loop3A_194 : i32 to index
          %parallel_loop3A_288 = arith.constant 96 : index
          %parallel_loop3A_289 = tpu.vector_load %arg16[%parallel_loop3A_287, %parallel_loop3A_288] {strides = array<i32>} : memref<200x128xf32, #tpu.memory_space<vmem>>, vector<16xf32>,
          %parallel_loop3A_290 = arith.addf %parallel_loop3A_286, %parallel_loop3A_283 : vector<16xf32>
          %parallel_loop3A_291 = arith.addf %parallel_loop3A_290, %parallel_loop3A_289 : vector<16xf32>
          %parallel_loop3A_292 = arith.addf %parallel_loop3A_278, %parallel_loop3A_291 : vector<16xf32>
          %parallel_loop3A_293 = arith.mulf %parallel_loop3A_291, %parallel_loop3A_291 : vector<16xf32>
          %parallel_loop3A_294 = arith.addf %parallel_loop3A_280, %parallel_loop3A_293 : vector<16xf32>
          %parallel_loop3A_295 = arith.index_cast %parallel_loop3A_198 : i32 to index
          %parallel_loop3A_296 = arith.constant 112 : index
          %parallel_loop3A_297 = tpu.vector_load %arg15[%parallel_loop3A_295, %parallel_loop3A_296] {strides = array<i32>} : memref<51x128xf32, #tpu.memory_space<vmem>>, vector<16xf32>,
          %parallel_loop3A_298 = arith.index_cast %parallel_loop3A_194 : i32 to index
          %parallel_loop3A_299 = arith.constant 112 : index
          %parallel_loop3A_300 = tpu.vector_load %arg13[%parallel_loop3A_298, %parallel_loop3A_299] {strides = array<i32>} : memref<200x128xf32, #tpu.memory_space<vmem>>, vector<16xf32>,
          %parallel_loop3A_301 = arith.index_cast %parallel_loop3A_194 : i32 to index
          %parallel_loop3A_302 = arith.constant 112 : index
          %parallel_loop3A_303 = tpu.vector_load %arg16[%parallel_loop3A_301, %parallel_loop3A_302] {strides = array<i32>} : memref<200x128xf32, #tpu.memory_space<vmem>>, vector<16xf32>,
          %parallel_loop3A_304 = arith.addf %parallel_loop3A_300, %parallel_loop3A_297 : vector<16xf32>
          %parallel_loop3A_305 = arith.addf %parallel_loop3A_304, %parallel_loop3A_303 : vector<16xf32>
          %parallel_loop3A_306 = arith.addf %parallel_loop3A_292, %parallel_loop3A_305 : vector<16xf32>
          %parallel_loop3A_307 = arith.mulf %parallel_loop3A_305, %parallel_loop3A_305 : vector<16xf32>
          %parallel_loop3A_308 = arith.addf %parallel_loop3A_294, %parallel_loop3A_307 : vector<16xf32>
          %parallel_loop3A_309 = arith.constant true
          %parallel_loop3A_310 = vector.broadcast %parallel_loop3A_309 : i1 to vector<16xi1>
          %parallel_loop3A_311 = tpu.scan <sum>, %parallel_loop3A_306 masked %parallel_loop3A_310 : vector<16xf32>, vector<16xi1> -> vector<16xf32>
          %parallel_loop3A_312 = vector.extract %parallel_loop3A_311[15] : f32 from vector<16xf32>
          %parallel_loop3A_313 = arith.mulf %parallel_loop3A_312, %scan3A_88 : f32
          %parallel_loop3A_314 = arith.constant true
          %parallel_loop3A_315 = vector.broadcast %parallel_loop3A_314 : i1 to vector<16xi1>
          %parallel_loop3A_316 = tpu.scan <sum>, %parallel_loop3A_308 masked %parallel_loop3A_315 : vector<16xf32>, vector<16xi1> -> vector<16xf32>
          %parallel_loop3A_317 = vector.extract %parallel_loop3A_316[15] : f32 from vector<16xf32>
          %parallel_loop3A_318 = arith.mulf %parallel_loop3A_317, %scan3A_88 : f32
          %parallel_loop3A_319 = arith.mulf %parallel_loop3A_313, %parallel_loop3A_313 : f32
          %parallel_loop3A_320 = arith.subf %parallel_loop3A_318, %parallel_loop3A_319 : f32
          %parallel_loop3A_321 = arith.constant 9.99999996E-13 : f32
          %parallel_loop3A_322 = arith.addf %parallel_loop3A_320, %parallel_loop3A_321 : f32
          %parallel_loop3A_323 = arith.bitcast %parallel_loop3A_322 : f32 to i32
          %parallel_loop3A_324 = arith.constant 1 : i32
          %parallel_loop3A_325 = arith.shrsi %parallel_loop3A_323, %parallel_loop3A_324 : i32
          %parallel_loop3A_326 = arith.constant 1597463007 : i32
          %parallel_loop3A_327 = arith.subi %parallel_loop3A_326, %parallel_loop3A_325 : i32
          %parallel_loop3A_328 = arith.bitcast %parallel_loop3A_327 : i32 to f32
          %parallel_loop3A_329 = arith.constant 5.000000e-01 : f32
          %parallel_loop3A_330 = arith.mulf %parallel_loop3A_329, %parallel_loop3A_322 : f32
          %parallel_loop3A_331 = arith.mulf %parallel_loop3A_330, %parallel_loop3A_328 : f32
          %parallel_loop3A_332 = arith.mulf %parallel_loop3A_331, %parallel_loop3A_328 : f32
          %parallel_loop3A_333 = arith.constant 1.500000e+00 : f32
          %parallel_loop3A_334 = arith.subf %parallel_loop3A_333, %parallel_loop3A_332 : f32
          %parallel_loop3A_335 = arith.mulf %parallel_loop3A_328, %parallel_loop3A_334 : f32
          %parallel_loop3A_336 = arith.constant 5.000000e-01 : f32
          %parallel_loop3A_337 = arith.mulf %parallel_loop3A_336, %parallel_loop3A_322 : f32
          %parallel_loop3A_338 = arith.mulf %parallel_loop3A_337, %parallel_loop3A_335 : f32
          %parallel_loop3A_339 = arith.mulf %parallel_loop3A_338, %parallel_loop3A_335 : f32
          %parallel_loop3A_340 = arith.constant 1.500000e+00 : f32
          %parallel_loop3A_341 = arith.subf %parallel_loop3A_340, %parallel_loop3A_339 : f32
          %parallel_loop3A_342 = arith.mulf %parallel_loop3A_335, %parallel_loop3A_341 : f32
          %parallel_loop3A_343 = vector.broadcast %parallel_loop3A_342 : f32 to vector<16xf32>
          %parallel_loop3A_344 = vector.broadcast %parallel_loop3A_313 : f32 to vector<16xf32>
          %parallel_loop3A_345 = arith.subf %parallel_loop3A_209, %parallel_loop3A_344 : vector<16xf32>
          %parallel_loop3A_346 = arith.mulf %parallel_loop3A_345, %parallel_loop3A_343 : vector<16xf32>
          %parallel_loop3A_347 = arith.mulf %parallel_loop3A_346, %get3A_6 : vector<16xf32>
          %parallel_loop3A_348 = arith.addf %parallel_loop3A_347, %get3A_38 : vector<16xf32>
          %parallel_loop3A_349 = arith.index_cast %parallel_loop3A_194 : i32 to index
          %parallel_loop3A_350 = arith.constant 0 : index
          %parallel_loop3A_351 = tpu.vector_load %arg13[%parallel_loop3A_349, %parallel_loop3A_350] {strides = array<i32>} : memref<200x128xf32, #tpu.memory_space<vmem>>, vector<16xf32>,
          tpu.vector_store %arg13[%parallel_loop3A_349, %parallel_loop3A_350], %parallel_loop3A_348 {strides = array<i32>} : memref<200x128xf32, #tpu.memory_space<vmem>>, vector<16xf32>,
          %parallel_loop3A_352 = arith.subf %parallel_loop3A_221, %parallel_loop3A_344 : vector<16xf32>
          %parallel_loop3A_353 = arith.mulf %parallel_loop3A_352, %parallel_loop3A_343 : vector<16xf32>
          %parallel_loop3A_354 = arith.mulf %parallel_loop3A_353, %get3A_10 : vector<16xf32>
          %parallel_loop3A_355 = arith.addf %parallel_loop3A_354, %get3A_42 : vector<16xf32>
          %parallel_loop3A_356 = arith.index_cast %parallel_loop3A_194 : i32 to index
          %parallel_loop3A_357 = arith.constant 16 : index
          %parallel_loop3A_358 = tpu.vector_load %arg13[%parallel_loop3A_356, %parallel_loop3A_357] {strides = array<i32>} : memref<200x128xf32, #tpu.memory_space<vmem>>, vector<16xf32>,
          tpu.vector_store %arg13[%parallel_loop3A_356, %parallel_loop3A_357], %parallel_loop3A_355 {strides = array<i32>} : memref<200x128xf32, #tpu.memory_space<vmem>>, vector<16xf32>,
          %parallel_loop3A_359 = arith.subf %parallel_loop3A_235, %parallel_loop3A_344 : vector<16xf32>
          %parallel_loop3A_360 = arith.mulf %parallel_loop3A_359, %parallel_loop3A_343 : vector<16xf32>
          %parallel_loop3A_361 = arith.mulf %parallel_loop3A_360, %get3A_14 : vector<16xf32>
          %parallel_loop3A_362 = arith.addf %parallel_loop3A_361, %get3A_46 : vector<16xf32>
          %parallel_loop3A_363 = arith.index_cast %parallel_loop3A_194 : i32 to index
          %parallel_loop3A_364 = arith.constant 32 : index
          %parallel_loop3A_365 = tpu.vector_load %arg13[%parallel_loop3A_363, %parallel_loop3A_364] {strides = array<i32>} : memref<200x128xf32, #tpu.memory_space<vmem>>, vector<16xf32>,
          tpu.vector_store %arg13[%parallel_loop3A_363, %parallel_loop3A_364], %parallel_loop3A_362 {strides = array<i32>} : memref<200x128xf32, #tpu.memory_space<vmem>>, vector<16xf32>,
          %parallel_loop3A_366 = arith.subf %parallel_loop3A_249, %parallel_loop3A_344 : vector<16xf32>
          %parallel_loop3A_367 = arith.mulf %parallel_loop3A_366, %parallel_loop3A_343 : vector<16xf32>
          %parallel_loop3A_368 = arith.mulf %parallel_loop3A_367, %get3A_18 : vector<16xf32>
          %parallel_loop3A_369 = arith.addf %parallel_loop3A_368, %get3A_50 : vector<16xf32>
          %parallel_loop3A_370 = arith.index_cast %parallel_loop3A_194 : i32 to index
          %parallel_loop3A_371 = arith.constant 48 : index
          %parallel_loop3A_372 = tpu.vector_load %arg13[%parallel_loop3A_370, %parallel_loop3A_371] {strides = array<i32>} : memref<200x128xf32, #tpu.memory_space<vmem>>, vector<16xf32>,
          tpu.vector_store %arg13[%parallel_loop3A_370, %parallel_loop3A_371], %parallel_loop3A_369 {strides = array<i32>} : memref<200x128xf32, #tpu.memory_space<vmem>>, vector<16xf32>,
          %parallel_loop3A_373 = arith.subf %parallel_loop3A_263, %parallel_loop3A_344 : vector<16xf32>
          %parallel_loop3A_374 = arith.mulf %parallel_loop3A_373, %parallel_loop3A_343 : vector<16xf32>
          %parallel_loop3A_375 = arith.mulf %parallel_loop3A_374, %get3A_22 : vector<16xf32>
          %parallel_loop3A_376 = arith.addf %parallel_loop3A_375, %get3A_54 : vector<16xf32>
          %parallel_loop3A_377 = arith.index_cast %parallel_loop3A_194 : i32 to index
          %parallel_loop3A_378 = arith.constant 64 : index
          %parallel_loop3A_379 = tpu.vector_load %arg13[%parallel_loop3A_377, %parallel_loop3A_378] {strides = array<i32>} : memref<200x128xf32, #tpu.memory_space<vmem>>, vector<16xf32>,
          tpu.vector_store %arg13[%parallel_loop3A_377, %parallel_loop3A_378], %parallel_loop3A_376 {strides = array<i32>} : memref<200x128xf32, #tpu.memory_space<vmem>>, vector<16xf32>,
          %parallel_loop3A_380 = arith.subf %parallel_loop3A_277, %parallel_loop3A_344 : vector<16xf32>
          %parallel_loop3A_381 = arith.mulf %parallel_loop3A_380, %parallel_loop3A_343 : vector<16xf32>
          %parallel_loop3A_382 = arith.mulf %parallel_loop3A_381, %get3A_26 : vector<16xf32>
          %parallel_loop3A_383 = arith.addf %parallel_loop3A_382, %get3A_58 : vector<16xf32>
          %parallel_loop3A_384 = arith.index_cast %parallel_loop3A_194 : i32 to index
          %parallel_loop3A_385 = arith.constant 80 : index
          %parallel_loop3A_386 = tpu.vector_load %arg13[%parallel_loop3A_384, %parallel_loop3A_385] {strides = array<i32>} : memref<200x128xf32, #tpu.memory_space<vmem>>, vector<16xf32>,
          tpu.vector_store %arg13[%parallel_loop3A_384, %parallel_loop3A_385], %parallel_loop3A_383 {strides = array<i32>} : memref<200x128xf32, #tpu.memory_space<vmem>>, vector<16xf32>,
          %parallel_loop3A_387 = arith.subf %parallel_loop3A_291, %parallel_loop3A_344 : vector<16xf32>
          %parallel_loop3A_388 = arith.mulf %parallel_loop3A_387, %parallel_loop3A_343 : vector<16xf32>
          %parallel_loop3A_389 = arith.mulf %parallel_loop3A_388, %get3A_30 : vector<16xf32>
          %parallel_loop3A_390 = arith.addf %parallel_loop3A_389, %get3A_62 : vector<16xf32>
          %parallel_loop3A_391 = arith.index_cast %parallel_loop3A_194 : i32 to index
          %parallel_loop3A_392 = arith.constant 96 : index
          %parallel_loop3A_393 = tpu.vector_load %arg13[%parallel_loop3A_391, %parallel_loop3A_392] {strides = array<i32>} : memref<200x128xf32, #tpu.memory_space<vmem>>, vector<16xf32>,
          tpu.vector_store %arg13[%parallel_loop3A_391, %parallel_loop3A_392], %parallel_loop3A_390 {strides = array<i32>} : memref<200x128xf32, #tpu.memory_space<vmem>>, vector<16xf32>,
          %parallel_loop3A_394 = arith.subf %parallel_loop3A_305, %parallel_loop3A_344 : vector<16xf32>
          %parallel_loop3A_395 = arith.mulf %parallel_loop3A_394, %parallel_loop3A_343 : vector<16xf32>
          %parallel_loop3A_396 = arith.mulf %parallel_loop3A_395, %get3A_34 : vector<16xf32>
          %parallel_loop3A_397 = arith.addf %parallel_loop3A_396, %get3A_66 : vector<16xf32>
          %parallel_loop3A_398 = arith.index_cast %parallel_loop3A_194 : i32 to index
          %parallel_loop3A_399 = arith.constant 112 : index
          %parallel_loop3A_400 = tpu.vector_load %arg13[%parallel_loop3A_398, %parallel_loop3A_399] {strides = array<i32>} : memref<200x128xf32, #tpu.memory_space<vmem>>, vector<16xf32>,
          tpu.vector_store %arg13[%parallel_loop3A_398, %parallel_loop3A_399], %parallel_loop3A_397 {strides = array<i32>} : memref<200x128xf32, #tpu.memory_space<vmem>>, vector<16xf32>,
        } {sc.loop_unroll_factor = 1 : i64, sc.parallel_access}
        %add3A_185 = arith.addi %mul3A_2, %add3A_133 : i32
        %dma_start3A_186 = arith.constant 0 : i32
        %dma_start3A_187 = arith.constant 0 : i32
        %dma_start3A_188 = tpu.memref_slice %arg9[%add3A_185, %dma_start3A_186, %dma_start3A_187] : memref<1024x200x128xf32, #tpu.memory_space<hbm>> -> memref<1x200x128xf32, #tpu.memory_space<hbm>>
        %dma_start3A_189 = tpu.memref_squeeze %dma_start3A_188 : memref<1x200x128xf32, #tpu.memory_space<hbm>> -> memref<200x128xf32, #tpu.memory_space<hbm>>
        %dma_start3A_190 = arith.constant 0 : i32
        %dma_start3A_191 = arith.constant 0 : i32
        %dma_start3A_192 = tpu.memref_slice %arg9[%add3A_185, %dma_start3A_190, %dma_start3A_191] : memref<1024x200x128xf32, #tpu.memory_space<hbm>> -> memref<1x200x128xf32, #tpu.memory_space<hbm>>
        %dma_start3A_193 = tpu.memref_squeeze %dma_start3A_192 : memref<1x200x128xf32, #tpu.memory_space<hbm>> -> memref<200x128xf32, #tpu.memory_space<hbm>>
        tpu.enqueue_dma source(%arg13 : memref<200x128xf32, #tpu.memory_space<vmem>>) target(%dma_start3A_193 : memref<200x128xf32, #tpu.memory_space<hbm>>) target_semaphore(%arg22 : memref<!tpu.dma_semaphore, #tpu.memory_space<semaphore_mem>>)
      } else {
      }
      %mul3A_139 = arith.constant 3 : i32
      %mul3A_140 = arith.muli %mul3A_139, %scan3A_123 : i32
      %add3A_141 = arith.constant 2 : i32
      %add3A_142 = arith.addi %mul3A_140, %add3A_141 : i32
      %lt3A_143 = arith.constant 32 : i32
      %lt3A_144 = arith.cmpi slt, %add3A_142, %lt3A_143 : i32
      %convert_element_type3A_145 = arith.extui %lt3A_144 : i1 to i32
      %cond3A_146 = arith.constant 0 : i32
      %cond3A_147 = arith.cmpi ne, %convert_element_type3A_145, %cond3A_146 : i32
      scf.if %cond3A_147 {
        %dma_wait3A_148 = arith.constant 0 : i32
        %dma_wait3A_149 = arith.constant 0 : i32
        %dma_wait3A_150 = arith.constant 0 : i32
        %dma_wait3A_151 = tpu.memref_slice %arg14[%dma_wait3A_149, %dma_wait3A_150] : memref<200x128xf32, #tpu.memory_space<vmem>> -> memref<100x128xf32, #tpu.memory_space<vmem>>
        %dma_wait3A_152 = arith.constant 0 : i32
        %dma_wait3A_153 = tpu.memref_slice %arg10[%add3A_142, %dma_wait3A_148, %dma_wait3A_152] : memref<32x2x100xi32, #tpu.memory_space<vmem>> -> memref<1x1x100xi32, #tpu.memory_space<vmem>>
        %dma_wait3A_154 = tpu.memref_squeeze %dma_wait3A_153 : memref<1x1x100xi32, #tpu.memory_space<vmem>> -> memref<100xi32, #tpu.memory_space<vmem>>
        %dma_wait3A_155 = arith.constant 0 : i32
        %dma_wait3A_156 = arith.constant 0 : i32
        %dma_wait3A_157 = tpu.memref_slice %arg4[%dma_wait3A_155, %dma_wait3A_156] : memref<100000x128xf32, #tpu.memory_space<hbm>> -> memref<100000x128xf32, #tpu.memory_space<hbm>>
        tpu.wait_indirect_dma semaphore(%arg20 : memref<!tpu.dma_semaphore, #tpu.memory_space<semaphore_mem>>) src(%dma_wait3A_157 : memref<100000x128xf32, #tpu.memory_space<hbm>>) dst(%dma_wait3A_151 : memref<100x128xf32, #tpu.memory_space<vmem>>)
        %dma_wait3A_158 = arith.constant 1 : i32
        %dma_wait3A_159 = arith.constant 100 : i32
        %dma_wait3A_160 = arith.constant 0 : i32
        %dma_wait3A_161 = tpu.memref_slice %arg14[%dma_wait3A_159, %dma_wait3A_160] : memref<200x128xf32, #tpu.memory_space<vmem>> -> memref<100x128xf32, #tpu.memory_space<vmem>>
        %dma_wait3A_162 = arith.constant 0 : i32
        %dma_wait3A_163 = tpu.memref_slice %arg10[%add3A_142, %dma_wait3A_158, %dma_wait3A_162] : memref<32x2x100xi32, #tpu.memory_space<vmem>> -> memref<1x1x100xi32, #tpu.memory_space<vmem>>
        %dma_wait3A_164 = tpu.memref_squeeze %dma_wait3A_163 : memref<1x1x100xi32, #tpu.memory_space<vmem>> -> memref<100xi32, #tpu.memory_space<vmem>>
        %dma_wait3A_165 = arith.constant 0 : i32
        %dma_wait3A_166 = arith.constant 0 : i32
        %dma_wait3A_167 = tpu.memref_slice %arg4[%dma_wait3A_165, %dma_wait3A_166] : memref<100000x128xf32, #tpu.memory_space<hbm>> -> memref<100000x128xf32, #tpu.memory_space<hbm>>
        tpu.wait_indirect_dma semaphore(%arg20 : memref<!tpu.dma_semaphore, #tpu.memory_space<semaphore_mem>>) src(%dma_wait3A_167 : memref<100000x128xf32, #tpu.memory_space<hbm>>) dst(%dma_wait3A_161 : memref<100x128xf32, #tpu.memory_space<vmem>>)
        %ge3A = arith.constant 2 : i32
        %ge3A_168 = arith.cmpi sge, %add3A_142, %ge3A : i32
        %add3A_169 = arith.constant 1 : i32
        %add3A_170 = arith.addi %add3A_142, %add3A_169 : i32
        %lt3A_171 = arith.constant 32 : i32
        %lt3A_172 = arith.cmpi slt, %add3A_170, %lt3A_171 : i32
        %and3A = arith.andi %ge3A_168, %lt3A_172 : i1
        %convert_element_type3A_173 = arith.extui %and3A : i1 to i32
        %cond3A_174 = arith.constant 0 : i32
        %cond3A_175 = arith.cmpi ne, %convert_element_type3A_173, %cond3A_174 : i32
        scf.if %cond3A_175 {
          %sub3A = arith.constant 2 : i32
          %sub3A_194 = arith.subi %add3A_142, %sub3A : i32
          %add3A_195 = arith.addi %mul3A_2, %sub3A_194 : i32
          %dma_wait3A_196 = arith.constant 0 : i32
          %dma_wait3A_197 = arith.constant 0 : i32
          %dma_wait3A_198 = tpu.memref_slice %arg9[%add3A_195, %dma_wait3A_196, %dma_wait3A_197] : memref<1024x200x128xf32, #tpu.memory_space<hbm>> -> memref<1x200x128xf32, #tpu.memory_space<hbm>>
          %dma_wait3A_199 = tpu.memref_squeeze %dma_wait3A_198 : memref<1x200x128xf32, #tpu.memory_space<hbm>> -> memref<200x128xf32, #tpu.memory_space<hbm>>
          %dma_wait3A_200 = arith.constant 0 : i32
          %dma_wait3A_201 = arith.constant 0 : i32
          %dma_wait3A_202 = tpu.memref_slice %arg9[%add3A_195, %dma_wait3A_200, %dma_wait3A_201] : memref<1024x200x128xf32, #tpu.memory_space<hbm>> -> memref<1x200x128xf32, #tpu.memory_space<hbm>>
          %dma_wait3A_203 = tpu.memref_squeeze %dma_wait3A_202 : memref<1x200x128xf32, #tpu.memory_space<hbm>> -> memref<200x128xf32, #tpu.memory_space<hbm>>
          tpu.wait_dma2 semaphore(%arg21 : memref<!tpu.dma_semaphore, #tpu.memory_space<semaphore_mem>>) src(%arg12 : memref<200x128xf32, #tpu.memory_space<vmem>>) dst(%dma_wait3A_203 : memref<200x128xf32, #tpu.memory_space<hbm>>)
        } else {
        }
        %add3A_176 = arith.constant 1 : i32
        %add3A_177 = arith.addi %add3A_142, %add3A_176 : i32
        %lt3A_178 = arith.constant 32 : i32
        %lt3A_179 = arith.cmpi slt, %add3A_177, %lt3A_178 : i32
        %convert_element_type3A_180 = arith.extui %lt3A_179 : i1 to i32
        %cond3A_181 = arith.constant 0 : i32
        %cond3A_182 = arith.cmpi ne, %convert_element_type3A_180, %cond3A_181 : i32
        scf.if %cond3A_182 {
          %add3A_194 = arith.constant 1 : i32
          %add3A_195 = arith.addi %add3A_142, %add3A_194 : i32
          %dma_start3A_196 = arith.constant 0 : i32
          %dma_start3A_197 = arith.constant 0 : i32
          %dma_start3A_198 = arith.constant 0 : i32
          %dma_start3A_199 = tpu.memref_slice %arg12[%dma_start3A_197, %dma_start3A_198] : memref<200x128xf32, #tpu.memory_space<vmem>> -> memref<100x128xf32, #tpu.memory_space<vmem>>
          %dma_start3A_200 = arith.constant 0 : i32
          %dma_start3A_201 = tpu.memref_slice %arg10[%add3A_195, %dma_start3A_196, %dma_start3A_200] : memref<32x2x100xi32, #tpu.memory_space<vmem>> -> memref<1x1x100xi32, #tpu.memory_space<vmem>>
          %dma_start3A_202 = tpu.memref_squeeze %dma_start3A_201 : memref<1x1x100xi32, #tpu.memory_space<vmem>> -> memref<100xi32, #tpu.memory_space<vmem>>
          %dma_start3A_203 = arith.constant 0 : i32
          %dma_start3A_204 = arith.constant 0 : i32
          %dma_start3A_205 = tpu.memref_slice %arg4[%dma_start3A_203, %dma_start3A_204] : memref<100000x128xf32, #tpu.memory_space<hbm>> -> memref<100000x128xf32, #tpu.memory_space<hbm>>
          tpu.enqueue_indirect_dma source(%dma_start3A_205 : memref<100000x128xf32, #tpu.memory_space<hbm>>) target(%dma_start3A_199 : memref<100x128xf32, #tpu.memory_space<vmem>>) offsets(%dma_start3A_202 : memref<100xi32, #tpu.memory_space<vmem>>) semaphore(%arg18 : memref<!tpu.dma_semaphore, #tpu.memory_space<semaphore_mem>>)
          %dma_start3A_206 = arith.constant 1 : i32
          %dma_start3A_207 = arith.constant 100 : i32
          %dma_start3A_208 = arith.constant 0 : i32
          %dma_start3A_209 = tpu.memref_slice %arg12[%dma_start3A_207, %dma_start3A_208] : memref<200x128xf32, #tpu.memory_space<vmem>> -> memref<100x128xf32, #tpu.memory_space<vmem>>
          %dma_start3A_210 = arith.constant 0 : i32
          %dma_start3A_211 = tpu.memref_slice %arg10[%add3A_195, %dma_start3A_206, %dma_start3A_210] : memref<32x2x100xi32, #tpu.memory_space<vmem>> -> memref<1x1x100xi32, #tpu.memory_space<vmem>>
          %dma_start3A_212 = tpu.memref_squeeze %dma_start3A_211 : memref<1x1x100xi32, #tpu.memory_space<vmem>> -> memref<100xi32, #tpu.memory_space<vmem>>
          %dma_start3A_213 = arith.constant 0 : i32
          %dma_start3A_214 = arith.constant 0 : i32
          %dma_start3A_215 = tpu.memref_slice %arg4[%dma_start3A_213, %dma_start3A_214] : memref<100000x128xf32, #tpu.memory_space<hbm>> -> memref<100000x128xf32, #tpu.memory_space<hbm>>
          tpu.enqueue_indirect_dma source(%dma_start3A_215 : memref<100000x128xf32, #tpu.memory_space<hbm>>) target(%dma_start3A_209 : memref<100x128xf32, #tpu.memory_space<vmem>>) offsets(%dma_start3A_212 : memref<100xi32, #tpu.memory_space<vmem>>) semaphore(%arg18 : memref<!tpu.dma_semaphore, #tpu.memory_space<semaphore_mem>>)
        } else {
        }
        %broadcast_in_dim3A = vector.broadcast %add3A_142 : i32 to vector<16xi32>
        %parallel_loop3A = arith.constant 0 : i32
        %parallel_loop3A_183 = arith.constant 200 : i32
        %parallel_loop3A_184 = arith.constant 1 : i32
        scf.for %parallel_loop3A_194 = %parallel_loop3A to %parallel_loop3A_183 step %parallel_loop3A_184  : i32 {
          %parallel_loop3A_195 = vector.broadcast %parallel_loop3A_194 : i32 to vector<16xi32>
          %parallel_loop3A_196 = tpu.vector_load_idx %arg11[%broadcast_in_dim3A, %parallel_loop3A_195] : memref<32x208xi32, #tpu.memory_space<vmem>>[vector<16xi32>, vector<16xi32>], vector<16xi32>,
          %parallel_loop3A_197 = vector.extract_strided_slice %parallel_loop3A_196 {offsets = [0], sizes = [1], strides = [1]} : vector<16xi32> to vector<1xi32>
          %parallel_loop3A_198 = vector.extract %parallel_loop3A_197[0] : i32 from vector<1xi32>
          %parallel_loop3A_199 = arith.index_cast %parallel_loop3A_198 : i32 to index
          %parallel_loop3A_200 = arith.constant 0 : index
          %parallel_loop3A_201 = tpu.vector_load %arg15[%parallel_loop3A_199, %parallel_loop3A_200] {strides = array<i32>} : memref<51x128xf32, #tpu.memory_space<vmem>>, vector<16xf32>,
          %parallel_loop3A_202 = arith.index_cast %parallel_loop3A_194 : i32 to index
          %parallel_loop3A_203 = arith.constant 0 : index
          %parallel_loop3A_204 = tpu.vector_load %arg14[%parallel_loop3A_202, %parallel_loop3A_203] {strides = array<i32>} : memref<200x128xf32, #tpu.memory_space<vmem>>, vector<16xf32>,
          %parallel_loop3A_205 = arith.index_cast %parallel_loop3A_194 : i32 to index
          %parallel_loop3A_206 = arith.constant 0 : index
          %parallel_loop3A_207 = tpu.vector_load %arg16[%parallel_loop3A_205, %parallel_loop3A_206] {strides = array<i32>} : memref<200x128xf32, #tpu.memory_space<vmem>>, vector<16xf32>,
          %parallel_loop3A_208 = arith.addf %parallel_loop3A_204, %parallel_loop3A_201 : vector<16xf32>
          %parallel_loop3A_209 = arith.addf %parallel_loop3A_208, %parallel_loop3A_207 : vector<16xf32>
          %parallel_loop3A_210 = arith.mulf %parallel_loop3A_209, %parallel_loop3A_209 : vector<16xf32>
          %parallel_loop3A_211 = arith.index_cast %parallel_loop3A_198 : i32 to index
          %parallel_loop3A_212 = arith.constant 16 : index
          %parallel_loop3A_213 = tpu.vector_load %arg15[%parallel_loop3A_211, %parallel_loop3A_212] {strides = array<i32>} : memref<51x128xf32, #tpu.memory_space<vmem>>, vector<16xf32>,
          %parallel_loop3A_214 = arith.index_cast %parallel_loop3A_194 : i32 to index
          %parallel_loop3A_215 = arith.constant 16 : index
          %parallel_loop3A_216 = tpu.vector_load %arg14[%parallel_loop3A_214, %parallel_loop3A_215] {strides = array<i32>} : memref<200x128xf32, #tpu.memory_space<vmem>>, vector<16xf32>,
          %parallel_loop3A_217 = arith.index_cast %parallel_loop3A_194 : i32 to index
          %parallel_loop3A_218 = arith.constant 16 : index
          %parallel_loop3A_219 = tpu.vector_load %arg16[%parallel_loop3A_217, %parallel_loop3A_218] {strides = array<i32>} : memref<200x128xf32, #tpu.memory_space<vmem>>, vector<16xf32>,
          %parallel_loop3A_220 = arith.addf %parallel_loop3A_216, %parallel_loop3A_213 : vector<16xf32>
          %parallel_loop3A_221 = arith.addf %parallel_loop3A_220, %parallel_loop3A_219 : vector<16xf32>
          %parallel_loop3A_222 = arith.addf %parallel_loop3A_209, %parallel_loop3A_221 : vector<16xf32>
          %parallel_loop3A_223 = arith.mulf %parallel_loop3A_221, %parallel_loop3A_221 : vector<16xf32>
          %parallel_loop3A_224 = arith.addf %parallel_loop3A_210, %parallel_loop3A_223 : vector<16xf32>
          %parallel_loop3A_225 = arith.index_cast %parallel_loop3A_198 : i32 to index
          %parallel_loop3A_226 = arith.constant 32 : index
          %parallel_loop3A_227 = tpu.vector_load %arg15[%parallel_loop3A_225, %parallel_loop3A_226] {strides = array<i32>} : memref<51x128xf32, #tpu.memory_space<vmem>>, vector<16xf32>,
          %parallel_loop3A_228 = arith.index_cast %parallel_loop3A_194 : i32 to index
          %parallel_loop3A_229 = arith.constant 32 : index
          %parallel_loop3A_230 = tpu.vector_load %arg14[%parallel_loop3A_228, %parallel_loop3A_229] {strides = array<i32>} : memref<200x128xf32, #tpu.memory_space<vmem>>, vector<16xf32>,
          %parallel_loop3A_231 = arith.index_cast %parallel_loop3A_194 : i32 to index
          %parallel_loop3A_232 = arith.constant 32 : index
          %parallel_loop3A_233 = tpu.vector_load %arg16[%parallel_loop3A_231, %parallel_loop3A_232] {strides = array<i32>} : memref<200x128xf32, #tpu.memory_space<vmem>>, vector<16xf32>,
          %parallel_loop3A_234 = arith.addf %parallel_loop3A_230, %parallel_loop3A_227 : vector<16xf32>
          %parallel_loop3A_235 = arith.addf %parallel_loop3A_234, %parallel_loop3A_233 : vector<16xf32>
          %parallel_loop3A_236 = arith.addf %parallel_loop3A_222, %parallel_loop3A_235 : vector<16xf32>
          %parallel_loop3A_237 = arith.mulf %parallel_loop3A_235, %parallel_loop3A_235 : vector<16xf32>
          %parallel_loop3A_238 = arith.addf %parallel_loop3A_224, %parallel_loop3A_237 : vector<16xf32>
          %parallel_loop3A_239 = arith.index_cast %parallel_loop3A_198 : i32 to index
          %parallel_loop3A_240 = arith.constant 48 : index
          %parallel_loop3A_241 = tpu.vector_load %arg15[%parallel_loop3A_239, %parallel_loop3A_240] {strides = array<i32>} : memref<51x128xf32, #tpu.memory_space<vmem>>, vector<16xf32>,
          %parallel_loop3A_242 = arith.index_cast %parallel_loop3A_194 : i32 to index
          %parallel_loop3A_243 = arith.constant 48 : index
          %parallel_loop3A_244 = tpu.vector_load %arg14[%parallel_loop3A_242, %parallel_loop3A_243] {strides = array<i32>} : memref<200x128xf32, #tpu.memory_space<vmem>>, vector<16xf32>,
          %parallel_loop3A_245 = arith.index_cast %parallel_loop3A_194 : i32 to index
          %parallel_loop3A_246 = arith.constant 48 : index
          %parallel_loop3A_247 = tpu.vector_load %arg16[%parallel_loop3A_245, %parallel_loop3A_246] {strides = array<i32>} : memref<200x128xf32, #tpu.memory_space<vmem>>, vector<16xf32>,
          %parallel_loop3A_248 = arith.addf %parallel_loop3A_244, %parallel_loop3A_241 : vector<16xf32>
          %parallel_loop3A_249 = arith.addf %parallel_loop3A_248, %parallel_loop3A_247 : vector<16xf32>
          %parallel_loop3A_250 = arith.addf %parallel_loop3A_236, %parallel_loop3A_249 : vector<16xf32>
          %parallel_loop3A_251 = arith.mulf %parallel_loop3A_249, %parallel_loop3A_249 : vector<16xf32>
          %parallel_loop3A_252 = arith.addf %parallel_loop3A_238, %parallel_loop3A_251 : vector<16xf32>
          %parallel_loop3A_253 = arith.index_cast %parallel_loop3A_198 : i32 to index
          %parallel_loop3A_254 = arith.constant 64 : index
          %parallel_loop3A_255 = tpu.vector_load %arg15[%parallel_loop3A_253, %parallel_loop3A_254] {strides = array<i32>} : memref<51x128xf32, #tpu.memory_space<vmem>>, vector<16xf32>,
          %parallel_loop3A_256 = arith.index_cast %parallel_loop3A_194 : i32 to index
          %parallel_loop3A_257 = arith.constant 64 : index
          %parallel_loop3A_258 = tpu.vector_load %arg14[%parallel_loop3A_256, %parallel_loop3A_257] {strides = array<i32>} : memref<200x128xf32, #tpu.memory_space<vmem>>, vector<16xf32>,
          %parallel_loop3A_259 = arith.index_cast %parallel_loop3A_194 : i32 to index
          %parallel_loop3A_260 = arith.constant 64 : index
          %parallel_loop3A_261 = tpu.vector_load %arg16[%parallel_loop3A_259, %parallel_loop3A_260] {strides = array<i32>} : memref<200x128xf32, #tpu.memory_space<vmem>>, vector<16xf32>,
          %parallel_loop3A_262 = arith.addf %parallel_loop3A_258, %parallel_loop3A_255 : vector<16xf32>
          %parallel_loop3A_263 = arith.addf %parallel_loop3A_262, %parallel_loop3A_261 : vector<16xf32>
          %parallel_loop3A_264 = arith.addf %parallel_loop3A_250, %parallel_loop3A_263 : vector<16xf32>
          %parallel_loop3A_265 = arith.mulf %parallel_loop3A_263, %parallel_loop3A_263 : vector<16xf32>
          %parallel_loop3A_266 = arith.addf %parallel_loop3A_252, %parallel_loop3A_265 : vector<16xf32>
          %parallel_loop3A_267 = arith.index_cast %parallel_loop3A_198 : i32 to index
          %parallel_loop3A_268 = arith.constant 80 : index
          %parallel_loop3A_269 = tpu.vector_load %arg15[%parallel_loop3A_267, %parallel_loop3A_268] {strides = array<i32>} : memref<51x128xf32, #tpu.memory_space<vmem>>, vector<16xf32>,
          %parallel_loop3A_270 = arith.index_cast %parallel_loop3A_194 : i32 to index
          %parallel_loop3A_271 = arith.constant 80 : index
          %parallel_loop3A_272 = tpu.vector_load %arg14[%parallel_loop3A_270, %parallel_loop3A_271] {strides = array<i32>} : memref<200x128xf32, #tpu.memory_space<vmem>>, vector<16xf32>,
          %parallel_loop3A_273 = arith.index_cast %parallel_loop3A_194 : i32 to index
          %parallel_loop3A_274 = arith.constant 80 : index
          %parallel_loop3A_275 = tpu.vector_load %arg16[%parallel_loop3A_273, %parallel_loop3A_274] {strides = array<i32>} : memref<200x128xf32, #tpu.memory_space<vmem>>, vector<16xf32>,
          %parallel_loop3A_276 = arith.addf %parallel_loop3A_272, %parallel_loop3A_269 : vector<16xf32>
          %parallel_loop3A_277 = arith.addf %parallel_loop3A_276, %parallel_loop3A_275 : vector<16xf32>
          %parallel_loop3A_278 = arith.addf %parallel_loop3A_264, %parallel_loop3A_277 : vector<16xf32>
          %parallel_loop3A_279 = arith.mulf %parallel_loop3A_277, %parallel_loop3A_277 : vector<16xf32>
          %parallel_loop3A_280 = arith.addf %parallel_loop3A_266, %parallel_loop3A_279 : vector<16xf32>
          %parallel_loop3A_281 = arith.index_cast %parallel_loop3A_198 : i32 to index
          %parallel_loop3A_282 = arith.constant 96 : index
          %parallel_loop3A_283 = tpu.vector_load %arg15[%parallel_loop3A_281, %parallel_loop3A_282] {strides = array<i32>} : memref<51x128xf32, #tpu.memory_space<vmem>>, vector<16xf32>,
          %parallel_loop3A_284 = arith.index_cast %parallel_loop3A_194 : i32 to index
          %parallel_loop3A_285 = arith.constant 96 : index
          %parallel_loop3A_286 = tpu.vector_load %arg14[%parallel_loop3A_284, %parallel_loop3A_285] {strides = array<i32>} : memref<200x128xf32, #tpu.memory_space<vmem>>, vector<16xf32>,
          %parallel_loop3A_287 = arith.index_cast %parallel_loop3A_194 : i32 to index
          %parallel_loop3A_288 = arith.constant 96 : index
          %parallel_loop3A_289 = tpu.vector_load %arg16[%parallel_loop3A_287, %parallel_loop3A_288] {strides = array<i32>} : memref<200x128xf32, #tpu.memory_space<vmem>>, vector<16xf32>,
          %parallel_loop3A_290 = arith.addf %parallel_loop3A_286, %parallel_loop3A_283 : vector<16xf32>
          %parallel_loop3A_291 = arith.addf %parallel_loop3A_290, %parallel_loop3A_289 : vector<16xf32>
          %parallel_loop3A_292 = arith.addf %parallel_loop3A_278, %parallel_loop3A_291 : vector<16xf32>
          %parallel_loop3A_293 = arith.mulf %parallel_loop3A_291, %parallel_loop3A_291 : vector<16xf32>
          %parallel_loop3A_294 = arith.addf %parallel_loop3A_280, %parallel_loop3A_293 : vector<16xf32>
          %parallel_loop3A_295 = arith.index_cast %parallel_loop3A_198 : i32 to index
          %parallel_loop3A_296 = arith.constant 112 : index
          %parallel_loop3A_297 = tpu.vector_load %arg15[%parallel_loop3A_295, %parallel_loop3A_296] {strides = array<i32>} : memref<51x128xf32, #tpu.memory_space<vmem>>, vector<16xf32>,
          %parallel_loop3A_298 = arith.index_cast %parallel_loop3A_194 : i32 to index
          %parallel_loop3A_299 = arith.constant 112 : index
          %parallel_loop3A_300 = tpu.vector_load %arg14[%parallel_loop3A_298, %parallel_loop3A_299] {strides = array<i32>} : memref<200x128xf32, #tpu.memory_space<vmem>>, vector<16xf32>,
          %parallel_loop3A_301 = arith.index_cast %parallel_loop3A_194 : i32 to index
          %parallel_loop3A_302 = arith.constant 112 : index
          %parallel_loop3A_303 = tpu.vector_load %arg16[%parallel_loop3A_301, %parallel_loop3A_302] {strides = array<i32>} : memref<200x128xf32, #tpu.memory_space<vmem>>, vector<16xf32>,
          %parallel_loop3A_304 = arith.addf %parallel_loop3A_300, %parallel_loop3A_297 : vector<16xf32>
          %parallel_loop3A_305 = arith.addf %parallel_loop3A_304, %parallel_loop3A_303 : vector<16xf32>
          %parallel_loop3A_306 = arith.addf %parallel_loop3A_292, %parallel_loop3A_305 : vector<16xf32>
          %parallel_loop3A_307 = arith.mulf %parallel_loop3A_305, %parallel_loop3A_305 : vector<16xf32>
          %parallel_loop3A_308 = arith.addf %parallel_loop3A_294, %parallel_loop3A_307 : vector<16xf32>
          %parallel_loop3A_309 = arith.constant true
          %parallel_loop3A_310 = vector.broadcast %parallel_loop3A_309 : i1 to vector<16xi1>
          %parallel_loop3A_311 = tpu.scan <sum>, %parallel_loop3A_306 masked %parallel_loop3A_310 : vector<16xf32>, vector<16xi1> -> vector<16xf32>
          %parallel_loop3A_312 = vector.extract %parallel_loop3A_311[15] : f32 from vector<16xf32>
          %parallel_loop3A_313 = arith.mulf %parallel_loop3A_312, %scan3A_88 : f32
          %parallel_loop3A_314 = arith.constant true
          %parallel_loop3A_315 = vector.broadcast %parallel_loop3A_314 : i1 to vector<16xi1>
          %parallel_loop3A_316 = tpu.scan <sum>, %parallel_loop3A_308 masked %parallel_loop3A_315 : vector<16xf32>, vector<16xi1> -> vector<16xf32>
          %parallel_loop3A_317 = vector.extract %parallel_loop3A_316[15] : f32 from vector<16xf32>
          %parallel_loop3A_318 = arith.mulf %parallel_loop3A_317, %scan3A_88 : f32
          %parallel_loop3A_319 = arith.mulf %parallel_loop3A_313, %parallel_loop3A_313 : f32
          %parallel_loop3A_320 = arith.subf %parallel_loop3A_318, %parallel_loop3A_319 : f32
          %parallel_loop3A_321 = arith.constant 9.99999996E-13 : f32
          %parallel_loop3A_322 = arith.addf %parallel_loop3A_320, %parallel_loop3A_321 : f32
          %parallel_loop3A_323 = arith.bitcast %parallel_loop3A_322 : f32 to i32
          %parallel_loop3A_324 = arith.constant 1 : i32
          %parallel_loop3A_325 = arith.shrsi %parallel_loop3A_323, %parallel_loop3A_324 : i32
          %parallel_loop3A_326 = arith.constant 1597463007 : i32
          %parallel_loop3A_327 = arith.subi %parallel_loop3A_326, %parallel_loop3A_325 : i32
          %parallel_loop3A_328 = arith.bitcast %parallel_loop3A_327 : i32 to f32
          %parallel_loop3A_329 = arith.constant 5.000000e-01 : f32
          %parallel_loop3A_330 = arith.mulf %parallel_loop3A_329, %parallel_loop3A_322 : f32
          %parallel_loop3A_331 = arith.mulf %parallel_loop3A_330, %parallel_loop3A_328 : f32
          %parallel_loop3A_332 = arith.mulf %parallel_loop3A_331, %parallel_loop3A_328 : f32
          %parallel_loop3A_333 = arith.constant 1.500000e+00 : f32
          %parallel_loop3A_334 = arith.subf %parallel_loop3A_333, %parallel_loop3A_332 : f32
          %parallel_loop3A_335 = arith.mulf %parallel_loop3A_328, %parallel_loop3A_334 : f32
          %parallel_loop3A_336 = arith.constant 5.000000e-01 : f32
          %parallel_loop3A_337 = arith.mulf %parallel_loop3A_336, %parallel_loop3A_322 : f32
          %parallel_loop3A_338 = arith.mulf %parallel_loop3A_337, %parallel_loop3A_335 : f32
          %parallel_loop3A_339 = arith.mulf %parallel_loop3A_338, %parallel_loop3A_335 : f32
          %parallel_loop3A_340 = arith.constant 1.500000e+00 : f32
          %parallel_loop3A_341 = arith.subf %parallel_loop3A_340, %parallel_loop3A_339 : f32
          %parallel_loop3A_342 = arith.mulf %parallel_loop3A_335, %parallel_loop3A_341 : f32
          %parallel_loop3A_343 = vector.broadcast %parallel_loop3A_342 : f32 to vector<16xf32>
          %parallel_loop3A_344 = vector.broadcast %parallel_loop3A_313 : f32 to vector<16xf32>
          %parallel_loop3A_345 = arith.subf %parallel_loop3A_209, %parallel_loop3A_344 : vector<16xf32>
          %parallel_loop3A_346 = arith.mulf %parallel_loop3A_345, %parallel_loop3A_343 : vector<16xf32>
          %parallel_loop3A_347 = arith.mulf %parallel_loop3A_346, %get3A_6 : vector<16xf32>
          %parallel_loop3A_348 = arith.addf %parallel_loop3A_347, %get3A_38 : vector<16xf32>
          %parallel_loop3A_349 = arith.index_cast %parallel_loop3A_194 : i32 to index
          %parallel_loop3A_350 = arith.constant 0 : index
          %parallel_loop3A_351 = tpu.vector_load %arg14[%parallel_loop3A_349, %parallel_loop3A_350] {strides = array<i32>} : memref<200x128xf32, #tpu.memory_space<vmem>>, vector<16xf32>,
          tpu.vector_store %arg14[%parallel_loop3A_349, %parallel_loop3A_350], %parallel_loop3A_348 {strides = array<i32>} : memref<200x128xf32, #tpu.memory_space<vmem>>, vector<16xf32>,
          %parallel_loop3A_352 = arith.subf %parallel_loop3A_221, %parallel_loop3A_344 : vector<16xf32>
          %parallel_loop3A_353 = arith.mulf %parallel_loop3A_352, %parallel_loop3A_343 : vector<16xf32>
          %parallel_loop3A_354 = arith.mulf %parallel_loop3A_353, %get3A_10 : vector<16xf32>
          %parallel_loop3A_355 = arith.addf %parallel_loop3A_354, %get3A_42 : vector<16xf32>
          %parallel_loop3A_356 = arith.index_cast %parallel_loop3A_194 : i32 to index
          %parallel_loop3A_357 = arith.constant 16 : index
          %parallel_loop3A_358 = tpu.vector_load %arg14[%parallel_loop3A_356, %parallel_loop3A_357] {strides = array<i32>} : memref<200x128xf32, #tpu.memory_space<vmem>>, vector<16xf32>,
          tpu.vector_store %arg14[%parallel_loop3A_356, %parallel_loop3A_357], %parallel_loop3A_355 {strides = array<i32>} : memref<200x128xf32, #tpu.memory_space<vmem>>, vector<16xf32>,
          %parallel_loop3A_359 = arith.subf %parallel_loop3A_235, %parallel_loop3A_344 : vector<16xf32>
          %parallel_loop3A_360 = arith.mulf %parallel_loop3A_359, %parallel_loop3A_343 : vector<16xf32>
          %parallel_loop3A_361 = arith.mulf %parallel_loop3A_360, %get3A_14 : vector<16xf32>
          %parallel_loop3A_362 = arith.addf %parallel_loop3A_361, %get3A_46 : vector<16xf32>
          %parallel_loop3A_363 = arith.index_cast %parallel_loop3A_194 : i32 to index
          %parallel_loop3A_364 = arith.constant 32 : index
          %parallel_loop3A_365 = tpu.vector_load %arg14[%parallel_loop3A_363, %parallel_loop3A_364] {strides = array<i32>} : memref<200x128xf32, #tpu.memory_space<vmem>>, vector<16xf32>,
          tpu.vector_store %arg14[%parallel_loop3A_363, %parallel_loop3A_364], %parallel_loop3A_362 {strides = array<i32>} : memref<200x128xf32, #tpu.memory_space<vmem>>, vector<16xf32>,
          %parallel_loop3A_366 = arith.subf %parallel_loop3A_249, %parallel_loop3A_344 : vector<16xf32>
          %parallel_loop3A_367 = arith.mulf %parallel_loop3A_366, %parallel_loop3A_343 : vector<16xf32>
          %parallel_loop3A_368 = arith.mulf %parallel_loop3A_367, %get3A_18 : vector<16xf32>
          %parallel_loop3A_369 = arith.addf %parallel_loop3A_368, %get3A_50 : vector<16xf32>
          %parallel_loop3A_370 = arith.index_cast %parallel_loop3A_194 : i32 to index
          %parallel_loop3A_371 = arith.constant 48 : index
          %parallel_loop3A_372 = tpu.vector_load %arg14[%parallel_loop3A_370, %parallel_loop3A_371] {strides = array<i32>} : memref<200x128xf32, #tpu.memory_space<vmem>>, vector<16xf32>,
          tpu.vector_store %arg14[%parallel_loop3A_370, %parallel_loop3A_371], %parallel_loop3A_369 {strides = array<i32>} : memref<200x128xf32, #tpu.memory_space<vmem>>, vector<16xf32>,
          %parallel_loop3A_373 = arith.subf %parallel_loop3A_263, %parallel_loop3A_344 : vector<16xf32>
          %parallel_loop3A_374 = arith.mulf %parallel_loop3A_373, %parallel_loop3A_343 : vector<16xf32>
          %parallel_loop3A_375 = arith.mulf %parallel_loop3A_374, %get3A_22 : vector<16xf32>
          %parallel_loop3A_376 = arith.addf %parallel_loop3A_375, %get3A_54 : vector<16xf32>
          %parallel_loop3A_377 = arith.index_cast %parallel_loop3A_194 : i32 to index
          %parallel_loop3A_378 = arith.constant 64 : index
          %parallel_loop3A_379 = tpu.vector_load %arg14[%parallel_loop3A_377, %parallel_loop3A_378] {strides = array<i32>} : memref<200x128xf32, #tpu.memory_space<vmem>>, vector<16xf32>,
          tpu.vector_store %arg14[%parallel_loop3A_377, %parallel_loop3A_378], %parallel_loop3A_376 {strides = array<i32>} : memref<200x128xf32, #tpu.memory_space<vmem>>, vector<16xf32>,
          %parallel_loop3A_380 = arith.subf %parallel_loop3A_277, %parallel_loop3A_344 : vector<16xf32>
          %parallel_loop3A_381 = arith.mulf %parallel_loop3A_380, %parallel_loop3A_343 : vector<16xf32>
          %parallel_loop3A_382 = arith.mulf %parallel_loop3A_381, %get3A_26 : vector<16xf32>
          %parallel_loop3A_383 = arith.addf %parallel_loop3A_382, %get3A_58 : vector<16xf32>
          %parallel_loop3A_384 = arith.index_cast %parallel_loop3A_194 : i32 to index
          %parallel_loop3A_385 = arith.constant 80 : index
          %parallel_loop3A_386 = tpu.vector_load %arg14[%parallel_loop3A_384, %parallel_loop3A_385] {strides = array<i32>} : memref<200x128xf32, #tpu.memory_space<vmem>>, vector<16xf32>,
          tpu.vector_store %arg14[%parallel_loop3A_384, %parallel_loop3A_385], %parallel_loop3A_383 {strides = array<i32>} : memref<200x128xf32, #tpu.memory_space<vmem>>, vector<16xf32>,
          %parallel_loop3A_387 = arith.subf %parallel_loop3A_291, %parallel_loop3A_344 : vector<16xf32>
          %parallel_loop3A_388 = arith.mulf %parallel_loop3A_387, %parallel_loop3A_343 : vector<16xf32>
          %parallel_loop3A_389 = arith.mulf %parallel_loop3A_388, %get3A_30 : vector<16xf32>
          %parallel_loop3A_390 = arith.addf %parallel_loop3A_389, %get3A_62 : vector<16xf32>
          %parallel_loop3A_391 = arith.index_cast %parallel_loop3A_194 : i32 to index
          %parallel_loop3A_392 = arith.constant 96 : index
          %parallel_loop3A_393 = tpu.vector_load %arg14[%parallel_loop3A_391, %parallel_loop3A_392] {strides = array<i32>} : memref<200x128xf32, #tpu.memory_space<vmem>>, vector<16xf32>,
          tpu.vector_store %arg14[%parallel_loop3A_391, %parallel_loop3A_392], %parallel_loop3A_390 {strides = array<i32>} : memref<200x128xf32, #tpu.memory_space<vmem>>, vector<16xf32>,
          %parallel_loop3A_394 = arith.subf %parallel_loop3A_305, %parallel_loop3A_344 : vector<16xf32>
          %parallel_loop3A_395 = arith.mulf %parallel_loop3A_394, %parallel_loop3A_343 : vector<16xf32>
          %parallel_loop3A_396 = arith.mulf %parallel_loop3A_395, %get3A_34 : vector<16xf32>
          %parallel_loop3A_397 = arith.addf %parallel_loop3A_396, %get3A_66 : vector<16xf32>
          %parallel_loop3A_398 = arith.index_cast %parallel_loop3A_194 : i32 to index
          %parallel_loop3A_399 = arith.constant 112 : index
          %parallel_loop3A_400 = tpu.vector_load %arg14[%parallel_loop3A_398, %parallel_loop3A_399] {strides = array<i32>} : memref<200x128xf32, #tpu.memory_space<vmem>>, vector<16xf32>,
          tpu.vector_store %arg14[%parallel_loop3A_398, %parallel_loop3A_399], %parallel_loop3A_397 {strides = array<i32>} : memref<200x128xf32, #tpu.memory_space<vmem>>, vector<16xf32>,
        } {sc.loop_unroll_factor = 1 : i64, sc.parallel_access}
        %add3A_185 = arith.addi %mul3A_2, %add3A_142 : i32
        %dma_start3A_186 = arith.constant 0 : i32
        %dma_start3A_187 = arith.constant 0 : i32
        %dma_start3A_188 = tpu.memref_slice %arg9[%add3A_185, %dma_start3A_186, %dma_start3A_187] : memref<1024x200x128xf32, #tpu.memory_space<hbm>> -> memref<1x200x128xf32, #tpu.memory_space<hbm>>
        %dma_start3A_189 = tpu.memref_squeeze %dma_start3A_188 : memref<1x200x128xf32, #tpu.memory_space<hbm>> -> memref<200x128xf32, #tpu.memory_space<hbm>>
        %dma_start3A_190 = arith.constant 0 : i32
        %dma_start3A_191 = arith.constant 0 : i32
        %dma_start3A_192 = tpu.memref_slice %arg9[%add3A_185, %dma_start3A_190, %dma_start3A_191] : memref<1024x200x128xf32, #tpu.memory_space<hbm>> -> memref<1x200x128xf32, #tpu.memory_space<hbm>>
        %dma_start3A_193 = tpu.memref_squeeze %dma_start3A_192 : memref<1x200x128xf32, #tpu.memory_space<hbm>> -> memref<200x128xf32, #tpu.memory_space<hbm>>
        tpu.enqueue_dma source(%arg14 : memref<200x128xf32, #tpu.memory_space<vmem>>) target(%dma_start3A_193 : memref<200x128xf32, #tpu.memory_space<hbm>>) target_semaphore(%arg23 : memref<!tpu.dma_semaphore, #tpu.memory_space<semaphore_mem>>)
      } else {
      }
    }
    %scan3A_93 = arith.constant 11 : i32
    %add3A_94 = arith.constant 29 : i32
    %add3A_95 = arith.addi %mul3A_2, %add3A_94 : i32
    %dma_wait3A = arith.constant 0 : i32
    %dma_wait3A_96 = arith.constant 0 : i32
    %dma_wait3A_97 = tpu.memref_slice %arg9[%add3A_95, %dma_wait3A, %dma_wait3A_96] : memref<1024x200x128xf32, #tpu.memory_space<hbm>> -> memref<1x200x128xf32, #tpu.memory_space<hbm>>
    %dma_wait3A_98 = tpu.memref_squeeze %dma_wait3A_97 : memref<1x200x128xf32, #tpu.memory_space<hbm>> -> memref<200x128xf32, #tpu.memory_space<hbm>>
    %dma_wait3A_99 = arith.constant 0 : i32
    %dma_wait3A_100 = arith.constant 0 : i32
    %dma_wait3A_101 = tpu.memref_slice %arg9[%add3A_95, %dma_wait3A_99, %dma_wait3A_100] : memref<1024x200x128xf32, #tpu.memory_space<hbm>> -> memref<1x200x128xf32, #tpu.memory_space<hbm>>
    %dma_wait3A_102 = tpu.memref_squeeze %dma_wait3A_101 : memref<1x200x128xf32, #tpu.memory_space<hbm>> -> memref<200x128xf32, #tpu.memory_space<hbm>>
    tpu.wait_dma2 semaphore(%arg23 : memref<!tpu.dma_semaphore, #tpu.memory_space<semaphore_mem>>) src(%arg14 : memref<200x128xf32, #tpu.memory_space<vmem>>) dst(%dma_wait3A_102 : memref<200x128xf32, #tpu.memory_space<hbm>>)
    %add3A_103 = arith.constant 30 : i32
    %add3A_104 = arith.addi %mul3A_2, %add3A_103 : i32
    %dma_wait3A_105 = arith.constant 0 : i32
    %dma_wait3A_106 = arith.constant 0 : i32
    %dma_wait3A_107 = tpu.memref_slice %arg9[%add3A_104, %dma_wait3A_105, %dma_wait3A_106] : memref<1024x200x128xf32, #tpu.memory_space<hbm>> -> memref<1x200x128xf32, #tpu.memory_space<hbm>>
    %dma_wait3A_108 = tpu.memref_squeeze %dma_wait3A_107 : memref<1x200x128xf32, #tpu.memory_space<hbm>> -> memref<200x128xf32, #tpu.memory_space<hbm>>
    %dma_wait3A_109 = arith.constant 0 : i32
    %dma_wait3A_110 = arith.constant 0 : i32
    %dma_wait3A_111 = tpu.memref_slice %arg9[%add3A_104, %dma_wait3A_109, %dma_wait3A_110] : memref<1024x200x128xf32, #tpu.memory_space<hbm>> -> memref<1x200x128xf32, #tpu.memory_space<hbm>>
    %dma_wait3A_112 = tpu.memref_squeeze %dma_wait3A_111 : memref<1x200x128xf32, #tpu.memory_space<hbm>> -> memref<200x128xf32, #tpu.memory_space<hbm>>
    tpu.wait_dma2 semaphore(%arg21 : memref<!tpu.dma_semaphore, #tpu.memory_space<semaphore_mem>>) src(%arg12 : memref<200x128xf32, #tpu.memory_space<vmem>>) dst(%dma_wait3A_112 : memref<200x128xf32, #tpu.memory_space<hbm>>)
    %add3A_113 = arith.constant 31 : i32
    %add3A_114 = arith.addi %mul3A_2, %add3A_113 : i32
    %dma_wait3A_115 = arith.constant 0 : i32
    %dma_wait3A_116 = arith.constant 0 : i32
    %dma_wait3A_117 = tpu.memref_slice %arg9[%add3A_114, %dma_wait3A_115, %dma_wait3A_116] : memref<1024x200x128xf32, #tpu.memory_space<hbm>> -> memref<1x200x128xf32, #tpu.memory_space<hbm>>
    %dma_wait3A_118 = tpu.memref_squeeze %dma_wait3A_117 : memref<1x200x128xf32, #tpu.memory_space<hbm>> -> memref<200x128xf32, #tpu.memory_space<hbm>>
    %dma_wait3A_119 = arith.constant 0 : i32
    %dma_wait3A_120 = arith.constant 0 : i32
    %dma_wait3A_121 = tpu.memref_slice %arg9[%add3A_114, %dma_wait3A_119, %dma_wait3A_120] : memref<1024x200x128xf32, #tpu.memory_space<hbm>> -> memref<1x200x128xf32, #tpu.memory_space<hbm>>
    %dma_wait3A_122 = tpu.memref_squeeze %dma_wait3A_121 : memref<1x200x128xf32, #tpu.memory_space<hbm>> -> memref<200x128xf32, #tpu.memory_space<hbm>>
    tpu.wait_dma2 semaphore(%arg22 : memref<!tpu.dma_semaphore, #tpu.memory_space<semaphore_mem>>) src(%arg13 : memref<200x128xf32, #tpu.memory_space<vmem>>) dst(%dma_wait3A_122 : memref<200x128xf32, #tpu.memory_space<hbm>>)
    return
  }
}

</mosaic_0001>

<sc_bundles>
// kernel: kernel.3.cloned.1.call-start
scs
__scs_entry_jumppad:
0x0: {  	(pc) =	sbr.rel $0x88, $3  }
0x1: {  	(tag) =	ssettag $0x0;
	lr =	simm.s32 $0x1  }
0x2: {  	[smem:$0x3F9A] =	sst lr;
	_ =	strace $0xD0000000  }
0x3: {  	_ = 	snop  }
0x4: {  	_ = 	snop  }
0x5: {  	_ = 	snop  }
0x6: {  	_ = 	snop  }
0x7: {  	_ = 	snop  }
__scs_overlays_trampoline_lowered:
0x8: {  	[smem:$0x3FA9] =	sst s0  }
0x9: {  	[smem:$0x3FAA] =	sst s1  }
0xa: {  	[smem:$0x3FAB] =	sst s2  }
0xb: {  	[smem:$0x3FAC] =	sst s3  }
0xc: {  	[smem:$0x3FAD] =	sst s4  }
0xd: {  	[smem:$0x3FAE] =	sst s5  }
0xe: {  	[smem:$0x3FAF] =	sst s6  }
0xf: {  	[smem:$0x3FB0] =	sst s7  }
0x10: {  	[smem:$0x3FB1] =	sst s8  }
0x11: {  	[smem:$0x3FB2] =	sst s9;
	s0 =	simm.s32 @!p0 $0x0  }
0x12: {  	s1 =	sld [smem:$0x3F98];
	s0 =	simm.s32 @p0 $0x1  }
0x13: {  	[smem:$0x3FB3] =	sst s0;
	s0 =	simm.s32 @!p1 $0x0  }
0x14: {  	s2 =	sld [smem:$0x3F97];
	s0 =	simm.s32 @p1 $0x1  }
0x15: {  	[smem:$0x3FB4] =	sst s0;
	s0 =	simm.s32 @!p2 $0x0  }
0x16: {  	s3 =	sld [smem:$0x3FDB];
	s0 =	simm.s32 @p2 $0x1  }
0x17: {  	s4 =	simm.s32 $0x1BF5;
	[smem:$0x3FB6] =	sst s0  }
0x18: {  	s0 =	sld [smem:$0x3F99];
	_ =	swait.ge [sflag:s4], $0x0  }
0x19: {  	s7 =	sld [smem:$0x3F9A]  }
0x1a: {  	s8 =	sadd.s32 $0xFFFFE003, lr  }
0x1b: {  	s9 =	sadd.s32 $0xFFFFFEF7, lr;
	s5 =	simm.s32 $0xFFFFFFFF;
	p2 =	slt.u32 s8, $0xFFFFF086  }
0x1c: {  	p1 =	slt.u32 s9, $0xF7A;
	s5 =	simm.s32 @!p2 $0x0  }
0x1d: {  	s5 =	simm.s32 @p1 $0x1;
	p0 =	seq.s32 s7, s2  }
0x1e: {  	s7 =	smul.u32 @!p0 $0xF7A, s2;
	p2 =	seq.s32 @!p0 s5, $0x0  }
0x1f: {  	s9 =	smul.u32 $0xF7A, s1;
	s8 =	simm.s32 @!p0 $0x1BF5;
	p2 =	por !p2, p0  }
0x20: {  	[sflag:s8] =	ssyncset.s32 @!p0 $0xFFFFF086;
	s6 =	sadd.s32 @!p0 s3, s7;
	s7 =	simm.s32 @!p0 $0x108  }
0x21: {  	s3 =	sadd.s32 s3, s9;
	s6 =	sadd.s32 @!p0 $0x88, s6;
	s7 =	simm.s32 @p2 $0x1082  }
0x22: {  	[simem:s7], [sflag:s8] =	dma.local @!p0 [hbm:s6], $0xF7A  }
0x23: {  	s9 =	sor.u32 $0xD0000000, s2;
	s6 =	simm.s32 $0x108;
	_ =	swait.ge @!p0 [sflag:s8], $0x0  }
0x24: {  	s3 =	sadd.s32 $0x88, s3;
	s6 =	simm.s32 @!p1 $0x1082;
	[sflag:s4] =	ssyncset.s32 $0xFFFFF086  }
0x25: {  	[simem:s6], [sflag:s4] =	dma.local [hbm:s3], $0xF7A  }
0x26: {  	[smem:$0x3F9A] =	sst s1;
	(tag) =	ssettag s2;
	_ =	strace s9  }
0x27: {  	s1 =	sld [smem:$0x3FAA]  }
0x28: {  	s2 =	sld [smem:$0x3FAB]  }
0x29: {  	s4 =	sld [smem:$0x3FAD]  }
0x2a: {  	p0 =	seq.s32 s5, $0x0;
	s5 =	sld [smem:$0x3FAE]  }
0x2b: {  	s6 =	sld [smem:$0x3FAF]  }
0x2c: {  	s7 =	sld [smem:$0x3FB0]  }
0x2d: {  	s3 =	simm.s32 $0x108;
	s8 =	sld [smem:$0x3FB1]  }
0x2e: {  	s3 =	simm.s32 @!p0 $0x1082;
	s9 =	sld [smem:$0x3FB2]  }
0x2f: {  	lr =	sadd.s32 s0, s3;
	s0 =	sld [smem:$0x3FA9]  }
0x30: {  	s3 =	sld [smem:$0x3FAC]  }
0x31: {  	[smem:$0x3FB5] =	sst s10  }
0x32: {  	s10 =	sld [smem:$0x3FB3];
	_ =	sdelay $0x3  }
0x33: {  	p0 =	seq.s32 s10, $0x1;
	s10 =	sld [smem:$0x3FB5];
	_ =	sdelay $0x3  }
0x34: {  	[smem:$0x3FB5] =	sst s10  }
0x35: {  	s10 =	sld [smem:$0x3FB4];
	_ =	sdelay $0x3  }
0x36: {  	p1 =	seq.s32 s10, $0x1;
	s10 =	sld [smem:$0x3FB5];
	_ =	sdelay $0x3  }
0x37: {  	[smem:$0x3FB5] =	sst s10  }
0x38: {  	s10 =	sld [smem:$0x3FB6]  }
0x39: {  	_ = 	snop;
	(pc) =	sbr.ind lr, $3  }
0x3a: {  	_ = 	snop  }
0x3b: {  	_ = 	snop  }
0x3c: {  	p2 =	seq.s32 s10, $0x1;
	s10 =	sld [smem:$0x3FB5]  }
0x3d: {  	_ =	shalt  }
0x3e: {  	_ =	shalt  }
0x3f: {  	_ =	shalt  }
0x40: {  	_ =	shalt  }
0x41: {  	_ =	shalt  }
0x42: {  	_ =	shalt  }
0x43: {  	_ =	shalt  }
0x44: {  	_ =	shalt  }
0x45: {  	_ =	shalt  }
0x46: {  	_ =	shalt  }
0x47: {  	_ =	shalt  }
0x48: {  	_ =	shalt  }
0x49: {  	_ =	shalt  }
0x4a: {  	_ =	shalt  }
0x4b: {  	_ =	shalt  }
0x4c: {  	_ =	shalt  }
0x4d: {  	_ =	shalt  }
0x4e: {  	_ =	shalt  }
0x4f: {  	_ =	shalt  }
0x50: {  	_ =	shalt  }
0x51: {  	_ =	shalt  }
0x52: {  	_ =	shalt  }
0x53: {  	_ =	shalt  }
0x54: {  	_ =	shalt  }
0x55: {  	_ =	shalt  }
0x56: {  	_ =	shalt  }
0x57: {  	_ =	shalt  }
0x58: {  	_ =	shalt  }
0x59: {  	_ =	shalt  }
0x5a: {  	_ =	shalt  }
0x5b: {  	_ =	shalt  }
0x5c: {  	_ =	shalt  }
0x5d: {  	_ =	shalt  }
0x5e: {  	_ =	shalt  }
0x5f: {  	_ =	shalt  }
0x60: {  	_ =	shalt  }
0x61: {  	_ =	shalt  }
0x62: {  	_ =	shalt  }
0x63: {  	_ =	shalt  }
0x64: {  	_ =	shalt  }
0x65: {  	_ =	shalt  }
0x66: {  	_ =	shalt  }
0x67: {  	_ =	shalt  }
0x68: {  	_ =	shalt  }
0x69: {  	_ =	shalt  }
0x6a: {  	_ =	shalt  }
0x6b: {  	_ =	shalt  }
0x6c: {  	_ =	shalt  }
0x6d: {  	_ =	shalt  }
0x6e: {  	_ =	shalt  }
0x6f: {  	_ =	shalt  }
0x70: {  	_ =	shalt  }
0x71: {  	_ =	shalt  }
0x72: {  	_ =	shalt  }
0x73: {  	_ =	shalt  }
0x74: {  	_ =	shalt  }
0x75: {  	_ =	shalt  }
0x76: {  	_ =	shalt  }
0x77: {  	_ =	shalt  }
0x78: {  	_ =	shalt  }
0x79: {  	_ =	shalt  }
0x7a: {  	_ =	shalt  }
0x7b: {  	_ =	shalt  }
0x7c: {  	_ =	shalt  }
0x7d: {  	_ =	shalt  }
0x7e: {  	_ =	shalt  }
0x7f: {  	_ =	shalt  }
0x80: {  	_ =	shalt  }
0x81: {  	_ =	shalt  }
0x82: {  	_ =	shalt  }
0x83: {  	_ =	shalt  }
0x84: {  	_ =	shalt  }
0x85: {  	_ =	shalt  }
0x86: {  	_ =	shalt  }
0x87: {  	_ =	shalt  }
.Lfunc_end0:
.L_simem_size_0:
called_computation_lowered:
.L_overlay_start_0:
0x88: {  	s2 =	sld [smem:$0x3FD9]  }
0x89: {  	s3 =	sld [smem:$0x3FFE];
	_ =	sdelay $0x1  }
0x8a: {  	s1 =	srdreg.scid  }
0x8b: {  	s0 =	sand.u32 $0x1, s1  }
0x8c: {  	s17 =	sshll.u32 s0, $0xA;
	s2 =	sadd.s32 s3, s2  }
0x8d: {  	s2 =	sadd.s32 s2, s17  }
0x8e: {  	[smem:$0x3FC1] =	sst s2  }
0x8f: {  	_ = 	snop  }
0x90: {  	s2 =	sld [smem:$0x3FC7]  }
0x91: {  	s18 =	sld [smem:$0x3FC6]  }
0x92: {  	s4 =	sld [smem:$0x3FC5]  }
0x93: {  	s5 =	sld [smem:$0x3FC4]  }
0x94: {  	s6 =	sld [smem:$0x3FC3]  }
0x95: {  	s7 =	sld [smem:$0x3FD0];
	(tm) =	ssettm $0x1  }
0x96: {  	s8 =	sld [smem:$0x3FFB];
	_ =	sdelay $0x3  }
0x97: {  	_ =	strace s8  }
0x98: {  	s8 =	sld [smem:$0x3FFC];
	_ =	sdelay $0x3  }
0x99: {  	_ =	strace s8  }
0x9a: {  	s8 =	sld [smem:$0x3FFD];
	_ =	sdelay $0x3  }
0x9b: {  	_ =	strace s8  }
0x9c: {  	_ =	strace $0x8FFFFFFF  }
0x9d: {  	s19 =	sld [smem:$0x3FDB];
	_ =	sdelay $0x1  }
0x9e: {  	s9 =	simm.s32 $_scs_section_size  }
0x9f: {  	s10 =	simm.s32 $_size__tile_overlayer_lowered;
	s11 =	simm.s32 $_tile_overlayer_lowered  }
0xa0: {  	s22 =	simm.s32 $0x1BFF;
	s21 =	sshll.u32 s11, $0x1;
	s8 =	sadd.s32 s9, s19  }
0xa1: {  	s12 =	simm.s32 $0x0;
	s20 =	sshll.u32 s10, $0x1;
	s10 =	sadd.s32 s21, s8  }
0xa2: {  	[timem:s12], [sflag:s22] =	dma.local [hbm:s10], s20  }
0xa3: {  	_ =	swait.ge [sflag:s22], s20  }
0xa4: {  	s9 =	ssub.s32 $0x0, s20;
	[sflag:s22] =	ssyncset.done $0x0  }
0xa5: {  	[sflag:s22] =	ssyncadd.s32 s9;
	_ =	sdelay $0x1  }
0xa6: {  	s23 =	simm.s32 $0x1B8B  }
0xa7: {  	_ =	swait.ge [sflag:s23], $0x1  }
0xa8: {  	[sflag:s23] =	ssyncset.done $0x0  }
0xa9: {  	s25 =	simm.s32 $0x1B8E;
	s24 =	sld [smem:$0x3FFE];
	[sflag:s23] =	ssyncadd.s32 $0xFFFFFFFF  }
0xaa: {  	s26 =	simm.s32 $execute0_lowered;
	[smem:$0x3FD2] =	sst s25  }
0xab: {  	s10 =	sshll.u32 s26, $0x1;
	_ =	strace $0x80000046;
	[dreg:$0x1] =	wrdreg $0xFFFFFFFF  }
0xac: {  	s28 =	simm.s32 $_size_execute0_lowered;
	s8 =	sadd.s32 s8, s10;
	[dreg:$0x0] =	wrdreg $0x0  }
0xad: {  	s10 =	sshll.u32 s28, $0x1;
	[dreg:$0x2] =	wrdreg s8  }
0xae: {  	[dreg:$0x3] =	wrdreg s10  }
0xaf: {  	[dreg:$0x4] =	wrdreg $0xC0  }
0xb0: {  	_ =	task [dreg:s12], $0x5FFFF  }
0xb1: {  	[dreg:$0x1] =	wrdreg $0xFFFFFFFF  }
0xb2: {  	[dreg:$0x0] =	wrdreg $0x60  }
0xb3: {  	[dreg:$0x2] =	wrdreg s24  }
0xb4: {  	[dreg:$0x3] =	wrdreg s2  }
0xb5: {  	[dreg:$0x4] =	wrdreg s18  }
0xb6: {  	[dreg:$0x5] =	wrdreg s4  }
0xb7: {  	[dreg:$0x6] =	wrdreg s5  }
0xb8: {  	[dreg:$0x7] =	wrdreg s6  }
0xb9: {  	[dreg:$0x8] =	wrdreg s7  }
0xba: {  	[dreg:$0x9] =	wrdreg $0x9  }
0xbb: {  	_ =	task.clear_ibuf [dreg:s12], $0xAFFFF;
	_ =	strace $0x90000046  }
0xbc: {  	s29 =	simm.s32 $0x9;
	_ =	strace $0x80000048  }
0xbd: {  	_ =	swait.ge [sflag:s29], $0x1  }
0xbe: {  	[sflag:s29] =	ssyncadd.s32 $0xFFFFFFFF  }
0xbf: {  	_ =	strace $0x90000048  }
0xc0: {  	_ =	sfence  }
0xc1: {  	s30 =	sld [smem:$0x0];
	_ =	sdelay $0x2  }
0xc2: {  	s31 =	sshll.u32 s1, $0xD;
	s1 =	sshrl.u32 s1, $0x2  }
0xc3: {  	s3 =	sand.u32 $0x4000, s31;
	s1 =	sadd.s32 s1, s30  }
0xc4: {  	s0 =	sor.u32 s3, s0;
	s1 =	sshll.u32 s1, $0x11  }
0xc5: {  	s0 =	sor.u32 s1, s0  }
0xc6: {  	s0 =	sadd.s32 $0x8F2B, s0  }
0xc7: {  	[sflag:s0] =	ssyncadd.remote.s32 $0x1  }
0xc8: {  	_ =	sfence.sel $0xFFFF  }
0xc9: {  	[dreg:$0x0] =	wrdreg $0xFFFFFFFF;
	(pc) =	sbr.abs _section_cstart, $3  }
0xca: {  	[dreg:$0x1] =	wrdreg $0xFFFFFFFF  }
0xcb: {  	_ =	task.clear_ibuf [dreg:s12], $0x2FFFF;
	_ =	strace $0x9FFFFFFF  }
0xcc: {  	(tm) =	ssettm $0x7FFFFFFF  }
0xcd: {  	_ =	shalt  }
tec
execute0_lowered:
.L_overlay_start_1:
0x0: {  	(tag) =	ssettag $0x1  }
0x1: {  	s1 =	rddreg [dreg:$0x0]  }
0x2: {  	s0 =	rddreg [dreg:$0x1];
	s2 =	srdreg.scid  }
0x3: {  	s7 =	rddreg [dreg:$0x6];
	s3 =	stileid.u32;
	s8 =	simm.s32 $0x0  }
0x4: {  	s14 =	simm.s32 $0x2000;
	s19 =	simm.s32 $0x64;
	s20 =	simm.s32 $0x4000  }
0x5: {  	s23 =	simm.s32 $0x1;
	s24 =	simm.s32 $0xA400;
	s2 =	sand.u32 $0x1, s2  }
0x6: {  	s3 =	sshll.u32 s3, $0x6;
	s4 =	sshll.u32 s2, $0x5;
	s2 =	ssub.s32 $0x2, s2  }
0x7: {  	s26 =	simm.s32 $0x2;
	s9 =	sor.u32 s4, s3;
	s29 =	sshrl.u32 s2, $0x1  }
.Ltmp0:
0x8: {  	s3 =	sshll.u32 s9, $0x5;
	s2 =	ssub.s32 s2, s29;
	(pc) =	sbr.rel .LBB2_1-.Ltmp0, $4  }
0x9: {  	[smem:$0x7FF] =	sst s8;
	s1 =	sadd.s32 s3, s1;
	s30 =	smax.u32 s2, $0x1  }
0xa: {  	_ =	strace $0x80000047;
	s3 =	sadd.s32 $0x400, s1;
	[dreg:$0xa] =	wrdreg s30  }
0xb: {  	s31 =	simm.s32 $0x4;
	s1 =	sadd.s32 $0x8400, s1;
	[dreg:$0x8] =	wrdreg s3  }
0xc: {  	s4 =	simm.s32 $0x3;
	[dreg:$0x9] =	wrdreg s1;
	s3 =	simm.s32 $0x0  }
.LBB2_14:
0xd: {  	s1 =	simm.s32 $0x6  }
0xe: {  	_ =	swait.ge [sflag:s1], $0x6400  }
0xf: {  	[sflag:s1] =	ssyncset.done $0x0  }
0x10: {  	[sflag:s1] =	ssyncadd.s32 $0xFFFF9C00  }
0x11: {  	_ =	swait.ge [sflag:s31], $0x6400  }
0x12: {  	[sflag:s31] =	ssyncset.done $0x0  }
0x13: {  	s2 =	simm.s32 $0x5;
	[sflag:s31] =	ssyncadd.s32 $0xFFFF9C00  }
0x14: {  	_ =	swait.ge [sflag:s2], $0x6400  }
0x15: {  	s3 =	rddreg [dreg:$0xb]  }
0x16: {  	s30 =	rddreg [dreg:$0xa];
	s3 =	sadd.s32 $0x1, s3  }
0x17: {  	p0 =	sne.s32 s3, s30  }
.Ltmp1:
0x18: {  	_ = 	snop;
	(pc) =	sbr.rel @!p0 .LBB2_15-.Ltmp1, $3  }
0x19: {  	_ =	sdelay $0x1  }
0x1a: {  	[sflag:s2] =	ssyncset.done $0x0  }
0x1b: {  	[sflag:s2] =	ssyncadd.s32 $0xFFFF9C00  }
.LBB2_1:
0x1c: {  	[dreg:$0xb] =	wrdreg s3  }
0x1d: {  	s1 =	rddreg [dreg:$0x8];
	s2 =	simm.s32 $0x7  }
0x1e: {  	[tilespmem:s8], [sflag:$0x7] =	stream.linear.gather [hbm4b:s1+s8], $0x2000, $0x38;
	[tilespmem:$0x1ED00] =	vst v63  }
0x1f: {  	_ =	swait.ge [sflag:s2], $0x2000  }
0x20: {  	[sflag:s2] =	ssyncset.done $0x0  }
0x21: {  	s13 =	rddreg [dreg:$0x9];
	[sflag:s2] =	ssyncadd.s32 $0xFFFFE000  }
0x22: {  	[tilespmem:s14], [sflag:$0x7] =	stream.linear.gather [hbm4b:s13+s8], $0x2000, $0x38;
	[tilespmem:$0x1ED00] =	vst v63  }
0x23: {  	_ =	swait.ge [sflag:s2], $0x2000  }
0x24: {  	[sflag:s2] =	ssyncset.done $0x0  }
0x25: {  	[sflag:s2] =	ssyncadd.s32 $0xFFFFE000  }
0x26: {  	s16 =	simm.s32 $0x16C00;
	s15 =	rddreg [dreg:$0x2]  }
0x27: {  	[tilespmem:s16], [sflag:$0x7] =	stream.linear.gather [hbm4b:s15+s8], $0x1980, $0x38;
	[tilespmem:$0x1ED00] =	vst v63  }
0x28: {  	_ =	swait.ge [sflag:s2], $0x1980  }
0x29: {  	[sflag:s2] =	ssyncset.done $0x0  }
0x2a: {  	[sflag:s2] =	ssyncadd.s32 $0xFFFFE680  }
0x2b: {  	s18 =	simm.s32 $0x18800;
	s17 =	rddreg [dreg:$0x3]  }
0x2c: {  	[tilespmem:s18], [sflag:$0x7] =	stream.linear.gather [hbm4b:s17+s8], $0x6400, $0x38;
	[tilespmem:$0x1ED00] =	vst v63  }
0x2d: {  	_ =	swait.ge [sflag:s2], $0x6400  }
0x2e: {  	[sflag:s2] =	ssyncset.done $0x0  }
0x2f: {  	[sflag:s2] =	ssyncadd.s32 $0xFFFF9C00  }
0x30: {  	s22 =	simm.s32 $0x1EC00;
	s21 =	rddreg [dreg:$0x4]  }
0x31: {  	[tilespmem:s22], [sflag:$0x7] =	stream.linear.gather [hbm4b:s21+s8], $0x80, $0x38;
	[tilespmem:$0x1ED00] =	vst v63  }
0x32: {  	_ =	swait.ge [sflag:s2], $0x80  }
0x33: {  	[sflag:s2] =	ssyncset.done $0x0  }
0x34: {  	[sflag:s2] =	ssyncadd.s32 $0xFFFFFF80  }
0x35: {  	s28 =	simm.s32 $0x1EC80;
	s25 =	rddreg [dreg:$0x5]  }
0x36: {  	[tilespmem:s28], [sflag:$0x7] =	stream.linear.gather [hbm4b:s25+s8], $0x80, $0x38;
	[tilespmem:$0x1ED00] =	vst v63  }
0x37: {  	_ =	swait.ge [sflag:s2], $0x80  }
0x38: {  	[sflag:s2] =	ssyncset.done $0x0  }
0x39: {  	[sflag:s2] =	ssyncadd.s32 $0xFFFFFF80  }
0x3a: {  	v0 =	vld [tilespmem:$0x1EC00]  }
0x3b: {  	v1 =	vld [tilespmem:$0x1EC10]  }
0x3c: {  	v2 =	vld [tilespmem:$0x1EC20]  }
0x3d: {  	v3 =	vld [tilespmem:$0x1EC30]  }
0x3e: {  	v4 =	vld [tilespmem:$0x1EC40]  }
0x3f: {  	v5 =	vld [tilespmem:$0x1EC50]  }
0x40: {  	v6 =	vld [tilespmem:$0x1EC60]  }
0x41: {  	v7 =	vld [tilespmem:$0x1EC70]  }
0x42: {  	v8 =	vld [tilespmem:$0x1EC80]  }
0x43: {  	v9 =	vld [tilespmem:$0x1EC90]  }
0x44: {  	v10 =	vld [tilespmem:$0x1ECA0]  }
0x45: {  	v11 =	vld [tilespmem:$0x1ECB0]  }
0x46: {  	v12 =	vld [tilespmem:$0x1ECC0]  }
0x47: {  	v13 =	vld [tilespmem:$0x1ECD0]  }
0x48: {  	v14 =	vld [tilespmem:$0x1ECE0]  }
0x49: {  	v15 =	vld [tilespmem:$0x1ECF0];
	[tilespmem:s20], [sflag:$0x1] =	stream.indirect.gather [hbm4b:s0+s19], $0x80, s8, s19, $0xb8  }
0x4a: {  	s29 =	simm.s32 $0x80;
	s30 =	simm.s32 $0x7200;
	s2 =	simm.s32 $0x0  }
0x4b: {  	[tilespmem:s30], [sflag:$0x1] =	stream.indirect.gather [hbm4b:s0+s19], $0x80, s29, s19, $0xb8;
	[tilespmem:$0x1ED00] =	vst v63  }
.LBB2_2:
0x4c: {  	s5 =	smul.u32 $0x3, s2;
	_ =	swait.ge [sflag:s23], $0x3200  }
0x4d: {  	[sflag:s23] =	ssyncset.done $0x0  }
0x4e: {  	[sflag:s23] =	ssyncadd.s32 $0xFFFFCE00;
	v16 =	vmov s5  }
0x4f: {  	s1 =	simm.s32 $0x0;
	_ =	swait.ge [sflag:s23], $0x3200;
	v17 =	vshll.u32 v16, $0x8;
	v16 =	vshll.u32 v16, $0x7  }
0x50: {  	p0 =	seq.s32 s2, $0x0;
	v18 =	vmov s1;
	[sflag:s23] =	ssyncset.done $0x0;
	v17 =	vand.u32 $0x3800, v17;
	v16 =	vand.u32 $0x380, v16  }
0x51: {  	s3 =	smul.u32 $0xC00, s2;
	s1 =	simm.s32 @!p0 $0x5;
	[sflag:s23] =	ssyncadd.s32 $0xFFFFCE00;
	v16 =	vor.u32 v17, v16;
	v17 =	vand.u32 $0x7F, v18;
	v18 =	vshll.u32 v18, $0x3  }
0x52: {  	_ =	swait.ge @!p0 [sflag:s1], $0x6400;
	v18 =	vand.u32 $0x400, v18;
	v17 =	vor.u32 v17, v16  }
0x53: {  	s6 =	sshra.s32 s3, $0x2;
	[sflag:s1] =	ssyncset.done @!p0 $0x0;
	v17 =	vor.u32 v18, v17  }
0x54: {  	s21 =	sadd.s32 $0x100, s6;
	[sflag:s1] =	ssyncadd.s32 @!p0 $0xFFFF9C00  }
0x55: {  	[tilespmem:s24], [sflag:$0x2] =	stream.indirect.gather [hbm4b:s0+s19], $0x80, s21, s19, $0xb8;
	[tilespmem:$0x1ED00] =	vst v63  }
0x56: {  	s25 =	simm.s32 $0xD600;
	s22 =	sadd.s32 $0x180, s6  }
0x57: {  	[tilespmem:s25], [sflag:$0x2] =	stream.indirect.gather [hbm4b:s0+s19], $0x80, s22, s19, $0xb8;
	[tilespmem:$0x1ED00] =	vst v63  }
0x58: {  	v17 =	vld.idx.msk [tilespmem:v17+s14+$0x0], $0xffff;
	_ =	sdelay $0x4  }
0x59: {  	(v2sf) =	vpush v17, $0x0;
	_ =	sdelay $0x4  }
0x5a: {  	s29 =	simm.s32 $0x1  }
0x5b: {  	s28 =	simm.s32 $0x18840;
	v19 =	vmov s29  }
0x5c: {  	s15 =	simm.s32 $0x4040;
	v21 =	vand.u32 $0x7F, v19;
	v19 =	vshll.u32 v19, $0x3;
	v18 =	vld [tilespmem:s28+$0xFFFFFFE0]  }
0x5d: {  	v19 =	vand.u32 $0x400, v19;
	v21 =	vor.u32 v21, v16;
	v20 =	vld [tilespmem:s15+$0xFFFFFFE0]  }
0x5e: {  	v19 =	vor.u32 v19, v21;
	v23 =	vld [tilespmem:s28+$0x0]  }
0x5f: {  	v22 =	vld [tilespmem:s15+$0xFFFFFFC0]  }
0x60: {  	v21 =	vld [tilespmem:s15+$0xFFFFFFF0]  }
0x61: {  	v24 =	vld [tilespmem:s15+$0x0]  }
0x62: {  	v25 =	vld [tilespmem:s15+$0x10]  }
0x63: {  	v19 =	vld.idx.msk [tilespmem:v19+s14+$0x0], $0xffff  }
0x64: {  	v30 =	vld [tilespmem:s28+$0xFFFFFFC0];
	s30 =	spop (v2sf)  }
0x65: {  	v31 =	vld [tilespmem:s15+$0xFFFFFFD0];
	s3 =	sshll.u32 s30, $0x9  }
0x66: {  	v33 =	vld [tilespmem:s28+$0xFFFFFFD0];
	s3 =	sshra.s32 s3, $0x2  }
0x67: {  	v26 =	vld [tilespmem:s3+$0x16C50]  }
0x68: {  	v28 =	vld [tilespmem:s3+$0x16C00]  }
0x69: {  	(v2sf) =	vpush v19, $0x0;
	v29 =	vld [tilespmem:s3+$0x16C10]  }
0x6a: {  	v27 =	vld [tilespmem:s3+$0x16C40]  }
0x6b: {  	v32 =	vld [tilespmem:s3+$0x16C20]  }
0x6c: {  	v34 =	vld [tilespmem:s3+$0x16C30]  }
0x6d: {  	v35 =	vld [tilespmem:s15+$0x20];
	v19 =	vadd.f32 v22, v28  }
0x6e: {  	v25 =	vadd.f32 v25, v26;
	v26 =	vld [tilespmem:s3+$0x16C60];
	v28 =	vadd.f32 v31, v29  }
0x6f: {  	v24 =	vadd.f32 v24, v27;
	v27 =	vld [tilespmem:s28+$0xFFFFFFF0];
	v22 =	vadd.f32 v30, v19  }
0x70: {  	v29 =	vld [tilespmem:s28+$0x20];
	v30 =	vadd.f32 v20, v32;
	v20 =	vadd.f32 v33, v28  }
0x71: {  	v17 =	vld [tilespmem:s15+$0x30];
	v28 =	vadd.f32 v21, v34;
	v19 =	vadd.f32 v23, v24  }
0x72: {  	v31 =	vld [tilespmem:s3+$0x16C70];
	v21 =	vadd.f32 v18, v30;
	v18 =	vadd.f32 v20, v22  }
0x73: {  	s16 =	simm.s32 $0x40C0;
	v23 =	vmul.f32 v22, v22;
	v30 =	vld [tilespmem:s28+$0x10];
	v49 =	vmul.f32 v20, v20;
	v24 =	vadd.f32 v35, v26  }
0x74: {  	v50 =	vld [tilespmem:s16+$0x30];
	v26 =	vadd.f32 v27, v28;
	v27 =	vadd.f32 v21, v18  }
0x75: {  	v53 =	vld [tilespmem:s16+$0xFFFFFFC0];
	v23 =	vadd.f32 v49, v23;
	v18 =	vadd.f32 v29, v24;
	v24 =	vmul.f32 v21, v21  }
0x76: {  	v36 =	vld [tilespmem:s16+$0x10];
	v29 =	vadd.f32 v26, v27  }
0x77: {  	s11 =	simm.s32 $0x188C0;
	v28 =	vld [tilespmem:s28+$0x30];
	v17 =	vadd.f32 v17, v31;
	v31 =	vmul.f32 v26, v26;
	v23 =	vadd.f32 v24, v23  }
0x78: {  	v58 =	vld [tilespmem:s11+$0xFFFFFFC0];
	s12 =	spop (v2sf);
	v27 =	vadd.f32 v30, v25;
	v29 =	vadd.f32 v19, v29  }
0x79: {  	v40 =	vld [tilespmem:s11+$0xFFFFFFD0];
	s3 =	sshll.u32 s12, $0x9;
	v51 =	vmul.f32 v19, v19;
	v23 =	vadd.f32 v31, v23  }
0x7a: {  	s10 =	simm.s32 $0x2;
	v60 =	vld [tilespmem:s11+$0x0];
	s3 =	sshra.s32 s3, $0x2;
	v29 =	vadd.f32 v27, v29  }
0x7b: {  	v56 =	vld [tilespmem:s3+$0x16C50];
	v25 =	vmov s10;
	v54 =	vmul.f32 v27, v27;
	v23 =	vadd.f32 v51, v23  }
0x7c: {  	v38 =	vld [tilespmem:s3+$0x16C40];
	v55 =	vmul.f32 v18, v18;
	v28 =	vadd.f32 v28, v17;
	v29 =	vadd.f32 v18, v29  }
0x7d: {  	v57 =	vld [tilespmem:s3+$0x16C10];
	v52 =	vand.u32 $0x7F, v25;
	v25 =	vshll.u32 v25, $0x3;
	v23 =	vadd.f32 v54, v23  }
0x7e: {  	v39 =	vld [tilespmem:s3+$0x16C20];
	v25 =	vand.u32 $0x400, v25;
	v31 =	vor.u32 v52, v16;
	v29 =	vadd.f32 v28, v29  }
0x7f: {  	v41 =	vld [tilespmem:s3+$0x16C30];
	v25 =	vor.u32 v25, v31;
	v37 =	vmul.f32 v28, v28;
	v23 =	vadd.f32 v55, v23  }
0x80: {  	(xrf2) =	vadd.scan.msk.f32 $0xffff, v29;
	v29 =	vld [tilespmem:s3+$0x16C00]  }
0x81: {  	v30 =	vld [tilespmem:s16+$0xFFFFFFE0];
	v23 =	vadd.f32 v37, v23  }
0x82: {  	v17 =	vld [tilespmem:s16+$0x0]  }
0x83: {  	(xrf2) =	vadd.scan.msk.f32 $0xffff, v23;
	v23 =	vld [tilespmem:s16+$0xFFFFFFD0]  }
0x84: {  	v25 =	vld.idx.msk [tilespmem:v25+s14+$0x0], $0xffff  }
0x85: {  	v31 =	vld [tilespmem:s16+$0xFFFFFFF0];
	v29 =	vadd.f32 v53, v29  }
0x86: {  	v24 =	vld [tilespmem:s11+$0xFFFFFFE0]  }
0x87: {  	v36 =	vadd.f32 v36, v56;
	v32 =	vadd.f32 v58, v29;
	v29 =	vld [tilespmem:s11+$0xFFFFFFF0]  }
0x88: {  	v42 =	vld [tilespmem:s3+$0x16C60];
	v30 =	vadd.f32 v30, v39;
	v23 =	vadd.f32 v23, v57  }
0x89: {  	v17 =	vadd.f32 v17, v38;
	(v2sf) =	vpush v25, $0x0;
	v25 =	vld [tilespmem:s16+$0x20]  }
0x8a: {  	v62 =	vld [tilespmem:s11+$0x10];
	v31 =	vadd.f32 v31, v41;
	v59, _, _ =	vpop (xrf2);
	v35 =	vadd.f32 v40, v23  }
0x8b: {  	v34 =	vadd.f32 v24, v30;
	v23 =	vld [tilespmem:s11+$0x20];
	(v2sf) =	vpush v59, $0xF  }
0x8c: {  	v61 =	vld [tilespmem:s3+$0x16C70];
	v30 =	vadd.f32 v35, v32;
	v47 =	vadd.f32 v29, v31  }
0x8d: {  	v31 =	vadd.f32 v60, v17;
	v17 =	vmul.f32 v32, v32;
	v29 =	vmul.f32 v35, v35;
	v24, _, _ =	vpop (xrf2)  }
0x8e: {  	v25 =	vadd.f32 v25, v42;
	(v2sf) =	vpush v24, $0xF  }
0x8f: {  	v63 =	vld [tilespmem:s11+$0x30];
	v46 =	vmul.f32 v34, v34;
	v24 =	vadd.f32 v34, v30;
	v17 =	vadd.f32 v29, v17  }
0x90: {  	s17 =	simm.s32 $0x4140;
	s18 =	simm.s32 $0x3;
	v48 =	vmul.f32 v47, v47;
	v29 =	vadd.f32 v62, v36;
	v30 =	vadd.f32 v23, v25  }
0x91: {  	v43 =	vld [tilespmem:s17+$0xFFFFFFC0];
	v25 =	vadd.f32 v50, v61;
	v50 =	vmov s18;
	v24 =	vadd.f32 v47, v24  }
0x92: {  	v44 =	vld [tilespmem:s17+$0xFFFFFFF0];
	v17 =	vadd.f32 v46, v17;
	v51 =	vand.u32 $0x7F, v50;
	v41 =	vshll.u32 v50, $0x3  }
0x93: {  	s13 =	simm.s32 $0x18940;
	v52 =	vld [tilespmem:s17+$0x0];
	v41 =	vand.u32 $0x400, v41;
	v33 =	vor.u32 v51, v16;
	v24 =	vadd.f32 v31, v24  }
0x94: {  	v38 =	vld [tilespmem:s13+$0xFFFFFFE0];
	v40 =	vadd.f32 v48, v17;
	v17 =	vadd.f32 v63, v25;
	v25 =	vor.u32 v41, v33  }
0x95: {  	v54 =	vld [tilespmem:s17+$0x10]  }
0x96: {  	v42 =	vld [tilespmem:s17+$0xFFFFFFE0];
	v49 =	vmul.f32 v31, v31;
	v24 =	vadd.f32 v29, v24  }
0x97: {  	v59 =	vld [tilespmem:s13+$0xFFFFFFD0]  }
0x98: {  	v36 =	vld [tilespmem:s17+$0x20];
	v53 =	vmul.f32 v29, v29;
	v39 =	vadd.f32 v49, v40;
	v24 =	vadd.f32 v30, v24  }
0x99: {  	s21 =	spop (v2sf);
	v25 =	vld.idx.msk [tilespmem:v25+s14+$0x0], $0xffff  }
0x9a: {  	v62 =	vld [tilespmem:s13+$0x20];
	v45 =	vmul.f32 v30, v30;
	s3 =	sshll.u32 s21, $0x9;
	v37 =	vadd.f32 v53, v39;
	v24 =	vadd.f32 v17, v24  }
0x9b: {  	v48 =	vld [tilespmem:s13+$0xFFFFFFC0];
	s3 =	sshra.s32 s3, $0x2;
	s10 =	spop (v2sf)  }
0x9c: {  	v55 =	vld [tilespmem:s3+$0x16C50];
	v37 =	vadd.f32 v45, v37;
	(xrf2) =	vadd.scan.msk.f32 $0xffff, v24;
	v24 =	vmul.f32 v17, v17;
	s10 =	smul.f32 $7.812500000e-03, s10  }
0x9d: {  	v46 =	vld [tilespmem:s3+$0x16C30]  }
0x9e: {  	v57 =	vld [tilespmem:s3+$0x16C00];
	v24 =	vadd.f32 v24, v37;
	(v2sf) =	vpush v25, $0x0;
	s11 =	smul.f32 s10, s10;
	s12 =	spop (v2sf)  }
0x9f: {  	v58 =	vld [tilespmem:s3+$0x16C10];
	s12 =	smul.f32 $7.812500000e-03, s12  }
0xa0: {  	v49 =	vmov s10;
	(xrf2) =	vadd.scan.msk.f32 $0xffff, v24;
	v24 =	vld [tilespmem:s17+$0xFFFFFFD0]  }
0xa1: {  	v41 =	vsub.f32 v22, v49;
	v22 =	vld [tilespmem:s3+$0x16C20];
	s22 =	ssub.f32 s12, s11  }
0xa2: {  	v23 =	vld [tilespmem:s17+$0x30];
	v40 =	vadd.f32 v54, v55  }
0xa3: {  	v56 =	vld [tilespmem:s3+$0x16C40];
	v51 =	vsub.f32 v20, v49;
	v20 =	vadd.f32 v44, v46;
	s10 =	sadd.f32 $9.999999960e-13, s22  }
0xa4: {  	v50 =	vld [tilespmem:s13+$0x0];
	v44 =	vsub.f32 v21, v49;
	v21 =	vadd.f32 v43, v57  }
0xa5: {  	v45 =	vsub.f32 v19, v49;
	v19 =	vadd.f32 v24, v58;
	v24 =	vld [tilespmem:s13+$0xFFFFFFF0];
	s25 =	sshra.s32 s10, $0x1;
	s10 =	smul.f32 $5.000000000e-01, s10  }
0xa6: {  	v60 =	vld [tilespmem:s3+$0x16C60];
	v25 =	vadd.f32 v48, v21;
	v21 =	vadd.f32 v42, v22;
	v61, _, _ =	vpop (xrf2);
	s11 =	ssub.s32 $0x5F3759DF, s25  }
0xa7: {  	s18 =	simm.s32 $0x41C0;
	v63 =	vld [tilespmem:s3+$0x16C70];
	(v2sf) =	vpush v61, $0xF;
	v22 =	vadd.f32 v59, v19;
	s28 =	smul.f32 s11, s10  }
0xa8: {  	s30 =	simm.s32 $0x189C0;
	v53 =	vld [tilespmem:s18+$0xFFFFFFE0];
	v33 =	vadd.f32 v52, v56;
	v39 =	vsub.f32 v18, v49  }
0xa9: {  	v52 =	vld [tilespmem:s30+$0x20];
	v56 =	vmul.f32 v25, v25;
	v21 =	vadd.f32 v38, v21;
	v48 =	vadd.f32 v22, v25;
	s29 =	smul.f32 s11, s28  }
0xaa: {  	v57 =	vld [tilespmem:s13+$0x10];
	v19 =	vadd.f32 v50, v33;
	v58, _, _ =	vpop (xrf2);
	v18 =	vadd.f32 v24, v20;
	v24 =	vmul.f32 v22, v22  }
0xab: {  	v55 =	vld [tilespmem:s18+$0xFFFFFFC0];
	(v2sf) =	vpush v58, $0xF;
	v59 =	vadd.f32 v21, v48;
	s3 =	ssub.f32 $1.500000000e+00, s29  }
0xac: {  	v36 =	vadd.f32 v36, v60;
	v46 =	vld [tilespmem:s30+$0xFFFFFFE0];
	v60 =	vmul.f32 v21, v21;
	v24 =	vadd.f32 v24, v56  }
0xad: {  	v23 =	vadd.f32 v23, v63;
	v33 =	vld [tilespmem:s13+$0x30];
	v63 =	vmul.f32 v19, v19;
	v61 =	vadd.f32 v18, v59;
	s21 =	spop (v2sf);
	s3 =	smul.f32 s11, s3  }
0xae: {  	v43 =	vld [tilespmem:s18+$0x0];
	s13 =	simm.s32 $0x4;
	v20 =	vadd.f32 v62, v36;
	v62 =	vmul.f32 v18, v18;
	v36 =	vadd.f32 v60, v24;
	s11 =	sshll.u32 s21, $0x9  }
0xaf: {  	v48 =	vld [tilespmem:s18+$0x10];
	v24 =	vadd.f32 v57, v40;
	v60 =	vmov s13;
	v37 =	vadd.f32 v19, v61;
	s11 =	sshra.s32 s11, $0x2;
	s10 =	smul.f32 s3, s10  }
0xb0: {  	v54 =	vand.u32 $0x7F, v60;
	v38 =	vshll.u32 v60, $0x3;
	v36 =	vadd.f32 v62, v36;
	v57 =	vld [tilespmem:s11+$0x16C50]  }
0xb1: {  	v38 =	vand.u32 $0x400, v38;
	v61 =	vor.u32 v54, v16;
	v58 =	vld [tilespmem:s11+$0x16C40];
	v37 =	vadd.f32 v24, v37;
	s10 =	smul.f32 s10, s3  }
0xb2: {  	v27 =	vsub.f32 v27, v49;
	v23 =	vadd.f32 v33, v23;
	v54 =	vld [tilespmem:s18+$0xFFFFFFF0];
	v38 =	vor.u32 v38, v61  }
0xb3: {  	v56 =	vmul.f32 v24, v24;
	v59 =	vld [tilespmem:s11+$0x16C30];
	v36 =	vadd.f32 v63, v36;
	v62 =	vadd.f32 v20, v37;
	s10 =	ssub.f32 $1.500000000e+00, s10  }
0xb4: {  	v26 =	vsub.f32 v26, v49;
	v49 =	vsub.f32 v28, v49;
	v42 =	vld [tilespmem:s18+$0x20]  }
0xb5: {  	v50 =	vld [tilespmem:s18+$0x30];
	v63 =	vmul.f32 v20, v20;
	v36 =	vadd.f32 v56, v36;
	v33 =	vadd.f32 v23, v62;
	s3 =	smul.f32 s10, s3  }
0xb6: {  	v40 =	vld [tilespmem:s30+$0x0];
	v60 =	vmul.f32 v23, v23;
	v48 =	vadd.f32 v48, v57;
	v43 =	vadd.f32 v43, v58;
	s22 =	spop (v2sf)  }
0xb7: {  	v36 =	vadd.f32 v63, v36;
	v28 =	vld.idx.msk [tilespmem:v38+s14+$0x0], $0xffff;
	s10 =	smul.f32 $7.812500000e-03, s22;
	v41 =	vmul.f32 s3, v41;
	v51 =	vmul.f32 s3, v51  }
0xb8: {  	v56 =	vld [tilespmem:s11+$0x16C10];
	v54 =	vadd.f32 v54, v59;
	(xrf2) =	vadd.scan.msk.f32 $0xffff, v33;
	v61 =	vmul.f32 s3, v44;
	v26 =	vmul.f32 s3, v26  }
0xb9: {  	v38 =	vld [tilespmem:s11+$0x16C00];
	v44 =	vadd.f32 v60, v36;
	v45 =	vmul.f32 s3, v45;
	v33 =	vmov s10  }
0xba: {  	v60 =	vld [tilespmem:s30+$0xFFFFFFC0];
	s10 =	smul.f32 s10, s10;
	v32 =	vsub.f32 v32, v33;
	v57 =	vmul.f32 v61, v2;
	s25 =	spop (v2sf);
	v36 =	vsub.f32 v35, v33  }
0xbb: {  	v26 =	vmul.f32 v26, v3;
	v35 =	vld [tilespmem:s18+$0xFFFFFFD0];
	v37 =	vsub.f32 v34, v33;
	v62 =	vmul.f32 v45, v4;
	s12 =	smul.f32 $7.812500000e-03, s25  }
0xbc: {  	(xrf2) =	vadd.scan.msk.f32 $0xffff, v44;
	v44 =	vld [tilespmem:s11+$0x16C20];
	v41 =	vmul.f32 v41, v0;
	v47 =	vsub.f32 v47, v33;
	(v2sf) =	vpush v28, $0x0  }
0xbd: {  	v45 =	vld [tilespmem:s11+$0x16C60];
	v57 =	vadd.f32 v57, v10;
	v58 =	vadd.f32 v26, v11;
	v26 =	vmul.f32 s3, v27;
	s10 =	ssub.f32 s12, s10  }
0xbe: {  	v59 =	vld [tilespmem:s30+$0xFFFFFFD0];
	v27 =	vadd.f32 v55, v38;
	v38 =	vsub.f32 v31, v33;
	v55 =	vmul.f32 s3, v39  }
0xbf: {  	v61 =	vadd.f32 v62, v12;
	v31 =	vsub.f32 v30, v33;
	v30 =	vmul.f32 s3, v49;
	v49 =	vld [tilespmem:s30+$0xFFFFFFF0];
	s10 =	sadd.f32 $9.999999960e-13, s10  }
0xc0: {  	v39 =	vsub.f32 v29, v33;
	v62 =	vmul.f32 v26, v5;
	v28 =	vadd.f32 v60, v27;
	v26 =	vld [tilespmem:s11+$0x16C70]  }
0xc1: {  	v27 =	vadd.f32 v40, v43;
	v43 =	vmul.f32 v30, v7;
	v30 =	vld [tilespmem:s30+$0x10];
	v63 =	vadd.f32 v35, v56;
	s28 =	sshra.s32 s10, $0x1;
	s10 =	smul.f32 $5.000000000e-01, s10  }
0xc2: {  	v53 =	vadd.f32 v53, v44;
	v29 =	vadd.f32 v42, v45;
	v44 =	vmul.f32 v55, v6;
	v60, _, _ =	vpop (xrf2);
	s3 =	ssub.s32 $0x5F3759DF, s28  }
0xc3: {  	v40 =	vld [tilespmem:s30+$0x30];
	v42 =	vmul.f32 v51, v1;
	v34 =	vadd.f32 v59, v63;
	(v2sf) =	vpush v60, $0xF;
	s29 =	smul.f32 s3, s10  }
0xc4: {  	v56 =	vmul.f32 v28, v28;
	v35 =	vadd.f32 v46, v53;
	v29 =	vadd.f32 v52, v29  }
0xc5: {  	s21 =	simm.s32 $0x4240;
	v51 =	vmul.f32 v27, v27;
	v46 =	vadd.f32 v50, v26;
	v59 =	vadd.f32 v34, v28;
	s30 =	smul.f32 s3, s29  }
0xc6: {  	v45 =	vld [tilespmem:s21+$0x30];
	v53 =	vmul.f32 v35, v35;
	v26 =	vadd.f32 v49, v54;
	v30 =	vadd.f32 v30, v48;
	v63, _, _ =	vpop (xrf2)  }
0xc7: {  	s11 =	simm.s32 $0x18A40;
	v52 =	vld [tilespmem:s21+$0x20];
	v60 =	vmul.f32 v34, v34;
	(v2sf) =	vpush v63, $0xF;
	v63 =	vadd.f32 v35, v59;
	s1 =	ssub.f32 $1.500000000e+00, s30  }
0xc8: {  	s13 =	simm.s32 $0x5;
	[tilespmem:s15+$0xFFFFFFE0] =	vst v57;
	v50 =	vld [tilespmem:s11+$0xFFFFFFE0];
	v40 =	vadd.f32 v40, v46;
	v54 =	vmul.f32 v26, v26;
	v59 =	vadd.f32 v62, v13  }
0xc9: {  	[tilespmem:s15+$0xFFFFFFF0] =	vst v58;
	v49 =	vld [tilespmem:s21+$0xFFFFFFE0];
	v56 =	vadd.f32 v60, v56;
	v60 =	vmov s13;
	v57 =	vadd.f32 v26, v63;
	s12 =	smul.f32 s3, s1  }
0xca: {  	[tilespmem:s15+$0x0] =	vst v61;
	v46 =	vld [tilespmem:s11+$0x20];
	v55 =	vmul.f32 v30, v30;
	v58 =	vand.u32 $0x7F, v60;
	v48 =	vmul.f32 v40, v40  }
0xcb: {  	v56 =	vadd.f32 v53, v56;
	[tilespmem:s15+$0x10] =	vst v59;
	v59 =	vshll.u32 v60, $0x3;
	v53 =	vld [tilespmem:s11+$0x0];
	s3 =	simm.s32 $0x6;
	v57 =	vadd.f32 v27, v57;
	s1 =	smul.f32 s12, s10  }
.LBB2_3:
0xcc: {  	p1 =	sne.s32 s3, $0xC7  }
0xcd: {  	v59 =	vand.u32 $0x400, v59;
	v58 =	vor.u32 v58, v16;
	v60 =	vld [tilespmem:s21+$0xFFFFFFC0];
	v54 =	vadd.f32 v54, v56;
	s10 =	smul.f32 s1, s12;
	s1 =	smov.u32 s3;
	s3 =	sadd.s32 $0x1, s3  }
0xce: {  	v56 =	vor.u32 v59, v58;
	v58 =	vld [tilespmem:s21+$0xFFFFFFF0];
	s13 =	spop (v2sf);
	v57 =	vadd.f32 v30, v57;
	v59 =	vmul.f32 v29, v29  }
0xcf: {  	v43 =	vadd.f32 v43, v15;
	s13 =	sshll.u32 s13, $0x9;
	v61 =	vld [tilespmem:s21+$0x0];
	v51 =	vadd.f32 v51, v54;
	s29 =	ssub.f32 $1.500000000e+00, s10  }
0xd0: {  	v44 =	vadd.f32 v44, v14;
	s10 =	sshra.s32 s13, $0x2;
	v54 =	vld [tilespmem:s21+$0x10];
	v57 =	vadd.f32 v29, v57  }
0xd1: {  	v41 =	vadd.f32 v41, v8;
	v62 =	vld [tilespmem:s10+$0x16C50];
	v51 =	vadd.f32 v55, v51;
	s12 =	smul.f32 s29, s12;
	[tilespmem:s15+$0x30] =	vst v43  }
0xd2: {  	v43 =	vld [tilespmem:s10+$0x16C40];
	v55 =	vadd.f32 v40, v57;
	s13 =	spop (v2sf);
	v57 =	vsub.f32 v17, v33;
	[tilespmem:s15+$0x20] =	vst v44;
	v17 =	vmovc v23;
	v23 =	vmov v40  }
0xd3: {  	v40 =	vld [tilespmem:s10+$0x16C30];
	v33 =	vadd.f32 v59, v51;
	s13 =	smul.f32 $7.812500000e-03, s13;
	v44 =	vmul.f32 s12, v32;
	v51 =	vmul.f32 s12, v36;
	[tilespmem:s15+$0xFFFFFFC0] =	vst v41  }
0xd4: {  	v42 =	vadd.f32 v42, v9;
	v36 =	vmul.f32 s12, v37;
	v37 =	vmul.f32 s12, v47;
	v41 =	vld.idx.msk [tilespmem:v56+s14+$0x0], $0xffff;
	(xrf2) =	vadd.scan.msk.f32 $0xffff, v55  }
0xd5: {  	v38 =	vmul.f32 s12, v38;
	v47 =	vld [tilespmem:s10+$0x16C00];
	v48 =	vadd.f32 v48, v33;
	v33 =	vmov s13  }
0xd6: {  	s13 =	smul.f32 s13, s13;
	v55 =	vld [tilespmem:s10+$0x16C10];
	v56 =	vadd.f32 v54, v62;
	v32 =	vsub.f32 v25, v33;
	s29 =	spop (v2sf);
	v54 =	vmul.f32 v36, v2;
	[tilespmem:s15+$0xFFFFFFD0] =	vst v42;
	s15 =	smov.u32 s16  }
0xd7: {  	v36 =	vsub.f32 v22, v33;
	s16 =	smov.u32 s17;
	s17 =	smov.u32 s18;
	v42 =	vld [tilespmem:s11+$0xFFFFFFC0];
	v43 =	vadd.f32 v61, v43;
	(xrf2) =	vadd.scan.msk.f32 $0xffff, v48;
	s29 =	smul.f32 $7.812500000e-03, s29;
	v61 =	vmul.f32 v37, v3  }
0xd8: {  	v25 =	vmovc v28;
	s18 =	smov.u32 s21;
	v37 =	vsub.f32 v21, v33;
	v48 =	vld [tilespmem:s21+$0xFFFFFFD0];
	v40 =	vadd.f32 v58, v40;
	v58 =	vmul.f32 v38, v4  }
0xd9: {  	v39 =	vmul.f32 s12, v39;
	v22 =	vmovc v34;
	v21 =	vmovc v35;
	v28 =	vadd.f32 v54, v10;
	v59 =	vld [tilespmem:s10+$0x16C20];
	s13 =	ssub.f32 s29, s13;
	v54 =	vadd.f32 v61, v11  }
0xda: {  	v38 =	vsub.f32 v19, v33;
	v19 =	vmovc v27;
	v34 =	vadd.f32 v60, v47;
	v35 =	vld [tilespmem:s10+$0x16C60];
	v47 =	vmul.f32 s12, v31  }
0xdb: {  	v61 =	vmul.f32 v39, v5;
	v58 =	vadd.f32 v58, v12;
	(v2sf) =	vpush v41, $0x0;
	v60 =	vld [tilespmem:s11+$0xFFFFFFD0];
	s13 =	sadd.f32 $9.999999960e-13, s13;
	[tilespmem:s15+$0xFFFFFFE0] =	vst v28  }
0xdc: {  	v31 =	vsub.f32 v20, v33;
	v20 =	vmovc v29;
	v28 =	vadd.f32 v42, v34;
	v42 =	vld [tilespmem:s10+$0x16C70];
	[tilespmem:s15+$0xFFFFFFF0] =	vst v54;
	v34 =	vmul.f32 s12, v57  }
0xdd: {  	v27 =	vadd.f32 v53, v43;
	v41 =	vmul.f32 v44, v0;
	v29 =	vadd.f32 v48, v55;
	v48 =	vld [tilespmem:s11+$0xFFFFFFF0];
	s10 =	sshra.s32 s13, $0x1;
	s13 =	smul.f32 $5.000000000e-01, s13;
	[tilespmem:s15+$0x0] =	vst v58  }
0xde: {  	v39 =	vsub.f32 v24, v33;
	v53 =	vmul.f32 v28, v28;
	v44 =	vadd.f32 v49, v59;
	v49 =	vld [tilespmem:s11+$0x30];
	v43, _, _ =	vpop (xrf2);
	s10 =	ssub.s32 $0x5F3759DF, s10  }
0xdf: {  	v24 =	vmovc v30;
	v52 =	vadd.f32 v52, v35;
	(v2sf) =	vpush v43, $0xF;
	s12 =	smul.f32 s10, s13;
	v43 =	vmul.f32 v34, v7  }
0xe0: {  	v34 =	vadd.f32 v60, v29;
	v35 =	vadd.f32 v50, v44;
	v30 =	vld [tilespmem:s11+$0x10];
	v44 =	vmul.f32 v47, v6  }
0xe1: {  	v29 =	vadd.f32 v46, v52;
	v46 =	vadd.f32 v45, v42;
	v47, _, _ =	vpop (xrf2);
	s12 =	smul.f32 s10, s12;
	v42 =	vmul.f32 v51, v1  }
0xe2: {  	s21 =	sadd.s32 $0x80, s21;
	v50 =	vadd.f32 v34, v28;
	v55 =	vmul.f32 v35, v35;
	v57 =	vadd.f32 v48, v40  }
0xe3: {  	s11 =	sadd.s32 $0x80, s11;
	v48 =	vmul.f32 v34, v34;
	v45 =	vld [tilespmem:s21+$0x30];
	v40 =	vadd.f32 v49, v46;
	(v2sf) =	vpush v47, $0xF;
	s12 =	ssub.f32 $1.500000000e+00, s12  }
.Ltmp2:
0xe4: {  	v49 =	vadd.f32 v61, v13;
	v46 =	vld [tilespmem:s11+$0x20];
	v47 =	vadd.f32 v35, v50;
	v54 =	vmul.f32 v57, v57;
	(pc) =	sbr.rel @p1 .LBB2_3-.Ltmp2, $4  }
0xe5: {  	v51 =	vmul.f32 v27, v27;
	v53 =	vadd.f32 v48, v53;
	v50 =	vld [tilespmem:s11+$0xFFFFFFE0];
	v30 =	vadd.f32 v30, v56;
	s12 =	smul.f32 s10, s12  }
0xe6: {  	v48 =	vmul.f32 v40, v40;
	v52 =	vld [tilespmem:s21+$0x20];
	v60 =	vadd.f32 v57, v47;
	v47 =	vsub.f32 v18, v33;
	[tilespmem:s15+$0x10] =	vst v49  }
0xe7: {  	v59 =	vmov s1;
	v56 =	vadd.f32 v55, v53;
	v18 =	vmovc v26;
	v26 =	vmovc v57;
	v49 =	vld [tilespmem:s21+$0xFFFFFFE0];
	v55 =	vmul.f32 v30, v30;
	s1 =	smul.f32 s12, s13  }
0xe8: {  	v58 =	vand.u32 $0x7F, v59;
	v59 =	vshll.u32 v59, $0x3;
	v53 =	vld [tilespmem:s11+$0x0];
	v57 =	vadd.f32 v27, v60  }
0xe9: {  	v61 =	vld [tilespmem:s21+$0xFFFFFFF0];
	_ =	sdelay $0x4  }
0xea: {  	v62 =	vld [tilespmem:s21+$0xFFFFFFC0];
	[tilespmem:$0x1FF20] =	vst v61  }
0xeb: {  	v16 =	vor.u32 v58, v16;
	v58 =	vld [tilespmem:s21+$0x0];
	_ =	sdelay $0x4  }
0xec: {  	v59 =	vand.u32 $0x400, v59;
	[tilespmem:$0x1FF30] =	vst v58  }
0xed: {  	v16 =	vor.u32 v59, v16;
	v58 =	vld [tilespmem:s21+$0x10];
	_ =	sdelay $0x2  }
0xee: {  	s3 =	spop (v2sf)  }
0xef: {  	s3 =	sshll.u32 s3, $0x9  }
0xf0: {  	s3 =	sshra.s32 s3, $0x2;
	v16 =	vld.idx.msk [tilespmem:v16+s14+$0x0], $0xffff;
	[tilespmem:$0x1FF00] =	vst v58  }
0xf1: {  	v58 =	vld [tilespmem:s3+$0x16C50];
	_ =	sdelay $0x4  }
0xf2: {  	[tilespmem:$0x1FF10] =	vst v58  }
0xf3: {  	v58 =	vld [tilespmem:s3+$0x16C40];
	_ =	sdelay $0x4  }
0xf4: {  	[tilespmem:$0x1FF40] =	vst v58  }
0xf5: {  	v63 =	vld [tilespmem:s3+$0x16C30]  }
0xf6: {  	(v2sf) =	vpush v16, $0x0;
	v16 =	vld [tilespmem:s3+$0x16C60]  }
0xf7: {  	v54 =	vadd.f32 v54, v56;
	v58 =	vld [tilespmem:s3+$0x16C00]  }
0xf8: {  	v59 =	vld [tilespmem:s3+$0x16C10]  }
0xf9: {  	v51 =	vadd.f32 v51, v54;
	v61 =	vld [tilespmem:s11+$0xFFFFFFC0]  }
0xfa: {  	v57 =	vadd.f32 v30, v57;
	v56 =	vld [tilespmem:s21+$0xFFFFFFD0]  }
0xfb: {  	v51 =	vadd.f32 v55, v51;
	v60 =	vld [tilespmem:s3+$0x16C20];
	[tilespmem:$0x1FF50] =	vst v16;
	v16 =	vmul.f32 v29, v29  }
0xfc: {  	v57 =	vadd.f32 v29, v57;
	v55 =	vld [tilespmem:s3+$0x16C70]  }
0xfd: {  	v16 =	vadd.f32 v16, v51  }
0xfe: {  	v57 =	vadd.f32 v40, v57  }
0xff: {  	v16 =	vadd.f32 v48, v16  }
0x100: {  	(xrf2) =	vadd.scan.msk.f32 $0xffff, v57;
	v62 =	vadd.f32 v62, v58;
	v54 =	vld [tilespmem:s11+$0xFFFFFFD0]  }
0x101: {  	[tilespmem:$0x1FF60] =	vst v55;
	(xrf2) =	vadd.scan.msk.f32 $0xffff, v16;
	v16 =	vld [tilespmem:$0x1FF20]  }
0x102: {  	v48 =	vadd.f32 v61, v62;
	v57 =	vld [tilespmem:s11+$0xFFFFFFF0]  }
0x103: {  	v58 =	vld [tilespmem:s11+$0x30]  }
0x104: {  	s10 =	sadd.s32 $0x80, s21;
	v56 =	vadd.f32 v56, v59;
	v59 =	vld [tilespmem:s11+$0x10];
	[tilespmem:$0x1FF90] =	vst v48  }
0x105: {  	v55 =	vld [tilespmem:s10+$0x30]  }
0x106: {  	v61 =	vld [tilespmem:$0x1FF00]  }
0x107: {  	v62 =	vld [tilespmem:$0x1FF10];
	_ =	sdelay $0x2  }
0x108: {  	v51 =	vadd.f32 v49, v60;
	v49 =	vadd.f32 v16, v63;
	v63 =	vld [tilespmem:$0x1FF40];
	[tilespmem:$0x1FF80] =	vst v55  }
0x109: {  	v16 =	vld [tilespmem:s10+$0x20]  }
0x10a: {  	v55 =	vadd.f32 v61, v62;
	v61 =	vld [tilespmem:$0x1FF30]  }
0x10b: {  	v56 =	vadd.f32 v54, v56;
	v54 =	vadd.f32 v50, v51  }
0x10c: {  	s25 =	sadd.s32 $0x80, s11  }
0x10d: {  	v60 =	vld [tilespmem:s25+$0xFFFFFFE0];
	[tilespmem:$0x1FFB0] =	vst v54  }
0x10e: {  	v50 =	vadd.f32 v56, v48;
	[tilespmem:$0x1FF70] =	vst v16;
	v16 =	vmov v56  }
0x10f: {  	[tilespmem:$0x1FFA0] =	vst v56;
	v63 =	vadd.f32 v61, v63;
	v56 =	vmul.f32 v48, v48;
	v16 =	vmul.f32 v16, v16  }
0x110: {  	v48 =	vadd.f32 v57, v49;
	v49 =	vadd.f32 v54, v50;
	v62 =	vld [tilespmem:s10+$0xFFFFFFE0]  }
0x111: {  	s13 =	spop (v2sf);
	v61 =	vadd.f32 v53, v63;
	v53 =	vmul.f32 v54, v54;
	v54 =	vld [tilespmem:$0x1FF50];
	v16 =	vadd.f32 v16, v56  }
0x112: {  	s28 =	spop (v2sf);
	v51 =	vld [tilespmem:s10+$0xFFFFFFC0]  }
0x113: {  	s29 =	spop (v2sf);
	[tilespmem:$0x1FFF0] =	vst v48;
	v16 =	vadd.f32 v53, v16;
	v53 =	vadd.f32 v59, v55;
	v55 =	vld [tilespmem:$0x1FF60]  }
0x114: {  	s29 =	sshll.u32 s29, $0x9;
	v57 =	vld [tilespmem:s10+$0xFFFFFFF0]  }
0x115: {  	s29 =	sshra.s32 s29, $0x2;
	v49 =	vadd.f32 v48, v49;
	v56 =	vld [tilespmem:s10+$0x0]  }
0x116: {  	v50 =	vld [tilespmem:s29+$0x16C00];
	v52 =	vadd.f32 v52, v54  }
0x117: {  	v49 =	vadd.f32 v61, v49;
	v54 =	vld [tilespmem:s29+$0x16C10];
	[tilespmem:$0x1FFC0] =	vst v61  }
0x118: {  	v63, _, _ =	vpop (xrf2);
	v59 =	vld [tilespmem:s25+$0xFFFFFFC0];
	v45 =	vadd.f32 v45, v55;
	v55 =	vmul.f32 v61, v61;
	v61 =	vadd.f32 v46, v52  }
0x119: {  	(v2sf) =	vpush v63, $0xF;
	v63 =	vmul.f32 v48, v48;
	v48 =	vld [tilespmem:s10+$0xFFFFFFD0];
	[tilespmem:$0x1FFE0] =	vst v53  }
0x11a: {  	[tilespmem:$0x1FFD0] =	vst v61  }
0x11b: {  	v63 =	vadd.f32 v63, v16;
	v46 =	vmov v53;
	v52 =	vadd.f32 v53, v49;
	v53 =	vld [tilespmem:s29+$0x16C20]  }
0x11c: {  	v16 =	vadd.f32 v58, v45;
	v58 =	vld [tilespmem:s25+$0xFFFFFFD0]  }
0x11d: {  	v45 =	vmul.f32 v46, v46;
	v55 =	vadd.f32 v55, v63;
	v63 =	vld [tilespmem:s29+$0x16C30]  }
0x11e: {  	v50 =	vadd.f32 v51, v50;
	v49, _, _ =	vpop (xrf2);
	v46 =	vadd.f32 v61, v52;
	v52 =	vmul.f32 v61, v61;
	v61 =	vld [tilespmem:s10+$0x10]  }
0x11f: {  	(v2sf) =	vpush v49, $0xF;
	v51 =	vld [tilespmem:s29+$0x16C40];
	v45 =	vadd.f32 v45, v55  }
0x120: {  	v48 =	vadd.f32 v48, v54;
	v49 =	vadd.f32 v16, v46;
	v55 =	vmul.f32 v16, v16;
	v54 =	vmovc v16;
	v16 =	vld [tilespmem:s25+$0x20]  }
0x121: {  	v45 =	vadd.f32 v52, v45;
	v52 =	vadd.f32 v59, v50;
	v50 =	vld [tilespmem:s25+$0xFFFFFFF0]  }
0x122: {  	v59 =	vld [tilespmem:s29+$0x16C50]  }
0x123: {  	v46 =	vadd.f32 v62, v53;
	v53 =	vadd.f32 v58, v48;
	v48 =	vld [tilespmem:s25+$0x0]  }
0x124: {  	v62 =	vadd.f32 v55, v45;
	v45 =	vadd.f32 v57, v63;
	v57 =	vld [tilespmem:s29+$0x16C60]  }
0x125: {  	v63 =	vld [tilespmem:$0x1FF70];
	v55 =	vadd.f32 v60, v46;
	v46 =	vadd.f32 v53, v52  }
0x126: {  	(xrf2) =	vadd.scan.msk.f32 $0xffff, v49;
	v51 =	vadd.f32 v56, v51;
	v56 =	vmul.f32 v52, v52;
	v60 =	vld [tilespmem:s25+$0x10];
	v58 =	vmul.f32 v53, v53  }
0x127: {  	(xrf2) =	vadd.scan.msk.f32 $0xffff, v62;
	v62 =	vld [tilespmem:$0x1FF80];
	v45 =	vadd.f32 v50, v45;
	v46 =	vadd.f32 v55, v46  }
0x128: {  	s13 =	smul.f32 $7.812500000e-03, s13;
	v49 =	vadd.f32 v61, v59;
	v50 =	vld [tilespmem:s29+$0x16C70];
	v56 =	vadd.f32 v58, v56;
	v61 =	vmul.f32 v55, v55  }
0x129: {  	v58 =	vadd.f32 v48, v51;
	v46 =	vadd.f32 v45, v46  }
0x12a: {  	s30 =	smul.f32 s13, s13;
	v48 =	vadd.f32 v63, v57;
	v51 =	vld [tilespmem:s25+$0x30];
	v59 =	vmul.f32 v45, v45;
	v56 =	vadd.f32 v61, v56  }
0x12b: {  	s3 =	smul.f32 $7.812500000e-03, s28;
	v57 =	vadd.f32 v60, v49;
	v46 =	vadd.f32 v58, v46  }
0x12c: {  	v60 =	vadd.f32 v16, v48;
	v61 =	vmul.f32 v58, v58;
	v16 =	vadd.f32 v59, v56  }
0x12d: {  	s3 =	ssub.f32 s3, s30;
	v49 =	vadd.f32 v62, v50;
	v46 =	vadd.f32 v57, v46  }
0x12e: {  	v63 =	vmul.f32 v57, v57;
	v16 =	vadd.f32 v61, v16  }
0x12f: {  	s3 =	sadd.f32 $9.999999960e-13, s3;
	v56 =	vadd.f32 v51, v49;
	v46 =	vadd.f32 v60, v46  }
0x130: {  	v61 =	vmul.f32 v60, v60;
	v16 =	vadd.f32 v63, v16  }
0x131: {  	s22 =	sshra.s32 s3, $0x1;
	s29 =	smul.f32 $5.000000000e-01, s3;
	v62, _, _ =	vpop (xrf2);
	v46 =	vadd.f32 v56, v46  }
0x132: {  	s1 =	smul.f32 s1, s12;
	s11 =	ssub.s32 $0x5F3759DF, s22;
	(v2sf) =	vpush v62, $0xF;
	v63 =	vmul.f32 v56, v56;
	v16 =	vadd.f32 v61, v16  }
0x133: {  	s25 =	spop (v2sf);
	s22 =	smul.f32 s11, s29;
	(xrf2) =	vadd.scan.msk.f32 $0xffff, v46  }
0x134: {  	s3 =	smul.f32 $7.812500000e-03, s25;
	v48, _, _ =	vpop (xrf2);
	v16 =	vadd.f32 v63, v16  }
0x135: {  	s22 =	smul.f32 s11, s22;
	(v2sf) =	vpush v48, $0xF  }
0x136: {  	s25 =	smul.f32 s3, s3;
	s30 =	spop (v2sf);
	(xrf2) =	vadd.scan.msk.f32 $0xffff, v16  }
0x137: {  	s1 =	ssub.f32 $1.500000000e+00, s1;
	s30 =	smul.f32 $7.812500000e-03, s30  }
0x138: {  	s22 =	ssub.f32 $1.500000000e+00, s22  }
0x139: {  	s12 =	smul.f32 s1, s12;
	s28 =	ssub.f32 s30, s25  }
0x13a: {  	s11 =	smul.f32 s11, s22  }
0x13b: {  	v17 =	vsub.f32 v17, v33;
	v32 =	vmul.f32 s12, v32;
	v38 =	vmul.f32 s12, v38;
	s1 =	sadd.f32 $9.999999960e-13, s28  }
0x13c: {  	v39 =	vmul.f32 s12, v39;
	v31 =	vmul.f32 s12, v31;
	s22 =	smul.f32 s11, s29  }
0x13d: {  	v41 =	vadd.f32 v41, v8;
	v17 =	vmul.f32 s12, v17;
	v38 =	vmul.f32 v38, v4;
	s30 =	sshra.s32 s1, $0x1;
	s25 =	smul.f32 $5.000000000e-01, s1;
	v50, _, _ =	vpop (xrf2)  }
0x13e: {  	v39 =	vmul.f32 v39, v5;
	v61 =	vmov s13;
	s22 =	smul.f32 s22, s11;
	s13 =	ssub.s32 $0x5F3759DF, s30;
	(v2sf) =	vpush v50, $0xF  }
0x13f: {  	v42 =	vadd.f32 v42, v9;
	v17 =	vmul.f32 v17, v7;
	v31 =	vmul.f32 v31, v6;
	s28 =	smul.f32 s13, s25  }
0x140: {  	v32 =	vmul.f32 v32, v0;
	v38 =	vadd.f32 v38, v12;
	[tilespmem:s15+$0xFFFFFFC0] =	vst v41;
	v59 =	vmul.f32 s12, v47;
	s22 =	ssub.f32 $1.500000000e+00, s22;
	v62, _, _ =	vpop (xrf2)  }
0x141: {  	v39 =	vadd.f32 v39, v13;
	[tilespmem:s15+$0xFFFFFFD0] =	vst v42;
	v51 =	vmul.f32 s12, v37;
	s29 =	smul.f32 s13, s28;
	s30 =	spop (v2sf);
	(v2sf) =	vpush v62, $0xF  }
0x142: {  	v17 =	vadd.f32 v17, v15;
	v31 =	vadd.f32 v31, v14;
	[tilespmem:s16+$0x0] =	vst v38;
	v37 =	vmul.f32 v59, v3;
	s1 =	smul.f32 $7.812500000e-03, s30  }
0x143: {  	v32 =	vadd.f32 v32, v8;
	[tilespmem:s16+$0x10] =	vst v39;
	v49 =	vadd.f32 v44, v14;
	v33 =	vmul.f32 v51, v2;
	s11 =	smul.f32 s22, s11  }
0x144: {  	v36 =	vmul.f32 s12, v36;
	[tilespmem:s16+$0x30] =	vst v17;
	v37 =	vadd.f32 v37, v11;
	v21 =	vsub.f32 v21, v61;
	s12 =	smul.f32 s1, s1;
	s28 =	spop (v2sf)  }
0x145: {  	[tilespmem:s16+$0x20] =	vst v31;
	v33 =	vadd.f32 v33, v10;
	v25 =	vsub.f32 v25, v61;
	s30 =	smul.f32 $7.812500000e-03, s28  }
0x146: {  	[tilespmem:s16+$0xFFFFFFC0] =	vst v32;
	v19 =	vsub.f32 v19, v61;
	v18 =	vsub.f32 v18, v61;
	s29 =	ssub.f32 $1.500000000e+00, s29;
	v21 =	vmul.f32 s11, v21  }
0x147: {  	v36 =	vmul.f32 v36, v1;
	[tilespmem:s15+$0x20] =	vst v49;
	v20 =	vsub.f32 v20, v61;
	v16 =	vadd.f32 v43, v15;
	s12 =	ssub.f32 s30, s12  }
0x148: {  	[tilespmem:s16+$0xFFFFFFF0] =	vst v37;
	v24 =	vsub.f32 v24, v61;
	v18 =	vmul.f32 s11, v18;
	s13 =	smul.f32 s13, s29;
	v21 =	vmul.f32 v21, v2  }
0x149: {  	v23 =	vsub.f32 v23, v61;
	[tilespmem:s15+$0x30] =	vst v16;
	v16 =	vadd.f32 v36, v9;
	v19 =	vmul.f32 s11, v19;
	s12 =	sadd.f32 $9.999999960e-13, s12  }
0x14a: {  	[tilespmem:s16+$0xFFFFFFE0] =	vst v33;
	v24 =	vmul.f32 s11, v24;
	v18 =	vmul.f32 v18, v3;
	v21 =	vadd.f32 v21, v10;
	s30 =	smul.f32 s13, s25  }
0x14b: {  	v22 =	vsub.f32 v22, v61;
	v23 =	vmul.f32 s11, v23;
	[tilespmem:s16+$0xFFFFFFD0] =	vst v16;
	v19 =	vmul.f32 v19, v4;
	s25 =	sshra.s32 s12, $0x1;
	s12 =	smul.f32 $5.000000000e-01, s12  }
0x14c: {  	v20 =	vmul.f32 s11, v20;
	v24 =	vmul.f32 v24, v5;
	v18 =	vadd.f32 v18, v11;
	[tilespmem:s17+$0xFFFFFFE0] =	vst v21;
	s22 =	smul.f32 s30, s13;
	s25 =	ssub.s32 $0x5F3759DF, s25  }
0x14d: {  	v63 =	vmov s3;
	v23 =	vmul.f32 v23, v7;
	v19 =	vadd.f32 v19, v12;
	v21 =	vld [tilespmem:$0x1FF90];
	s28 =	smul.f32 s25, s12;
	s30 =	spop (v2sf)  }
0x14e: {  	v28 =	vsub.f32 v28, v63;
	v20 =	vmul.f32 v20, v6;
	v24 =	vadd.f32 v24, v13;
	v33 =	vld [tilespmem:$0x1FFA0];
	[tilespmem:s17+$0xFFFFFFF0] =	vst v18;
	s3 =	smul.f32 $7.812500000e-03, s30  }
0x14f: {  	v34 =	vsub.f32 v34, v63;
	v25 =	vmul.f32 s11, v25;
	v39 =	vadd.f32 v23, v15;
	v48 =	vld [tilespmem:$0x1FFB0];
	[tilespmem:s17+$0x0] =	vst v19;
	s15 =	ssub.f32 $1.500000000e+00, s22;
	s28 =	smul.f32 s25, s28  }
0x150: {  	v35 =	vsub.f32 v35, v63;
	v22 =	vmul.f32 s11, v22;
	v20 =	vadd.f32 v20, v14;
	[tilespmem:s17+$0x10] =	vst v24;
	s30 =	spop (v2sf);
	s22 =	smul.f32 s3, s3  }
0x151: {  	v27 =	vsub.f32 v27, v63;
	v37 =	vsub.f32 v29, v63;
	v25 =	vmul.f32 v25, v0;
	v24 =	vld [tilespmem:$0x1FFC0];
	[tilespmem:s17+$0x30] =	vst v39;
	s29 =	smul.f32 $7.812500000e-03, s30  }
0x152: {  	v38 =	vsub.f32 v30, v63;
	v26 =	vsub.f32 v26, v63;
	v17 =	vmul.f32 v22, v1;
	v59 =	vld [tilespmem:$0x1FFD0];
	[tilespmem:s17+$0x20] =	vst v20;
	s11 =	smul.f32 s15, s13;
	s28 =	ssub.f32 $1.500000000e+00, s28  }
0x153: {  	v44 =	vsub.f32 v40, v63;
	v41 =	vadd.f32 v25, v8;
	v20 =	vld [tilespmem:$0x1FFE0];
	s30 =	ssub.f32 s29, s22  }
0x154: {  	v16 =	vadd.f32 v17, v9;
	v17 =	vmov s1;
	v42 =	vmul.f32 s11, v28;
	s13 =	smul.f32 s25, s28  }
0x155: {  	v21 =	vsub.f32 v21, v17;
	v43 =	vmul.f32 s11, v34;
	v46 =	vmul.f32 s11, v35;
	s15 =	sadd.f32 $9.999999960e-13, s30  }
0x156: {  	v33 =	vsub.f32 v33, v17;
	v26 =	vmul.f32 s11, v26;
	v27 =	vmul.f32 s11, v27;
	s12 =	smul.f32 s13, s12  }
0x157: {  	[tilespmem:s17+$0xFFFFFFC0] =	vst v41;
	v24 =	vsub.f32 v24, v17;
	v30 =	vmul.f32 s11, v38;
	v29 =	vmul.f32 s11, v37;
	s16 =	sshra.s32 s15, $0x1;
	s15 =	smul.f32 $5.000000000e-01, s15  }
0x158: {  	v63 =	vld [tilespmem:$0x1FFF0];
	v20 =	vsub.f32 v20, v17;
	v31 =	vmul.f32 s11, v44;
	v32 =	vmul.f32 v46, v2;
	s1 =	smul.f32 s12, s13;
	s12 =	ssub.s32 $0x5F3759DF, s16  }
0x159: {  	v47 =	vmul.f32 v26, v3;
	v26 =	vsub.f32 v48, v17;
	v27 =	vmul.f32 v27, v4;
	s22 =	smul.f32 s12, s15  }
0x15a: {  	v51 =	vmul.f32 v30, v5;
	v30 =	vsub.f32 v59, v17;
	v31 =	vmul.f32 v31, v7  }
0x15b: {  	v29 =	vmul.f32 v29, v6;
	v49 =	vadd.f32 v32, v10;
	v18 =	vadd.f32 v47, v11;
	s25 =	smul.f32 s12, s22  }
0x15c: {  	v61 =	vmul.f32 v42, v0;
	v50 =	vadd.f32 v27, v12;
	v62 =	vadd.f32 v51, v13;
	s1 =	ssub.f32 $1.500000000e+00, s1  }
0x15d: {  	[tilespmem:s17+$0xFFFFFFD0] =	vst v16;
	v16 =	vmul.f32 v43, v1;
	v27 =	vsub.f32 v63, v17;
	v32 =	vadd.f32 v31, v15;
	s11 =	ssub.f32 $1.500000000e+00, s25  }
0x15e: {  	v29 =	vadd.f32 v29, v14;
	v34 =	vadd.f32 v61, v8;
	s1 =	smul.f32 s1, s13  }
0x15f: {  	v17 =	vsub.f32 v54, v17;
	v16 =	vadd.f32 v16, v9;
	[tilespmem:s18+$0xFFFFFFE0] =	vst v49;
	v38 =	vmov s3;
	s11 =	smul.f32 s12, s11  }
0x160: {  	[tilespmem:s18+$0xFFFFFFF0] =	vst v18;
	v39 =	vsub.f32 v52, v38;
	v40 =	vsub.f32 v53, v38  }
0x161: {  	[tilespmem:s18+$0x0] =	vst v50;
	v41 =	vsub.f32 v55, v38;
	v21 =	vmul.f32 s1, v21;
	v36 =	vmul.f32 s1, v26;
	s28 =	smul.f32 s11, s15  }
0x162: {  	[tilespmem:s18+$0x10] =	vst v62;
	v42 =	vsub.f32 v58, v38;
	v37 =	vmul.f32 s1, v27;
	v24 =	vmul.f32 s1, v24  }
0x163: {  	[tilespmem:s18+$0x30] =	vst v32;
	v44 =	vsub.f32 v60, v38;
	v20 =	vmul.f32 s1, v20;
	v18 =	vmul.f32 v36, v2;
	s3 =	smul.f32 s28, s11  }
0x164: {  	[tilespmem:s18+$0x20] =	vst v29;
	v47 =	vsub.f32 v57, v38;
	v43 =	vmul.f32 s1, v30;
	v26 =	vmul.f32 v37, v3  }
0x165: {  	[tilespmem:s18+$0xFFFFFFC0] =	vst v34;
	v17 =	vmul.f32 s1, v17;
	v24 =	vmul.f32 v24, v4;
	v18 =	vadd.f32 v18, v10;
	s29 =	ssub.f32 $1.500000000e+00, s3  }
0x166: {  	[tilespmem:s18+$0xFFFFFFD0] =	vst v16;
	v35 =	vmul.f32 s1, v33;
	v20 =	vmul.f32 v20, v5;
	v26 =	vadd.f32 v26, v11  }
0x167: {  	v17 =	vmul.f32 v17, v7;
	v48 =	vmul.f32 v43, v6;
	v16 =	vadd.f32 v24, v12;
	[tilespmem:s21+$0xFFFFFFE0] =	vst v18;
	s1 =	smul.f32 s29, s11  }
0x168: {  	v49 =	vsub.f32 v45, v38;
	v46 =	vmul.f32 v21, v0;
	v20 =	vadd.f32 v20, v13;
	[tilespmem:s21+$0xFFFFFFF0] =	vst v26  }
0x169: {  	v17 =	vadd.f32 v17, v15;
	v51 =	vadd.f32 v48, v14;
	[tilespmem:s21+$0x0] =	vst v16;
	v50 =	vmul.f32 s1, v41  }
0x16a: {  	v16 =	vmul.f32 v35, v1;
	[tilespmem:s21+$0x10] =	vst v20;
	v18 =	vadd.f32 v46, v8;
	v52 =	vmul.f32 s1, v49  }
0x16b: {  	[tilespmem:s21+$0x30] =	vst v17;
	v17 =	vsub.f32 v56, v38;
	v19 =	vmul.f32 s1, v42;
	v53 =	vmul.f32 v50, v2  }
0x16c: {  	[tilespmem:s21+$0x20] =	vst v51;
	v16 =	vadd.f32 v16, v9;
	v21 =	vmul.f32 s1, v47;
	v54 =	vmul.f32 v52, v3  }
0x16d: {  	[tilespmem:s21+$0xFFFFFFC0] =	vst v18;
	v17 =	vmul.f32 s1, v17;
	v55 =	vmul.f32 v19, v4;
	v56 =	vadd.f32 v53, v10  }
0x16e: {  	[tilespmem:s21+$0xFFFFFFD0] =	vst v16;
	v57 =	vmul.f32 s1, v44;
	v21 =	vmul.f32 v21, v5;
	v16 =	vadd.f32 v54, v11  }
0x16f: {  	v58 =	vmul.f32 s1, v39;
	v17 =	vmul.f32 v17, v7;
	v18 =	vadd.f32 v55, v12;
	[tilespmem:s10+$0xFFFFFFE0] =	vst v56  }
0x170: {  	v59 =	vmul.f32 s1, v40;
	v60 =	vadd.f32 v21, v13;
	[tilespmem:s10+$0xFFFFFFF0] =	vst v16;
	v16 =	vmul.f32 v57, v6  }
0x171: {  	v61 =	vmul.f32 v58, v0;
	v17 =	vadd.f32 v17, v15;
	[tilespmem:s10+$0x0] =	vst v18  }
0x172: {  	v62 =	vmul.f32 v59, v1;
	[tilespmem:s10+$0x10] =	vst v60;
	v16 =	vadd.f32 v16, v14  }
0x173: {  	s30 =	sadd.s32 s9, s5;
	v63 =	vadd.f32 v61, v8;
	[tilespmem:s10+$0x30] =	vst v17  }
0x174: {  	s1 =	smul.u32 $0xC80, s30;
	[tilespmem:s10+$0x20] =	vst v16;
	v16 =	vadd.f32 v62, v9  }
0x175: {  	[tilespmem:s10+$0xFFFFFFC0] =	vst v63  }
0x176: {  	s1 =	sadd.s32 s7, s1;
	[tilespmem:s10+$0xFFFFFFD0] =	vst v16  }
0x177: {  	[hbm4b:s1+s8] =	stream.linear.scatter [tilespmem:s20], [sflag:$0x4], $0x6400, $0x38;
	[tilespmem:$0x1ED00] =	vst v63  }
0x178: {  	_ =	swait.ge [sflag:s26], $0x3200  }
.Ltmp3:
0x179: {  	[sflag:s26] =	ssyncset.done $0x0;
	(pc) =	sbr.rel @p0 .LBB2_7-.Ltmp3, $4  }
0x17a: {  	[sflag:s26] =	ssyncadd.s32 $0xFFFFCE00  }
0x17b: {  	_ =	swait.ge [sflag:s26], $0x3200  }
0x17c: {  	[sflag:s26] =	ssyncset.done $0x0  }
0x17d: {  	[sflag:s26] =	ssyncadd.s32 $0xFFFFCE00  }
0x17e: {  	p0 =	seq.s32 s2, $0xA  }
.Ltmp4:
0x17f: {  	_ = 	snop;
	(pc) =	sbr.rel @p0 .LBB2_8-.Ltmp4, $1  }
0x180: {  	_ =	sdelay $0x3  }
0x181: {  	s1 =	simm.s32 $0x6  }
0x182: {  	_ =	swait.ge [sflag:s1], $0x6400  }
0x183: {  	[sflag:s1] =	ssyncset.done $0x0  }
0x184: {  	[sflag:s1] =	ssyncadd.s32 $0xFFFF9C00  }
.LBB2_7:
0x185: {  	s1 =	sadd.s32 $0x200, s6;
	s3 =	simm.s32 $0x10800  }
0x186: {  	[tilespmem:s3], [sflag:$0x3] =	stream.indirect.gather [hbm4b:s0+s19], $0x80, s1, s19, $0xb8;
	[tilespmem:$0x1ED00] =	vst v63  }
0x187: {  	s29 =	sadd.s32 $0x280, s6;
	s30 =	simm.s32 $0x13A00  }
0x188: {  	[tilespmem:s30], [sflag:$0x3] =	stream.indirect.gather [hbm4b:s0+s19], $0x80, s29, s19, $0xb8;
	[tilespmem:$0x1ED00] =	vst v63  }
.LBB2_8:
0x189: {  	s15 =	sadd.s32 $0x1, s5  }
0x18a: {  	v16 =	vmov s15  }
0x18b: {  	s1 =	simm.s32 $0x0;
	v17 =	vshll.u32 v16, $0x8;
	v16 =	vshll.u32 v16, $0x7  }
0x18c: {  	v18 =	vmov s1;
	v17 =	vand.u32 $0x7800, v17;
	v16 =	vand.u32 $0x380, v16  }
0x18d: {  	v17 =	vor.u32 v17, v16;
	v16 =	vand.u32 $0x7F, v18;
	v18 =	vshll.u32 v18, $0x3  }
0x18e: {  	v18 =	vand.u32 $0x400, v18;
	v16 =	vor.u32 v16, v17  }
0x18f: {  	v16 =	vor.u32 v18, v16;
	_ =	sdelay $0x4  }
0x190: {  	v16 =	vld.idx.msk [tilespmem:v16+s14+$0x0], $0xffff;
	_ =	sdelay $0x4  }
0x191: {  	(v2sf) =	vpush v16, $0x0;
	_ =	sdelay $0x5  }
0x192: {  	s16 =	simm.s32 $0xA440;
	s3 =	simm.s32 $0x1  }
0x193: {  	s21 =	simm.s32 $0x18840;
	v19 =	vmov s3;
	v20 =	vld [tilespmem:s16+$0xFFFFFFE0]  }
0x194: {  	v23 =	vld [tilespmem:s21+$0x0];
	v21 =	vand.u32 $0x7F, v19;
	v19 =	vshll.u32 v19, $0x3  }
0x195: {  	v22 =	vld [tilespmem:s16+$0xFFFFFFC0];
	v19 =	vand.u32 $0x400, v19;
	v21 =	vor.u32 v21, v17  }
0x196: {  	v24 =	vld [tilespmem:s16+$0x0];
	v19 =	vor.u32 v19, v21  }
0x197: {  	v25 =	vld [tilespmem:s16+$0x10]  }
0x198: {  	v30 =	vld [tilespmem:s21+$0xFFFFFFC0]  }
0x199: {  	v31 =	vld [tilespmem:s16+$0xFFFFFFD0]  }
0x19a: {  	v33 =	vld [tilespmem:s21+$0xFFFFFFD0]  }
0x19b: {  	v19 =	vld.idx.msk [tilespmem:v19+s14+$0x0], $0xffff;
	s22 =	spop (v2sf)  }
0x19c: {  	v35 =	vld [tilespmem:s16+$0x20];
	s3 =	sshll.u32 s22, $0x9  }
0x19d: {  	v21 =	vld [tilespmem:s16+$0xFFFFFFF0];
	s3 =	sshra.s32 s3, $0x2  }
0x19e: {  	v26 =	vld [tilespmem:s3+$0x16C50]  }
0x19f: {  	v28 =	vld [tilespmem:s3+$0x16C00]  }
0x1a0: {  	(v2sf) =	vpush v19, $0x0;
	v29 =	vld [tilespmem:s3+$0x16C10]  }
0x1a1: {  	v27 =	vld [tilespmem:s3+$0x16C40]  }
0x1a2: {  	v32 =	vld [tilespmem:s3+$0x16C20]  }
0x1a3: {  	v34 =	vld [tilespmem:s3+$0x16C30]  }
0x1a4: {  	v18 =	vld [tilespmem:s21+$0xFFFFFFE0];
	v19 =	vadd.f32 v22, v28  }
0x1a5: {  	v25 =	vadd.f32 v25, v26;
	v26 =	vld [tilespmem:s3+$0x16C60];
	v28 =	vadd.f32 v31, v29  }
0x1a6: {  	v24 =	vadd.f32 v24, v27;
	v27 =	vld [tilespmem:s21+$0xFFFFFFF0];
	v22 =	vadd.f32 v30, v19  }
0x1a7: {  	v29 =	vld [tilespmem:s21+$0x20];
	v30 =	vadd.f32 v20, v32;
	v20 =	vadd.f32 v33, v28  }
0x1a8: {  	v16 =	vld [tilespmem:s16+$0x30];
	v28 =	vadd.f32 v21, v34;
	v19 =	vadd.f32 v23, v24  }
0x1a9: {  	v31 =	vld [tilespmem:s3+$0x16C70];
	v21 =	vadd.f32 v18, v30;
	v18 =	vadd.f32 v20, v22  }
0x1aa: {  	s17 =	simm.s32 $0xA4C0;
	v23 =	vmul.f32 v22, v22;
	v30 =	vld [tilespmem:s21+$0x10];
	v49 =	vmul.f32 v20, v20;
	v24 =	vadd.f32 v35, v26  }
0x1ab: {  	v50 =	vld [tilespmem:s17+$0x30];
	v26 =	vadd.f32 v27, v28;
	v27 =	vadd.f32 v21, v18  }
0x1ac: {  	v53 =	vld [tilespmem:s17+$0xFFFFFFC0];
	v23 =	vadd.f32 v49, v23;
	v18 =	vadd.f32 v29, v24;
	v24 =	vmul.f32 v21, v21  }
0x1ad: {  	v36 =	vld [tilespmem:s17+$0x10];
	v29 =	vadd.f32 v26, v27  }
0x1ae: {  	s28 =	simm.s32 $0x188C0;
	v28 =	vld [tilespmem:s21+$0x30];
	v16 =	vadd.f32 v16, v31;
	v31 =	vmul.f32 v26, v26;
	v23 =	vadd.f32 v24, v23  }
0x1af: {  	v58 =	vld [tilespmem:s28+$0xFFFFFFC0];
	s29 =	spop (v2sf);
	v27 =	vadd.f32 v30, v25;
	v29 =	vadd.f32 v19, v29  }
0x1b0: {  	v40 =	vld [tilespmem:s28+$0xFFFFFFD0];
	s3 =	sshll.u32 s29, $0x9;
	v51 =	vmul.f32 v19, v19;
	v23 =	vadd.f32 v31, v23  }
0x1b1: {  	s25 =	simm.s32 $0x2;
	v60 =	vld [tilespmem:s28+$0x0];
	s3 =	sshra.s32 s3, $0x2;
	v29 =	vadd.f32 v27, v29  }
0x1b2: {  	v56 =	vld [tilespmem:s3+$0x16C50];
	v25 =	vmov s25;
	v54 =	vmul.f32 v27, v27;
	v23 =	vadd.f32 v51, v23  }
0x1b3: {  	v38 =	vld [tilespmem:s3+$0x16C40];
	v55 =	vmul.f32 v18, v18;
	v28 =	vadd.f32 v28, v16;
	v29 =	vadd.f32 v18, v29  }
0x1b4: {  	v57 =	vld [tilespmem:s3+$0x16C10];
	v52 =	vand.u32 $0x7F, v25;
	v25 =	vshll.u32 v25, $0x3;
	v23 =	vadd.f32 v54, v23  }
0x1b5: {  	v39 =	vld [tilespmem:s3+$0x16C20];
	v25 =	vand.u32 $0x400, v25;
	v31 =	vor.u32 v52, v17;
	v29 =	vadd.f32 v28, v29  }
0x1b6: {  	v41 =	vld [tilespmem:s3+$0x16C30];
	v25 =	vor.u32 v25, v31;
	v37 =	vmul.f32 v28, v28;
	v23 =	vadd.f32 v55, v23  }
0x1b7: {  	(xrf2) =	vadd.scan.msk.f32 $0xffff, v29;
	v29 =	vld [tilespmem:s3+$0x16C00]  }
0x1b8: {  	v30 =	vld [tilespmem:s17+$0xFFFFFFE0];
	v23 =	vadd.f32 v37, v23  }
0x1b9: {  	v16 =	vld [tilespmem:s17+$0x0]  }
0x1ba: {  	(xrf2) =	vadd.scan.msk.f32 $0xffff, v23;
	v23 =	vld [tilespmem:s17+$0xFFFFFFD0]  }
0x1bb: {  	v25 =	vld.idx.msk [tilespmem:v25+s14+$0x0], $0xffff  }
0x1bc: {  	v31 =	vld [tilespmem:s17+$0xFFFFFFF0];
	v29 =	vadd.f32 v53, v29  }
0x1bd: {  	v24 =	vld [tilespmem:s28+$0xFFFFFFE0]  }
0x1be: {  	v36 =	vadd.f32 v36, v56;
	v32 =	vadd.f32 v58, v29;
	v29 =	vld [tilespmem:s28+$0xFFFFFFF0]  }
0x1bf: {  	v42 =	vld [tilespmem:s3+$0x16C60];
	v30 =	vadd.f32 v30, v39;
	v23 =	vadd.f32 v23, v57  }
0x1c0: {  	v16 =	vadd.f32 v16, v38;
	(v2sf) =	vpush v25, $0x0;
	v25 =	vld [tilespmem:s17+$0x20]  }
0x1c1: {  	v62 =	vld [tilespmem:s28+$0x10];
	v31 =	vadd.f32 v31, v41;
	v59, _, _ =	vpop (xrf2);
	v35 =	vadd.f32 v40, v23  }
0x1c2: {  	v34 =	vadd.f32 v24, v30;
	v23 =	vld [tilespmem:s28+$0x20];
	(v2sf) =	vpush v59, $0xF  }
0x1c3: {  	v61 =	vld [tilespmem:s3+$0x16C70];
	v30 =	vadd.f32 v35, v32;
	v47 =	vadd.f32 v29, v31  }
0x1c4: {  	v31 =	vadd.f32 v60, v16;
	v16 =	vmul.f32 v32, v32;
	v29 =	vmul.f32 v35, v35;
	v24, _, _ =	vpop (xrf2)  }
0x1c5: {  	v25 =	vadd.f32 v25, v42;
	(v2sf) =	vpush v24, $0xF  }
0x1c6: {  	v63 =	vld [tilespmem:s28+$0x30];
	v46 =	vmul.f32 v34, v34;
	v24 =	vadd.f32 v34, v30;
	v16 =	vadd.f32 v29, v16  }
0x1c7: {  	s18 =	simm.s32 $0xA540;
	s13 =	simm.s32 $0x3;
	v48 =	vmul.f32 v47, v47;
	v29 =	vadd.f32 v62, v36;
	v30 =	vadd.f32 v23, v25  }
0x1c8: {  	v43 =	vld [tilespmem:s18+$0xFFFFFFC0];
	v25 =	vadd.f32 v50, v61;
	v50 =	vmov s13;
	v24 =	vadd.f32 v47, v24  }
0x1c9: {  	v44 =	vld [tilespmem:s18+$0xFFFFFFF0];
	v16 =	vadd.f32 v46, v16;
	v51 =	vand.u32 $0x7F, v50;
	v41 =	vshll.u32 v50, $0x3  }
0x1ca: {  	s30 =	simm.s32 $0x18940;
	v52 =	vld [tilespmem:s18+$0x0];
	v41 =	vand.u32 $0x400, v41;
	v33 =	vor.u32 v51, v17;
	v24 =	vadd.f32 v31, v24  }
0x1cb: {  	v38 =	vld [tilespmem:s30+$0xFFFFFFE0];
	v40 =	vadd.f32 v48, v16;
	v16 =	vadd.f32 v63, v25;
	v25 =	vor.u32 v41, v33  }
0x1cc: {  	v54 =	vld [tilespmem:s18+$0x10]  }
0x1cd: {  	v42 =	vld [tilespmem:s18+$0xFFFFFFE0];
	v49 =	vmul.f32 v31, v31;
	v24 =	vadd.f32 v29, v24  }
0x1ce: {  	v59 =	vld [tilespmem:s30+$0xFFFFFFD0]  }
0x1cf: {  	v36 =	vld [tilespmem:s18+$0x20];
	v53 =	vmul.f32 v29, v29;
	v39 =	vadd.f32 v49, v40;
	v24 =	vadd.f32 v30, v24  }
0x1d0: {  	s21 =	spop (v2sf);
	v25 =	vld.idx.msk [tilespmem:v25+s14+$0x0], $0xffff  }
0x1d1: {  	v62 =	vld [tilespmem:s30+$0x20];
	v45 =	vmul.f32 v30, v30;
	s3 =	sshll.u32 s21, $0x9;
	v37 =	vadd.f32 v53, v39;
	v24 =	vadd.f32 v16, v24  }
0x1d2: {  	v48 =	vld [tilespmem:s30+$0xFFFFFFC0];
	s3 =	sshra.s32 s3, $0x2;
	s10 =	spop (v2sf)  }
0x1d3: {  	v55 =	vld [tilespmem:s3+$0x16C50];
	v37 =	vadd.f32 v45, v37;
	(xrf2) =	vadd.scan.msk.f32 $0xffff, v24;
	v24 =	vmul.f32 v16, v16;
	s10 =	smul.f32 $7.812500000e-03, s10  }
0x1d4: {  	v46 =	vld [tilespmem:s3+$0x16C30]  }
0x1d5: {  	v57 =	vld [tilespmem:s3+$0x16C00];
	v24 =	vadd.f32 v24, v37;
	(v2sf) =	vpush v25, $0x0;
	s11 =	smul.f32 s10, s10;
	s12 =	spop (v2sf)  }
0x1d6: {  	v58 =	vld [tilespmem:s3+$0x16C10];
	s12 =	smul.f32 $7.812500000e-03, s12  }
0x1d7: {  	v49 =	vmov s10;
	(xrf2) =	vadd.scan.msk.f32 $0xffff, v24;
	v24 =	vld [tilespmem:s18+$0xFFFFFFD0]  }
0x1d8: {  	v41 =	vsub.f32 v22, v49;
	v22 =	vld [tilespmem:s3+$0x16C20];
	s22 =	ssub.f32 s12, s11  }
0x1d9: {  	v23 =	vld [tilespmem:s18+$0x30];
	v40 =	vadd.f32 v54, v55  }
0x1da: {  	v56 =	vld [tilespmem:s3+$0x16C40];
	v51 =	vsub.f32 v20, v49;
	v20 =	vadd.f32 v44, v46;
	s10 =	sadd.f32 $9.999999960e-13, s22  }
0x1db: {  	v50 =	vld [tilespmem:s30+$0x0];
	v44 =	vsub.f32 v21, v49;
	v21 =	vadd.f32 v43, v57  }
0x1dc: {  	v45 =	vsub.f32 v19, v49;
	v19 =	vadd.f32 v24, v58;
	v24 =	vld [tilespmem:s30+$0xFFFFFFF0];
	s25 =	sshra.s32 s10, $0x1;
	s10 =	smul.f32 $5.000000000e-01, s10  }
0x1dd: {  	v60 =	vld [tilespmem:s3+$0x16C60];
	v25 =	vadd.f32 v48, v21;
	v21 =	vadd.f32 v42, v22;
	v61, _, _ =	vpop (xrf2);
	s11 =	ssub.s32 $0x5F3759DF, s25  }
0x1de: {  	s21 =	simm.s32 $0xA5C0;
	v63 =	vld [tilespmem:s3+$0x16C70];
	(v2sf) =	vpush v61, $0xF;
	v22 =	vadd.f32 v59, v19;
	s28 =	smul.f32 s11, s10  }
0x1df: {  	v53 =	vld [tilespmem:s21+$0xFFFFFFE0];
	v33 =	vadd.f32 v52, v56;
	v39 =	vsub.f32 v18, v49  }
0x1e0: {  	v55 =	vld [tilespmem:s21+$0xFFFFFFC0];
	v56 =	vmul.f32 v25, v25;
	v21 =	vadd.f32 v38, v21;
	v48 =	vadd.f32 v22, v25;
	s29 =	smul.f32 s11, s28  }
0x1e1: {  	v57 =	vld [tilespmem:s30+$0x10];
	v19 =	vadd.f32 v50, v33;
	v58, _, _ =	vpop (xrf2);
	v18 =	vadd.f32 v24, v20;
	v24 =	vmul.f32 v22, v22  }
0x1e2: {  	v43 =	vld [tilespmem:s21+$0x0];
	(v2sf) =	vpush v58, $0xF;
	v59 =	vadd.f32 v21, v48;
	s3 =	ssub.f32 $1.500000000e+00, s29  }
0x1e3: {  	v36 =	vadd.f32 v36, v60;
	v42 =	vld [tilespmem:s21+$0x20];
	v60 =	vmul.f32 v21, v21;
	v24 =	vadd.f32 v24, v56  }
0x1e4: {  	v23 =	vadd.f32 v23, v63;
	v33 =	vld [tilespmem:s30+$0x30];
	v63 =	vmul.f32 v19, v19;
	v61 =	vadd.f32 v18, v59;
	s13 =	spop (v2sf);
	s3 =	smul.f32 s11, s3  }
0x1e5: {  	s12 =	simm.s32 $0x4;
	v50 =	vld [tilespmem:s21+$0x30];
	v20 =	vadd.f32 v62, v36;
	v62 =	vmul.f32 v18, v18;
	v36 =	vadd.f32 v60, v24;
	s11 =	sshll.u32 s13, $0x9  }
0x1e6: {  	v48 =	vld [tilespmem:s21+$0x10];
	v24 =	vadd.f32 v57, v40;
	v60 =	vmov s12;
	v37 =	vadd.f32 v19, v61;
	s11 =	sshra.s32 s11, $0x2;
	s10 =	smul.f32 s3, s10  }
0x1e7: {  	v54 =	vand.u32 $0x7F, v60;
	v38 =	vshll.u32 v60, $0x3;
	v36 =	vadd.f32 v62, v36;
	v57 =	vld [tilespmem:s11+$0x16C50]  }
0x1e8: {  	v38 =	vand.u32 $0x400, v38;
	v61 =	vor.u32 v54, v17;
	v58 =	vld [tilespmem:s11+$0x16C40];
	v37 =	vadd.f32 v24, v37;
	s10 =	smul.f32 s10, s3  }
0x1e9: {  	v27 =	vsub.f32 v27, v49;
	v23 =	vadd.f32 v33, v23;
	v54 =	vld [tilespmem:s21+$0xFFFFFFF0];
	v38 =	vor.u32 v38, v61  }
0x1ea: {  	s30 =	simm.s32 $0x189C0;
	v56 =	vmul.f32 v24, v24;
	v59 =	vld [tilespmem:s11+$0x16C30];
	v36 =	vadd.f32 v63, v36;
	v62 =	vadd.f32 v20, v37;
	s10 =	ssub.f32 $1.500000000e+00, s10  }
0x1eb: {  	v26 =	vsub.f32 v26, v49;
	v49 =	vsub.f32 v28, v49;
	v52 =	vld [tilespmem:s30+$0x20]  }
0x1ec: {  	v46 =	vld [tilespmem:s30+$0xFFFFFFE0];
	v63 =	vmul.f32 v20, v20;
	v36 =	vadd.f32 v56, v36;
	v33 =	vadd.f32 v23, v62;
	s3 =	smul.f32 s10, s3  }
0x1ed: {  	v40 =	vld [tilespmem:s30+$0x0];
	v60 =	vmul.f32 v23, v23;
	v48 =	vadd.f32 v48, v57;
	v43 =	vadd.f32 v43, v58;
	s22 =	spop (v2sf)  }
0x1ee: {  	v36 =	vadd.f32 v63, v36;
	v28 =	vld.idx.msk [tilespmem:v38+s14+$0x0], $0xffff;
	s10 =	smul.f32 $7.812500000e-03, s22;
	v41 =	vmul.f32 s3, v41;
	v51 =	vmul.f32 s3, v51  }
0x1ef: {  	v54 =	vadd.f32 v54, v59;
	v38 =	vld [tilespmem:s11+$0x16C00];
	(xrf2) =	vadd.scan.msk.f32 $0xffff, v33;
	v61 =	vmul.f32 s3, v44;
	v26 =	vmul.f32 s3, v26  }
0x1f0: {  	v56 =	vld [tilespmem:s11+$0x16C10];
	v44 =	vadd.f32 v60, v36;
	v45 =	vmul.f32 s3, v45;
	v33 =	vmov s10  }
0x1f1: {  	v60 =	vld [tilespmem:s30+$0xFFFFFFC0];
	s10 =	smul.f32 s10, s10;
	v32 =	vsub.f32 v32, v33;
	v57 =	vmul.f32 v61, v2;
	s25 =	spop (v2sf);
	v36 =	vsub.f32 v35, v33  }
0x1f2: {  	v26 =	vmul.f32 v26, v3;
	v35 =	vld [tilespmem:s21+$0xFFFFFFD0];
	v37 =	vsub.f32 v34, v33;
	v47 =	vsub.f32 v47, v33;
	s12 =	smul.f32 $7.812500000e-03, s25  }
0x1f3: {  	(xrf2) =	vadd.scan.msk.f32 $0xffff, v44;
	v62 =	vmul.f32 v45, v4;
	v44 =	vld [tilespmem:s11+$0x16C20];
	(v2sf) =	vpush v28, $0x0;
	v57 =	vadd.f32 v57, v10  }
0x1f4: {  	v45 =	vld [tilespmem:s11+$0x16C60];
	v58 =	vadd.f32 v26, v11;
	v26 =	vmul.f32 s3, v27;
	v27 =	vadd.f32 v55, v38;
	s10 =	ssub.f32 s12, s10  }
0x1f5: {  	v59 =	vld [tilespmem:s30+$0xFFFFFFD0];
	v41 =	vmul.f32 v41, v0;
	v38 =	vsub.f32 v31, v33;
	v61 =	vadd.f32 v62, v12  }
0x1f6: {  	v31 =	vsub.f32 v30, v33;
	v30 =	vmul.f32 s3, v49;
	v62 =	vmul.f32 v26, v5;
	v26 =	vld [tilespmem:s11+$0x16C70];
	s10 =	sadd.f32 $9.999999960e-13, s10  }
0x1f7: {  	v55 =	vmul.f32 s3, v39;
	v49 =	vld [tilespmem:s30+$0xFFFFFFF0];
	v39 =	vsub.f32 v29, v33;
	v28 =	vadd.f32 v60, v27  }
0x1f8: {  	v27 =	vadd.f32 v40, v43;
	v40 =	vld [tilespmem:s30+$0x30];
	v43 =	vmul.f32 v30, v7;
	v63 =	vadd.f32 v35, v56;
	s28 =	sshra.s32 s10, $0x1;
	s13 =	smul.f32 $5.000000000e-01, s10  }
0x1f9: {  	v53 =	vadd.f32 v53, v44;
	v29 =	vadd.f32 v42, v45;
	v44 =	vmul.f32 v55, v6;
	v60, _, _ =	vpop (xrf2);
	s3 =	ssub.s32 $0x5F3759DF, s28  }
0x1fa: {  	v30 =	vld [tilespmem:s30+$0x10];
	v42 =	vmul.f32 v51, v1;
	v34 =	vadd.f32 v59, v63;
	(v2sf) =	vpush v60, $0xF;
	s10 =	smul.f32 s3, s13  }
0x1fb: {  	v56 =	vmul.f32 v28, v28;
	v35 =	vadd.f32 v46, v53;
	v46 =	vadd.f32 v50, v26  }
0x1fc: {  	s12 =	simm.s32 $0x18A40;
	v51 =	vmul.f32 v27, v27;
	v29 =	vadd.f32 v52, v29;
	v59 =	vadd.f32 v34, v28;
	s29 =	smul.f32 s3, s10  }
0x1fd: {  	v53 =	vmul.f32 v35, v35;
	v26 =	vadd.f32 v49, v54;
	v50 =	vld [tilespmem:s12+$0xFFFFFFE0];
	v63, _, _ =	vpop (xrf2);
	v40 =	vadd.f32 v40, v46  }
0x1fe: {  	v60 =	vmul.f32 v34, v34;
	s10 =	simm.s32 $0xA640;
	(v2sf) =	vpush v63, $0xF;
	v46 =	vld [tilespmem:s12+$0x20];
	v63 =	vadd.f32 v35, v59;
	s1 =	ssub.f32 $1.500000000e+00, s29  }
0x1ff: {  	[tilespmem:s16+$0xFFFFFFE0] =	vst v57;
	s30 =	simm.s32 $0x5;
	v30 =	vadd.f32 v30, v48;
	v54 =	vmul.f32 v26, v26;
	v59 =	vadd.f32 v62, v13;
	v45 =	vld [tilespmem:s10+$0x30]  }
0x200: {  	[tilespmem:s16+$0xFFFFFFF0] =	vst v58;
	v56 =	vadd.f32 v60, v56;
	v60 =	vmov s30;
	v52 =	vld [tilespmem:s10+$0x20];
	v57 =	vadd.f32 v26, v63;
	s3 =	smul.f32 s3, s1  }
0x201: {  	[tilespmem:s16+$0x0] =	vst v61;
	v55 =	vmul.f32 v30, v30;
	v49 =	vld [tilespmem:s10+$0xFFFFFFE0];
	v58 =	vand.u32 $0x7F, v60;
	v48 =	vmul.f32 v40, v40  }
0x202: {  	s11 =	simm.s32 $0x6;
	v56 =	vadd.f32 v53, v56;
	[tilespmem:s16+$0x10] =	vst v59;
	v59 =	vshll.u32 v60, $0x3;
	v53 =	vld [tilespmem:s12+$0x0];
	v57 =	vadd.f32 v27, v57;
	s1 =	smul.f32 s3, s13  }
.LBB2_9:
0x203: {  	p0 =	sne.s32 s11, $0xC7  }
0x204: {  	v59 =	vand.u32 $0x400, v59;
	v58 =	vor.u32 v58, v17;
	v60 =	vld [tilespmem:s10+$0xFFFFFFC0];
	v54 =	vadd.f32 v54, v56;
	s13 =	smul.f32 s1, s3;
	s1 =	smov.u32 s11;
	s11 =	sadd.s32 $0x1, s11  }
0x205: {  	v56 =	vor.u32 v59, v58;
	v58 =	vld [tilespmem:s10+$0xFFFFFFF0];
	s22 =	spop (v2sf);
	v57 =	vadd.f32 v30, v57;
	v59 =	vmul.f32 v29, v29  }
0x206: {  	v43 =	vadd.f32 v43, v15;
	s22 =	sshll.u32 s22, $0x9;
	v61 =	vld [tilespmem:s10+$0x0];
	v51 =	vadd.f32 v51, v54;
	s25 =	ssub.f32 $1.500000000e+00, s13  }
0x207: {  	v44 =	vadd.f32 v44, v14;
	s13 =	sshra.s32 s22, $0x2;
	v54 =	vld [tilespmem:s10+$0x10];
	v57 =	vadd.f32 v29, v57  }
0x208: {  	v41 =	vadd.f32 v41, v8;
	v62 =	vld [tilespmem:s13+$0x16C50];
	v51 =	vadd.f32 v55, v51;
	s3 =	smul.f32 s25, s3;
	[tilespmem:s16+$0x30] =	vst v43  }
0x209: {  	v43 =	vld [tilespmem:s13+$0x16C40];
	v55 =	vadd.f32 v40, v57;
	s22 =	spop (v2sf);
	v57 =	vsub.f32 v16, v33;
	[tilespmem:s16+$0x20] =	vst v44;
	v16 =	vmovc v23;
	v23 =	vmov v40  }
0x20a: {  	v40 =	vld [tilespmem:s13+$0x16C30];
	v33 =	vadd.f32 v59, v51;
	s22 =	smul.f32 $7.812500000e-03, s22;
	v44 =	vmul.f32 s3, v32;
	v51 =	vmul.f32 s3, v36;
	[tilespmem:s16+$0xFFFFFFC0] =	vst v41  }
0x20b: {  	v42 =	vadd.f32 v42, v9;
	v36 =	vmul.f32 s3, v37;
	v37 =	vmul.f32 s3, v47;
	v41 =	vld.idx.msk [tilespmem:v56+s14+$0x0], $0xffff;
	(xrf2) =	vadd.scan.msk.f32 $0xffff, v55  }
0x20c: {  	v38 =	vmul.f32 s3, v38;
	v47 =	vld [tilespmem:s13+$0x16C00];
	v48 =	vadd.f32 v48, v33;
	v33 =	vmov s22  }
0x20d: {  	s22 =	smul.f32 s22, s22;
	v55 =	vld [tilespmem:s13+$0x16C10];
	v56 =	vadd.f32 v54, v62;
	v32 =	vsub.f32 v25, v33;
	s25 =	spop (v2sf);
	v54 =	vmul.f32 v36, v2;
	[tilespmem:s16+$0xFFFFFFD0] =	vst v42;
	s16 =	smov.u32 s17  }
0x20e: {  	v36 =	vsub.f32 v22, v33;
	s17 =	smov.u32 s18;
	s18 =	smov.u32 s21;
	v42 =	vld [tilespmem:s12+$0xFFFFFFC0];
	v43 =	vadd.f32 v61, v43;
	(xrf2) =	vadd.scan.msk.f32 $0xffff, v48;
	s25 =	smul.f32 $7.812500000e-03, s25;
	v61 =	vmul.f32 v37, v3  }
0x20f: {  	v25 =	vmovc v28;
	s21 =	smov.u32 s10;
	v37 =	vsub.f32 v21, v33;
	v48 =	vld [tilespmem:s10+$0xFFFFFFD0];
	v40 =	vadd.f32 v58, v40;
	v58 =	vmul.f32 v38, v4  }
0x210: {  	v39 =	vmul.f32 s3, v39;
	v22 =	vmovc v34;
	v21 =	vmovc v35;
	v28 =	vadd.f32 v54, v10;
	v59 =	vld [tilespmem:s13+$0x16C20];
	s22 =	ssub.f32 s25, s22;
	v54 =	vadd.f32 v61, v11  }
0x211: {  	v38 =	vsub.f32 v19, v33;
	v19 =	vmovc v27;
	v34 =	vadd.f32 v60, v47;
	v35 =	vld [tilespmem:s13+$0x16C60];
	v47 =	vmul.f32 s3, v31  }
0x212: {  	v61 =	vmul.f32 v39, v5;
	v58 =	vadd.f32 v58, v12;
	(v2sf) =	vpush v41, $0x0;
	v60 =	vld [tilespmem:s12+$0xFFFFFFD0];
	s22 =	sadd.f32 $9.999999960e-13, s22;
	[tilespmem:s16+$0xFFFFFFE0] =	vst v28  }
0x213: {  	v31 =	vsub.f32 v20, v33;
	v20 =	vmovc v29;
	v28 =	vadd.f32 v42, v34;
	v42 =	vld [tilespmem:s13+$0x16C70];
	[tilespmem:s16+$0xFFFFFFF0] =	vst v54;
	v34 =	vmul.f32 s3, v57  }
0x214: {  	v27 =	vadd.f32 v53, v43;
	v41 =	vmul.f32 v44, v0;
	v29 =	vadd.f32 v48, v55;
	v48 =	vld [tilespmem:s12+$0xFFFFFFF0];
	s3 =	sshra.s32 s22, $0x1;
	s13 =	smul.f32 $5.000000000e-01, s22;
	[tilespmem:s16+$0x0] =	vst v58  }
0x215: {  	v39 =	vsub.f32 v24, v33;
	v53 =	vmul.f32 v28, v28;
	v44 =	vadd.f32 v49, v59;
	v49 =	vld [tilespmem:s12+$0x30];
	v43, _, _ =	vpop (xrf2);
	s3 =	ssub.s32 $0x5F3759DF, s3  }
0x216: {  	v24 =	vmovc v30;
	v52 =	vadd.f32 v52, v35;
	(v2sf) =	vpush v43, $0xF;
	s22 =	smul.f32 s3, s13;
	v43 =	vmul.f32 v34, v7  }
0x217: {  	v34 =	vadd.f32 v60, v29;
	v35 =	vadd.f32 v50, v44;
	v30 =	vld [tilespmem:s12+$0x10];
	v44 =	vmul.f32 v47, v6  }
0x218: {  	v29 =	vadd.f32 v46, v52;
	v46 =	vadd.f32 v45, v42;
	v47, _, _ =	vpop (xrf2);
	s22 =	smul.f32 s3, s22;
	v42 =	vmul.f32 v51, v1  }
0x219: {  	s10 =	sadd.s32 $0x80, s10;
	v50 =	vadd.f32 v34, v28;
	v55 =	vmul.f32 v35, v35;
	v57 =	vadd.f32 v48, v40  }
0x21a: {  	s12 =	sadd.s32 $0x80, s12;
	v48 =	vmul.f32 v34, v34;
	v45 =	vld [tilespmem:s10+$0x30];
	v40 =	vadd.f32 v49, v46;
	(v2sf) =	vpush v47, $0xF;
	s22 =	ssub.f32 $1.500000000e+00, s22  }
.Ltmp5:
0x21b: {  	v49 =	vadd.f32 v61, v13;
	v46 =	vld [tilespmem:s12+$0x20];
	v47 =	vadd.f32 v35, v50;
	v54 =	vmul.f32 v57, v57;
	(pc) =	sbr.rel @p0 .LBB2_9-.Ltmp5, $4  }
0x21c: {  	v51 =	vmul.f32 v27, v27;
	v53 =	vadd.f32 v48, v53;
	v50 =	vld [tilespmem:s12+$0xFFFFFFE0];
	v30 =	vadd.f32 v30, v56;
	s3 =	smul.f32 s3, s22  }
0x21d: {  	v48 =	vmul.f32 v40, v40;
	v52 =	vld [tilespmem:s10+$0x20];
	v60 =	vadd.f32 v57, v47;
	v47 =	vsub.f32 v18, v33;
	[tilespmem:s16+$0x10] =	vst v49  }
0x21e: {  	v59 =	vmov s1;
	v56 =	vadd.f32 v55, v53;
	v18 =	vmovc v26;
	v26 =	vmovc v57;
	v49 =	vld [tilespmem:s10+$0xFFFFFFE0];
	v55 =	vmul.f32 v30, v30;
	s1 =	smul.f32 s3, s13  }
0x21f: {  	v58 =	vand.u32 $0x7F, v59;
	v59 =	vshll.u32 v59, $0x3;
	v53 =	vld [tilespmem:s12+$0x0];
	v57 =	vadd.f32 v27, v60  }
0x220: {  	v61 =	vld [tilespmem:s10+$0xFFFFFFF0];
	_ =	sdelay $0x4  }
0x221: {  	v62 =	vld [tilespmem:s10+$0xFFFFFFC0];
	[tilespmem:$0x1FE20] =	vst v61  }
0x222: {  	v17 =	vor.u32 v58, v17;
	v58 =	vld [tilespmem:s10+$0x0];
	_ =	sdelay $0x4  }
0x223: {  	v59 =	vand.u32 $0x400, v59;
	[tilespmem:$0x1FE30] =	vst v58  }
0x224: {  	v17 =	vor.u32 v59, v17;
	v58 =	vld [tilespmem:s10+$0x10];
	_ =	sdelay $0x2  }
0x225: {  	s11 =	spop (v2sf)  }
0x226: {  	s11 =	sshll.u32 s11, $0x9  }
0x227: {  	s11 =	sshra.s32 s11, $0x2;
	v17 =	vld.idx.msk [tilespmem:v17+s14+$0x0], $0xffff;
	[tilespmem:$0x1FE00] =	vst v58  }
0x228: {  	v58 =	vld [tilespmem:s11+$0x16C50];
	_ =	sdelay $0x4  }
0x229: {  	[tilespmem:$0x1FE10] =	vst v58  }
0x22a: {  	v58 =	vld [tilespmem:s11+$0x16C40];
	_ =	sdelay $0x4  }
0x22b: {  	[tilespmem:$0x1FE40] =	vst v58  }
0x22c: {  	v63 =	vld [tilespmem:s11+$0x16C30]  }
0x22d: {  	(v2sf) =	vpush v17, $0x0;
	v17 =	vld [tilespmem:s11+$0x16C60]  }
0x22e: {  	v54 =	vadd.f32 v54, v56;
	v58 =	vld [tilespmem:s11+$0x16C00]  }
0x22f: {  	v59 =	vld [tilespmem:s11+$0x16C10]  }
0x230: {  	v51 =	vadd.f32 v51, v54;
	v61 =	vld [tilespmem:s12+$0xFFFFFFC0]  }
0x231: {  	v57 =	vadd.f32 v30, v57;
	v56 =	vld [tilespmem:s10+$0xFFFFFFD0]  }
0x232: {  	v51 =	vadd.f32 v55, v51;
	v60 =	vld [tilespmem:s11+$0x16C20];
	[tilespmem:$0x1FE50] =	vst v17;
	v17 =	vmul.f32 v29, v29  }
0x233: {  	v57 =	vadd.f32 v29, v57;
	v55 =	vld [tilespmem:s11+$0x16C70]  }
0x234: {  	v17 =	vadd.f32 v17, v51  }
0x235: {  	v57 =	vadd.f32 v40, v57  }
0x236: {  	v17 =	vadd.f32 v48, v17  }
0x237: {  	(xrf2) =	vadd.scan.msk.f32 $0xffff, v57;
	v62 =	vadd.f32 v62, v58;
	v54 =	vld [tilespmem:s12+$0xFFFFFFD0]  }
0x238: {  	[tilespmem:$0x1FE60] =	vst v55;
	(xrf2) =	vadd.scan.msk.f32 $0xffff, v17;
	v17 =	vld [tilespmem:$0x1FE20]  }
0x239: {  	v48 =	vadd.f32 v61, v62;
	v57 =	vld [tilespmem:s12+$0xFFFFFFF0]  }
0x23a: {  	v58 =	vld [tilespmem:s12+$0x30]  }
0x23b: {  	v56 =	vadd.f32 v56, v59;
	s11 =	sadd.s32 $0x80, s10;
	v59 =	vld [tilespmem:s12+$0x10];
	[tilespmem:$0x1FE90] =	vst v48  }
0x23c: {  	v55 =	vld [tilespmem:s11+$0x30]  }
0x23d: {  	v61 =	vld [tilespmem:$0x1FE00]  }
0x23e: {  	v62 =	vld [tilespmem:$0x1FE10];
	_ =	sdelay $0x2  }
0x23f: {  	v51 =	vadd.f32 v49, v60;
	v49 =	vadd.f32 v17, v63;
	v63 =	vld [tilespmem:$0x1FE40];
	[tilespmem:$0x1FE80] =	vst v55  }
0x240: {  	v17 =	vld [tilespmem:s11+$0x20]  }
0x241: {  	v55 =	vadd.f32 v61, v62;
	v61 =	vld [tilespmem:$0x1FE30]  }
0x242: {  	v56 =	vadd.f32 v54, v56;
	v54 =	vadd.f32 v50, v51  }
0x243: {  	s13 =	sadd.s32 $0x80, s12  }
0x244: {  	v60 =	vld [tilespmem:s13+$0xFFFFFFE0];
	[tilespmem:$0x1FEB0] =	vst v54  }
0x245: {  	v50 =	vadd.f32 v56, v48;
	[tilespmem:$0x1FE70] =	vst v17;
	v17 =	vmov v56  }
0x246: {  	[tilespmem:$0x1FEA0] =	vst v56;
	v63 =	vadd.f32 v61, v63;
	v56 =	vmul.f32 v48, v48;
	v17 =	vmul.f32 v17, v17  }
0x247: {  	v48 =	vadd.f32 v57, v49;
	v49 =	vadd.f32 v54, v50;
	v62 =	vld [tilespmem:s11+$0xFFFFFFE0]  }
0x248: {  	s29 =	spop (v2sf);
	v61 =	vadd.f32 v53, v63;
	v53 =	vmul.f32 v54, v54;
	v54 =	vld [tilespmem:$0x1FE50];
	v17 =	vadd.f32 v17, v56  }
0x249: {  	s28 =	spop (v2sf);
	v51 =	vld [tilespmem:s11+$0xFFFFFFC0]  }
0x24a: {  	s22 =	spop (v2sf);
	[tilespmem:$0x1FEF0] =	vst v48;
	v17 =	vadd.f32 v53, v17;
	v53 =	vadd.f32 v59, v55;
	v55 =	vld [tilespmem:$0x1FE60]  }
0x24b: {  	s22 =	sshll.u32 s22, $0x9;
	v57 =	vld [tilespmem:s11+$0xFFFFFFF0]  }
0x24c: {  	s22 =	sshra.s32 s22, $0x2;
	v49 =	vadd.f32 v48, v49;
	v56 =	vld [tilespmem:s11+$0x0]  }
0x24d: {  	v50 =	vld [tilespmem:s22+$0x16C00];
	v52 =	vadd.f32 v52, v54  }
0x24e: {  	v49 =	vadd.f32 v61, v49;
	v54 =	vld [tilespmem:s22+$0x16C10];
	[tilespmem:$0x1FEC0] =	vst v61  }
0x24f: {  	v63, _, _ =	vpop (xrf2);
	v59 =	vld [tilespmem:s13+$0xFFFFFFC0];
	v45 =	vadd.f32 v45, v55;
	v55 =	vmul.f32 v61, v61;
	v61 =	vadd.f32 v46, v52  }
0x250: {  	(v2sf) =	vpush v63, $0xF;
	v63 =	vmul.f32 v48, v48;
	v48 =	vld [tilespmem:s11+$0xFFFFFFD0];
	[tilespmem:$0x1FEE0] =	vst v53  }
0x251: {  	[tilespmem:$0x1FED0] =	vst v61  }
0x252: {  	v63 =	vadd.f32 v63, v17;
	v46 =	vmov v53;
	v52 =	vadd.f32 v53, v49;
	v53 =	vld [tilespmem:s22+$0x16C20]  }
0x253: {  	v17 =	vadd.f32 v58, v45;
	v58 =	vld [tilespmem:s13+$0xFFFFFFD0]  }
0x254: {  	v45 =	vmul.f32 v46, v46;
	v55 =	vadd.f32 v55, v63;
	v63 =	vld [tilespmem:s22+$0x16C30]  }
0x255: {  	v50 =	vadd.f32 v51, v50;
	v49, _, _ =	vpop (xrf2);
	v46 =	vadd.f32 v61, v52;
	v52 =	vmul.f32 v61, v61;
	v61 =	vld [tilespmem:s11+$0x10]  }
0x256: {  	(v2sf) =	vpush v49, $0xF;
	v51 =	vld [tilespmem:s22+$0x16C40];
	v45 =	vadd.f32 v45, v55  }
0x257: {  	v48 =	vadd.f32 v48, v54;
	v49 =	vadd.f32 v17, v46;
	v55 =	vmul.f32 v17, v17;
	v54 =	vmovc v17;
	v17 =	vld [tilespmem:s13+$0x20]  }
0x258: {  	v45 =	vadd.f32 v52, v45;
	v52 =	vadd.f32 v59, v50;
	v50 =	vld [tilespmem:s13+$0xFFFFFFF0]  }
0x259: {  	v59 =	vld [tilespmem:s22+$0x16C50]  }
0x25a: {  	v46 =	vadd.f32 v62, v53;
	v53 =	vadd.f32 v58, v48;
	v48 =	vld [tilespmem:s13+$0x0]  }
0x25b: {  	v62 =	vadd.f32 v55, v45;
	v45 =	vadd.f32 v57, v63;
	v57 =	vld [tilespmem:s22+$0x16C60]  }
0x25c: {  	(xrf2) =	vadd.scan.msk.f32 $0xffff, v49;
	v63 =	vld [tilespmem:$0x1FE70];
	v55 =	vadd.f32 v60, v46;
	v46 =	vadd.f32 v53, v52  }
0x25d: {  	v51 =	vadd.f32 v56, v51;
	v56 =	vmul.f32 v52, v52;
	v60 =	vld [tilespmem:s13+$0x10];
	v58 =	vmul.f32 v53, v53  }
0x25e: {  	(xrf2) =	vadd.scan.msk.f32 $0xffff, v62;
	v62 =	vld [tilespmem:$0x1FE80];
	v45 =	vadd.f32 v50, v45;
	v46 =	vadd.f32 v55, v46  }
0x25f: {  	v49 =	vadd.f32 v61, v59;
	v50 =	vld [tilespmem:s22+$0x16C70];
	v56 =	vadd.f32 v58, v56;
	v61 =	vmul.f32 v55, v55  }
0x260: {  	v58 =	vadd.f32 v48, v51;
	v46 =	vadd.f32 v45, v46  }
0x261: {  	s22 =	smul.f32 $7.812500000e-03, s29;
	v48 =	vadd.f32 v63, v57;
	v51 =	vld [tilespmem:s13+$0x30];
	v59 =	vmul.f32 v45, v45;
	v56 =	vadd.f32 v61, v56  }
0x262: {  	s12 =	smul.f32 $7.812500000e-03, s28;
	v57 =	vadd.f32 v60, v49;
	v46 =	vadd.f32 v58, v46  }
0x263: {  	s29 =	smul.f32 s22, s22;
	v60 =	vadd.f32 v17, v48;
	v61 =	vmul.f32 v58, v58;
	v17 =	vadd.f32 v59, v56  }
0x264: {  	s1 =	smul.f32 s1, s3;
	v49 =	vadd.f32 v62, v50;
	v46 =	vadd.f32 v57, v46  }
0x265: {  	s12 =	ssub.f32 s12, s29;
	v63 =	vmul.f32 v57, v57;
	v17 =	vadd.f32 v61, v17  }
0x266: {  	s1 =	ssub.f32 $1.500000000e+00, s1;
	v62, _, _ =	vpop (xrf2);
	v56 =	vadd.f32 v51, v49;
	v46 =	vadd.f32 v60, v46  }
0x267: {  	s12 =	sadd.f32 $9.999999960e-13, s12;
	(v2sf) =	vpush v62, $0xF;
	v61 =	vmul.f32 v60, v60;
	v17 =	vadd.f32 v63, v17  }
0x268: {  	s3 =	smul.f32 s1, s3;
	v46 =	vadd.f32 v56, v46  }
0x269: {  	s28 =	spop (v2sf);
	s30 =	sshra.s32 s12, $0x1;
	s25 =	smul.f32 $5.000000000e-01, s12;
	v63 =	vmul.f32 v56, v56;
	v17 =	vadd.f32 v61, v17  }
0x26a: {  	s12 =	smul.f32 $7.812500000e-03, s28;
	s13 =	ssub.s32 $0x5F3759DF, s30;
	v48, _, _ =	vpop (xrf2);
	(xrf2) =	vadd.scan.msk.f32 $0xffff, v46  }
0x26b: {  	s28 =	spop (v2sf);
	(v2sf) =	vpush v48, $0xF;
	s30 =	smul.f32 s13, s25;
	v17 =	vadd.f32 v63, v17  }
0x26c: {  	s28 =	smul.f32 $7.812500000e-03, s28  }
0x26d: {  	s29 =	smul.f32 s13, s30;
	(xrf2) =	vadd.scan.msk.f32 $0xffff, v17  }
0x26e: {  	s30 =	smul.f32 s12, s12  }
0x26f: {  	s29 =	ssub.f32 $1.500000000e+00, s29  }
0x270: {  	v16 =	vsub.f32 v16, v33;
	v32 =	vmul.f32 s3, v32;
	s28 =	ssub.f32 s28, s30  }
0x271: {  	v38 =	vmul.f32 s3, v38;
	v39 =	vmul.f32 s3, v39;
	s13 =	smul.f32 s13, s29  }
0x272: {  	v31 =	vmul.f32 s3, v31;
	v16 =	vmul.f32 s3, v16;
	s1 =	sadd.f32 $9.999999960e-13, s28  }
0x273: {  	v41 =	vadd.f32 v41, v8;
	v38 =	vmul.f32 v38, v4;
	v39 =	vmul.f32 v39, v5;
	s25 =	smul.f32 s13, s25  }
0x274: {  	v42 =	vadd.f32 v42, v9;
	v16 =	vmul.f32 v16, v7;
	v31 =	vmul.f32 v31, v6;
	s29 =	sshra.s32 s1, $0x1;
	s28 =	smul.f32 $5.000000000e-01, s1;
	v50, _, _ =	vpop (xrf2)  }
0x275: {  	v38 =	vadd.f32 v38, v12;
	v61 =	vmov s22;
	s22 =	ssub.s32 $0x5F3759DF, s29;
	s25 =	smul.f32 s25, s13;
	(v2sf) =	vpush v50, $0xF  }
0x276: {  	v39 =	vadd.f32 v39, v13;
	v59 =	vmul.f32 s3, v47;
	v51 =	vmul.f32 s3, v37;
	s29 =	smul.f32 s22, s28;
	s30 =	spop (v2sf)  }
0x277: {  	v32 =	vmul.f32 v32, v0;
	v16 =	vadd.f32 v16, v15;
	v31 =	vadd.f32 v31, v14;
	s1 =	smul.f32 $7.812500000e-03, s30;
	v62, _, _ =	vpop (xrf2)  }
0x278: {  	v37 =	vmul.f32 v59, v3;
	v33 =	vmul.f32 v51, v2;
	s29 =	smul.f32 s22, s29;
	(v2sf) =	vpush v62, $0xF  }
0x279: {  	v36 =	vmul.f32 s3, v36;
	v32 =	vadd.f32 v32, v8;
	v49 =	vadd.f32 v44, v14;
	s3 =	smul.f32 s1, s1  }
0x27a: {  	v37 =	vadd.f32 v37, v11;
	v33 =	vadd.f32 v33, v10;
	s29 =	ssub.f32 $1.500000000e+00, s29;
	s30 =	spop (v2sf)  }
0x27b: {  	[tilespmem:s16+$0xFFFFFFC0] =	vst v41;
	v25 =	vsub.f32 v25, v61;
	v22 =	vsub.f32 v22, v61;
	s25 =	ssub.f32 $1.500000000e+00, s25;
	s30 =	smul.f32 $7.812500000e-03, s30  }
0x27c: {  	[tilespmem:s16+$0xFFFFFFD0] =	vst v42;
	v21 =	vsub.f32 v21, v61;
	v19 =	vsub.f32 v19, v61;
	s22 =	smul.f32 s22, s29  }
0x27d: {  	v36 =	vmul.f32 v36, v1;
	[tilespmem:s17+$0x0] =	vst v38;
	v20 =	vsub.f32 v20, v61;
	v24 =	vsub.f32 v24, v61;
	s13 =	smul.f32 s25, s13;
	s3 =	ssub.f32 s30, s3  }
0x27e: {  	[tilespmem:s17+$0x10] =	vst v39;
	v18 =	vsub.f32 v18, v61;
	v23 =	vsub.f32 v23, v61;
	v63 =	vmov s12;
	s30 =	smul.f32 s22, s28  }
0x27f: {  	[tilespmem:s17+$0x30] =	vst v16;
	v28 =	vsub.f32 v28, v63;
	v25 =	vmul.f32 s13, v25;
	v22 =	vmul.f32 s13, v22;
	s3 =	sadd.f32 $9.999999960e-13, s3  }
0x280: {  	[tilespmem:s17+$0x20] =	vst v31;
	v34 =	vsub.f32 v34, v63;
	v21 =	vmul.f32 s13, v21;
	v18 =	vmul.f32 s13, v18;
	s25 =	smul.f32 s30, s22  }
0x281: {  	[tilespmem:s17+$0xFFFFFFC0] =	vst v32;
	v35 =	vsub.f32 v35, v63;
	v19 =	vmul.f32 s13, v19;
	v24 =	vmul.f32 s13, v24;
	s29 =	sshra.s32 s3, $0x1;
	s28 =	smul.f32 $5.000000000e-01, s3  }
0x282: {  	[tilespmem:s16+$0x20] =	vst v49;
	v17 =	vadd.f32 v43, v15;
	v20 =	vmul.f32 s13, v20;
	v23 =	vmul.f32 s13, v23;
	s13 =	ssub.f32 $1.500000000e+00, s25;
	s12 =	ssub.s32 $0x5F3759DF, s29  }
0x283: {  	[tilespmem:s17+$0xFFFFFFF0] =	vst v37;
	v27 =	vsub.f32 v27, v63;
	v37 =	vsub.f32 v29, v63;
	v21 =	vmul.f32 v21, v2;
	s29 =	smul.f32 s12, s28  }
0x284: {  	v38 =	vsub.f32 v30, v63;
	[tilespmem:s16+$0x30] =	vst v17;
	v17 =	vadd.f32 v36, v9;
	s13 =	smul.f32 s13, s22;
	s30 =	spop (v2sf)  }
0x285: {  	[tilespmem:s17+$0xFFFFFFE0] =	vst v33;
	v26 =	vsub.f32 v26, v63;
	v18 =	vmul.f32 v18, v3;
	v21 =	vadd.f32 v21, v10;
	s3 =	smul.f32 $7.812500000e-03, s30  }
0x286: {  	v44 =	vsub.f32 v40, v63;
	[tilespmem:s17+$0xFFFFFFD0] =	vst v17;
	v17 =	vmov s1;
	v19 =	vmul.f32 v19, v4;
	s16 =	smul.f32 s12, s29  }
0x287: {  	v24 =	vmul.f32 v24, v5;
	v23 =	vmul.f32 v23, v7;
	v18 =	vadd.f32 v18, v11;
	[tilespmem:s18+$0xFFFFFFE0] =	vst v21;
	s30 =	spop (v2sf);
	s25 =	smul.f32 s3, s3  }
0x288: {  	v20 =	vmul.f32 v20, v6;
	v25 =	vmul.f32 v25, v0;
	v19 =	vadd.f32 v19, v12;
	v21 =	vld [tilespmem:$0x1FE90];
	s29 =	smul.f32 $7.812500000e-03, s30  }
0x289: {  	v16 =	vmul.f32 v22, v1;
	v24 =	vadd.f32 v24, v13;
	v33 =	vld [tilespmem:$0x1FEA0];
	[tilespmem:s18+$0xFFFFFFF0] =	vst v18;
	v42 =	vmul.f32 s13, v28  }
0x28a: {  	v39 =	vadd.f32 v23, v15;
	v48 =	vld [tilespmem:$0x1FEB0];
	[tilespmem:s18+$0x0] =	vst v19;
	v43 =	vmul.f32 s13, v34;
	v46 =	vmul.f32 s13, v35;
	s30 =	ssub.f32 s29, s25  }
0x28b: {  	v20 =	vadd.f32 v20, v14;
	[tilespmem:s18+$0x10] =	vst v24;
	v26 =	vmul.f32 s13, v26;
	v27 =	vmul.f32 s13, v27;
	s16 =	ssub.f32 $1.500000000e+00, s16  }
0x28c: {  	v41 =	vadd.f32 v25, v8;
	v24 =	vld [tilespmem:$0x1FEC0];
	v30 =	vmul.f32 s13, v38;
	v29 =	vmul.f32 s13, v37;
	s25 =	sadd.f32 $9.999999960e-13, s30  }
0x28d: {  	v16 =	vadd.f32 v16, v9;
	v31 =	vmul.f32 s13, v44;
	v32 =	vmul.f32 v46, v2;
	s12 =	smul.f32 s12, s16  }
0x28e: {  	[tilespmem:s18+$0x30] =	vst v39;
	v21 =	vsub.f32 v21, v17;
	v47 =	vmul.f32 v26, v3;
	v27 =	vmul.f32 v27, v4;
	s29 =	sshra.s32 s25, $0x1;
	s16 =	smul.f32 $5.000000000e-01, s25  }
0x28f: {  	v59 =	vld [tilespmem:$0x1FED0];
	[tilespmem:s18+$0x20] =	vst v20;
	v33 =	vsub.f32 v33, v17;
	v51 =	vmul.f32 v30, v5;
	v31 =	vmul.f32 v31, v7;
	s28 =	smul.f32 s12, s28;
	s17 =	ssub.s32 $0x5F3759DF, s29  }
0x290: {  	v20 =	vld [tilespmem:$0x1FEE0];
	[tilespmem:s18+$0xFFFFFFC0] =	vst v41;
	v29 =	vmul.f32 v29, v6;
	v26 =	vsub.f32 v48, v17;
	v49 =	vadd.f32 v32, v10;
	s30 =	smul.f32 s17, s16  }
0x291: {  	v61 =	vmul.f32 v42, v0;
	v63 =	vld [tilespmem:$0x1FEF0];
	v18 =	vadd.f32 v47, v11;
	v24 =	vsub.f32 v24, v17;
	s1 =	smul.f32 s28, s12  }
0x292: {  	[tilespmem:s18+$0xFFFFFFD0] =	vst v16;
	v16 =	vmul.f32 v43, v1;
	v50 =	vadd.f32 v27, v12;
	v62 =	vadd.f32 v51, v13;
	s22 =	smul.f32 s17, s30  }
0x293: {  	v32 =	vadd.f32 v31, v15;
	v29 =	vadd.f32 v29, v14;
	s1 =	ssub.f32 $1.500000000e+00, s1  }
0x294: {  	v34 =	vadd.f32 v61, v8;
	v16 =	vadd.f32 v16, v9;
	s25 =	ssub.f32 $1.500000000e+00, s22  }
0x295: {  	v30 =	vsub.f32 v59, v17;
	v20 =	vsub.f32 v20, v17;
	s1 =	smul.f32 s1, s12  }
0x296: {  	[tilespmem:s21+$0xFFFFFFE0] =	vst v49;
	v38 =	vmov s3;
	v27 =	vsub.f32 v63, v17;
	v17 =	vsub.f32 v54, v17;
	s12 =	smul.f32 s17, s25  }
0x297: {  	[tilespmem:s21+$0xFFFFFFF0] =	vst v18;
	v39 =	vsub.f32 v52, v38;
	v40 =	vsub.f32 v53, v38  }
0x298: {  	[tilespmem:s21+$0x0] =	vst v50;
	v41 =	vsub.f32 v55, v38;
	v21 =	vmul.f32 s1, v21;
	v36 =	vmul.f32 s1, v26;
	s28 =	smul.f32 s12, s16  }
0x299: {  	[tilespmem:s21+$0x10] =	vst v62;
	v42 =	vsub.f32 v58, v38;
	v37 =	vmul.f32 s1, v27;
	v24 =	vmul.f32 s1, v24  }
0x29a: {  	[tilespmem:s21+$0x30] =	vst v32;
	v44 =	vsub.f32 v60, v38;
	v20 =	vmul.f32 s1, v20;
	v18 =	vmul.f32 v36, v2;
	s3 =	smul.f32 s28, s12  }
0x29b: {  	[tilespmem:s21+$0x20] =	vst v29;
	v47 =	vsub.f32 v57, v38;
	v43 =	vmul.f32 s1, v30;
	v26 =	vmul.f32 v37, v3  }
0x29c: {  	[tilespmem:s21+$0xFFFFFFC0] =	vst v34;
	v17 =	vmul.f32 s1, v17;
	v24 =	vmul.f32 v24, v4;
	v18 =	vadd.f32 v18, v10;
	s29 =	ssub.f32 $1.500000000e+00, s3  }
0x29d: {  	[tilespmem:s21+$0xFFFFFFD0] =	vst v16;
	v35 =	vmul.f32 s1, v33;
	v20 =	vmul.f32 v20, v5;
	v26 =	vadd.f32 v26, v11  }
0x29e: {  	v17 =	vmul.f32 v17, v7;
	v48 =	vmul.f32 v43, v6;
	v16 =	vadd.f32 v24, v12;
	[tilespmem:s10+$0xFFFFFFE0] =	vst v18;
	s1 =	smul.f32 s29, s12  }
0x29f: {  	v49 =	vsub.f32 v45, v38;
	v46 =	vmul.f32 v21, v0;
	v20 =	vadd.f32 v20, v13;
	[tilespmem:s10+$0xFFFFFFF0] =	vst v26  }
0x2a0: {  	v17 =	vadd.f32 v17, v15;
	v51 =	vadd.f32 v48, v14;
	[tilespmem:s10+$0x0] =	vst v16;
	v50 =	vmul.f32 s1, v41  }
0x2a1: {  	v16 =	vmul.f32 v35, v1;
	[tilespmem:s10+$0x10] =	vst v20;
	v18 =	vadd.f32 v46, v8;
	v52 =	vmul.f32 s1, v49  }
0x2a2: {  	[tilespmem:s10+$0x30] =	vst v17;
	v17 =	vsub.f32 v56, v38;
	v19 =	vmul.f32 s1, v42;
	v53 =	vmul.f32 v50, v2  }
0x2a3: {  	[tilespmem:s10+$0x20] =	vst v51;
	v16 =	vadd.f32 v16, v9;
	v21 =	vmul.f32 s1, v47;
	v54 =	vmul.f32 v52, v3  }
0x2a4: {  	[tilespmem:s10+$0xFFFFFFC0] =	vst v18;
	v17 =	vmul.f32 s1, v17;
	v55 =	vmul.f32 v19, v4;
	v56 =	vadd.f32 v53, v10  }
0x2a5: {  	[tilespmem:s10+$0xFFFFFFD0] =	vst v16;
	v57 =	vmul.f32 s1, v44;
	v21 =	vmul.f32 v21, v5;
	v16 =	vadd.f32 v54, v11  }
0x2a6: {  	v58 =	vmul.f32 s1, v39;
	v17 =	vmul.f32 v17, v7;
	v18 =	vadd.f32 v55, v12;
	[tilespmem:s11+$0xFFFFFFE0] =	vst v56  }
0x2a7: {  	v59 =	vmul.f32 s1, v40;
	v60 =	vadd.f32 v21, v13;
	[tilespmem:s11+$0xFFFFFFF0] =	vst v16;
	v16 =	vmul.f32 v57, v6  }
0x2a8: {  	v61 =	vmul.f32 v58, v0;
	v17 =	vadd.f32 v17, v15;
	[tilespmem:s11+$0x0] =	vst v18  }
0x2a9: {  	p0 =	seq.s32 s2, $0xA;
	v62 =	vmul.f32 v59, v1;
	[tilespmem:s11+$0x10] =	vst v60;
	v16 =	vadd.f32 v16, v14  }
.Ltmp6:
0x2aa: {  	s30 =	sadd.s32 s9, s15;
	v63 =	vadd.f32 v61, v8;
	[tilespmem:s11+$0x30] =	vst v17;
	(pc) =	sbr.rel @p0 .LBB2_14-.Ltmp6, $4  }
0x2ab: {  	s1 =	smul.u32 $0xC80, s30;
	[tilespmem:s11+$0x20] =	vst v16;
	v16 =	vadd.f32 v62, v9  }
0x2ac: {  	[tilespmem:s11+$0xFFFFFFC0] =	vst v63  }
0x2ad: {  	s1 =	sadd.s32 s7, s1;
	[tilespmem:s11+$0xFFFFFFD0] =	vst v16  }
0x2ae: {  	[hbm4b:s1+s8] =	stream.linear.scatter [tilespmem:s24], [sflag:$0x5], $0x6400, $0x38;
	[tilespmem:$0x1ED00] =	vst v63  }
0x2af: {  	_ =	swait.ge [sflag:s4], $0x3200  }
0x2b0: {  	s5 =	sadd.s32 $0x2, s5;
	[sflag:s4] =	ssyncset.done $0x0  }
0x2b1: {  	v16 =	vmov s5;
	[sflag:s4] =	ssyncadd.s32 $0xFFFFCE00  }
0x2b2: {  	s1 =	simm.s32 $0x0;
	v17 =	vshll.u32 v16, $0x8;
	v16 =	vshll.u32 v16, $0x7;
	_ =	swait.ge [sflag:s4], $0x3200  }
0x2b3: {  	v18 =	vmov s1;
	v17 =	vand.u32 $0x7800, v17;
	v16 =	vand.u32 $0x380, v16;
	[sflag:s4] =	ssyncset.done $0x0  }
0x2b4: {  	v16 =	vor.u32 v17, v16;
	v17 =	vand.u32 $0x7F, v18;
	v18 =	vshll.u32 v18, $0x3;
	[sflag:s4] =	ssyncadd.s32 $0xFFFFCE00  }
0x2b5: {  	v18 =	vand.u32 $0x400, v18;
	v17 =	vor.u32 v17, v16;
	_ =	swait.ge [sflag:s31], $0x6400  }
0x2b6: {  	v17 =	vor.u32 v18, v17;
	[sflag:s31] =	ssyncset.done $0x0  }
0x2b7: {  	s28 =	sadd.s32 $0x300, s6;
	[sflag:s31] =	ssyncadd.s32 $0xFFFF9C00  }
0x2b8: {  	[tilespmem:s20], [sflag:$0x1] =	stream.indirect.gather [hbm4b:s0+s19], $0x80, s28, s19, $0xb8;
	[tilespmem:$0x1ED00] =	vst v63  }
0x2b9: {  	s29 =	sadd.s32 $0x380, s6;
	s3 =	simm.s32 $0x7200  }
0x2ba: {  	[tilespmem:s3], [sflag:$0x1] =	stream.indirect.gather [hbm4b:s0+s19], $0x80, s29, s19, $0xb8;
	[tilespmem:$0x1ED00] =	vst v63  }
0x2bb: {  	v17 =	vld.idx.msk [tilespmem:v17+s14+$0x0], $0xffff;
	_ =	sdelay $0x4  }
0x2bc: {  	(v2sf) =	vpush v17, $0x0;
	_ =	sdelay $0x4  }
0x2bd: {  	s10 =	simm.s32 $0x1  }
0x2be: {  	s30 =	simm.s32 $0x18840;
	v19 =	vmov s10  }
0x2bf: {  	s6 =	simm.s32 $0x10840;
	v21 =	vand.u32 $0x7F, v19;
	v19 =	vshll.u32 v19, $0x3;
	v18 =	vld [tilespmem:s30+$0xFFFFFFE0]  }
0x2c0: {  	v19 =	vand.u32 $0x400, v19;
	v21 =	vor.u32 v21, v16;
	v20 =	vld [tilespmem:s6+$0xFFFFFFE0]  }
0x2c1: {  	v19 =	vor.u32 v19, v21;
	v23 =	vld [tilespmem:s30+$0x0]  }
0x2c2: {  	v22 =	vld [tilespmem:s6+$0xFFFFFFC0]  }
0x2c3: {  	v21 =	vld [tilespmem:s6+$0xFFFFFFF0]  }
0x2c4: {  	v24 =	vld [tilespmem:s6+$0x0]  }
0x2c5: {  	v25 =	vld [tilespmem:s6+$0x10]  }
0x2c6: {  	v19 =	vld.idx.msk [tilespmem:v19+s14+$0x0], $0xffff  }
0x2c7: {  	v30 =	vld [tilespmem:s30+$0xFFFFFFC0];
	s11 =	spop (v2sf)  }
0x2c8: {  	v31 =	vld [tilespmem:s6+$0xFFFFFFD0];
	s3 =	sshll.u32 s11, $0x9  }
0x2c9: {  	v33 =	vld [tilespmem:s30+$0xFFFFFFD0];
	s3 =	sshra.s32 s3, $0x2  }
0x2ca: {  	v26 =	vld [tilespmem:s3+$0x16C50]  }
0x2cb: {  	v28 =	vld [tilespmem:s3+$0x16C00]  }
0x2cc: {  	(v2sf) =	vpush v19, $0x0;
	v29 =	vld [tilespmem:s3+$0x16C10]  }
0x2cd: {  	v27 =	vld [tilespmem:s3+$0x16C40]  }
0x2ce: {  	v32 =	vld [tilespmem:s3+$0x16C20]  }
0x2cf: {  	v34 =	vld [tilespmem:s3+$0x16C30]  }
0x2d0: {  	v35 =	vld [tilespmem:s6+$0x20];
	v19 =	vadd.f32 v22, v28  }
0x2d1: {  	v25 =	vadd.f32 v25, v26;
	v26 =	vld [tilespmem:s3+$0x16C60];
	v28 =	vadd.f32 v31, v29  }
0x2d2: {  	v24 =	vadd.f32 v24, v27;
	v27 =	vld [tilespmem:s30+$0xFFFFFFF0];
	v22 =	vadd.f32 v30, v19  }
0x2d3: {  	v29 =	vld [tilespmem:s30+$0x20];
	v30 =	vadd.f32 v20, v32;
	v20 =	vadd.f32 v33, v28  }
0x2d4: {  	v17 =	vld [tilespmem:s6+$0x30];
	v28 =	vadd.f32 v21, v34;
	v19 =	vadd.f32 v23, v24  }
0x2d5: {  	v31 =	vld [tilespmem:s3+$0x16C70];
	v21 =	vadd.f32 v18, v30;
	v18 =	vadd.f32 v20, v22  }
0x2d6: {  	s15 =	simm.s32 $0x108C0;
	v23 =	vmul.f32 v22, v22;
	v30 =	vld [tilespmem:s30+$0x10];
	v49 =	vmul.f32 v20, v20;
	v24 =	vadd.f32 v35, v26  }
0x2d7: {  	v50 =	vld [tilespmem:s15+$0x30];
	v26 =	vadd.f32 v27, v28;
	v27 =	vadd.f32 v21, v18  }
0x2d8: {  	v53 =	vld [tilespmem:s15+$0xFFFFFFC0];
	v23 =	vadd.f32 v49, v23;
	v18 =	vadd.f32 v29, v24;
	v24 =	vmul.f32 v21, v21  }
0x2d9: {  	v36 =	vld [tilespmem:s15+$0x10];
	v29 =	vadd.f32 v26, v27  }
0x2da: {  	s13 =	simm.s32 $0x188C0;
	v28 =	vld [tilespmem:s30+$0x30];
	v17 =	vadd.f32 v17, v31;
	v31 =	vmul.f32 v26, v26;
	v23 =	vadd.f32 v24, v23  }
0x2db: {  	v58 =	vld [tilespmem:s13+$0xFFFFFFC0];
	s16 =	spop (v2sf);
	v27 =	vadd.f32 v30, v25;
	v29 =	vadd.f32 v19, v29  }
0x2dc: {  	v40 =	vld [tilespmem:s13+$0xFFFFFFD0];
	s3 =	sshll.u32 s16, $0x9;
	v51 =	vmul.f32 v19, v19;
	v23 =	vadd.f32 v31, v23  }
0x2dd: {  	s12 =	simm.s32 $0x2;
	v60 =	vld [tilespmem:s13+$0x0];
	s3 =	sshra.s32 s3, $0x2;
	v29 =	vadd.f32 v27, v29  }
0x2de: {  	v56 =	vld [tilespmem:s3+$0x16C50];
	v25 =	vmov s12;
	v54 =	vmul.f32 v27, v27;
	v23 =	vadd.f32 v51, v23  }
0x2df: {  	v38 =	vld [tilespmem:s3+$0x16C40];
	v55 =	vmul.f32 v18, v18;
	v28 =	vadd.f32 v28, v17;
	v29 =	vadd.f32 v18, v29  }
0x2e0: {  	v57 =	vld [tilespmem:s3+$0x16C10];
	v52 =	vand.u32 $0x7F, v25;
	v25 =	vshll.u32 v25, $0x3;
	v23 =	vadd.f32 v54, v23  }
0x2e1: {  	v39 =	vld [tilespmem:s3+$0x16C20];
	v25 =	vand.u32 $0x400, v25;
	v31 =	vor.u32 v52, v16;
	v29 =	vadd.f32 v28, v29  }
0x2e2: {  	v41 =	vld [tilespmem:s3+$0x16C30];
	v25 =	vor.u32 v25, v31;
	v37 =	vmul.f32 v28, v28;
	v23 =	vadd.f32 v55, v23  }
0x2e3: {  	(xrf2) =	vadd.scan.msk.f32 $0xffff, v29;
	v29 =	vld [tilespmem:s3+$0x16C00]  }
0x2e4: {  	v30 =	vld [tilespmem:s15+$0xFFFFFFE0];
	v23 =	vadd.f32 v37, v23  }
0x2e5: {  	v17 =	vld [tilespmem:s15+$0x0]  }
0x2e6: {  	(xrf2) =	vadd.scan.msk.f32 $0xffff, v23;
	v23 =	vld [tilespmem:s15+$0xFFFFFFD0]  }
0x2e7: {  	v25 =	vld.idx.msk [tilespmem:v25+s14+$0x0], $0xffff  }
0x2e8: {  	v31 =	vld [tilespmem:s15+$0xFFFFFFF0];
	v29 =	vadd.f32 v53, v29  }
0x2e9: {  	v24 =	vld [tilespmem:s13+$0xFFFFFFE0]  }
0x2ea: {  	v36 =	vadd.f32 v36, v56;
	v32 =	vadd.f32 v58, v29;
	v29 =	vld [tilespmem:s13+$0xFFFFFFF0]  }
0x2eb: {  	v42 =	vld [tilespmem:s3+$0x16C60];
	v30 =	vadd.f32 v30, v39;
	v23 =	vadd.f32 v23, v57  }
0x2ec: {  	v17 =	vadd.f32 v17, v38;
	(v2sf) =	vpush v25, $0x0;
	v25 =	vld [tilespmem:s15+$0x20]  }
0x2ed: {  	v62 =	vld [tilespmem:s13+$0x10];
	v31 =	vadd.f32 v31, v41;
	v59, _, _ =	vpop (xrf2);
	v35 =	vadd.f32 v40, v23  }
0x2ee: {  	v34 =	vadd.f32 v24, v30;
	v23 =	vld [tilespmem:s13+$0x20];
	(v2sf) =	vpush v59, $0xF  }
0x2ef: {  	v61 =	vld [tilespmem:s3+$0x16C70];
	v30 =	vadd.f32 v35, v32;
	v47 =	vadd.f32 v29, v31  }
0x2f0: {  	v31 =	vadd.f32 v60, v17;
	v17 =	vmul.f32 v32, v32;
	v29 =	vmul.f32 v35, v35;
	v24, _, _ =	vpop (xrf2)  }
0x2f1: {  	v25 =	vadd.f32 v25, v42;
	(v2sf) =	vpush v24, $0xF  }
0x2f2: {  	v63 =	vld [tilespmem:s13+$0x30];
	v46 =	vmul.f32 v34, v34;
	v24 =	vadd.f32 v34, v30;
	v17 =	vadd.f32 v29, v17  }
0x2f3: {  	s18 =	simm.s32 $0x3;
	s16 =	simm.s32 $0x10940;
	v48 =	vmul.f32 v47, v47;
	v29 =	vadd.f32 v62, v36;
	v30 =	vadd.f32 v23, v25  }
0x2f4: {  	v43 =	vld [tilespmem:s16+$0xFFFFFFC0];
	v25 =	vadd.f32 v50, v61;
	v50 =	vmov s18;
	v24 =	vadd.f32 v47, v24  }
0x2f5: {  	v44 =	vld [tilespmem:s16+$0xFFFFFFF0];
	v17 =	vadd.f32 v46, v17;
	v51 =	vand.u32 $0x7F, v50;
	v41 =	vshll.u32 v50, $0x3  }
0x2f6: {  	s17 =	simm.s32 $0x18940;
	v52 =	vld [tilespmem:s16+$0x0];
	v41 =	vand.u32 $0x400, v41;
	v33 =	vor.u32 v51, v16;
	v24 =	vadd.f32 v31, v24  }
0x2f7: {  	v38 =	vld [tilespmem:s17+$0xFFFFFFE0];
	v40 =	vadd.f32 v48, v17;
	v17 =	vadd.f32 v63, v25;
	v25 =	vor.u32 v41, v33  }
0x2f8: {  	v54 =	vld [tilespmem:s16+$0x10]  }
0x2f9: {  	v42 =	vld [tilespmem:s16+$0xFFFFFFE0];
	v49 =	vmul.f32 v31, v31;
	v24 =	vadd.f32 v29, v24  }
0x2fa: {  	v59 =	vld [tilespmem:s17+$0xFFFFFFD0]  }
0x2fb: {  	v36 =	vld [tilespmem:s16+$0x20];
	v53 =	vmul.f32 v29, v29;
	v39 =	vadd.f32 v49, v40;
	v24 =	vadd.f32 v30, v24  }
0x2fc: {  	s21 =	spop (v2sf);
	v25 =	vld.idx.msk [tilespmem:v25+s14+$0x0], $0xffff  }
0x2fd: {  	v62 =	vld [tilespmem:s17+$0x20];
	v45 =	vmul.f32 v30, v30;
	s3 =	sshll.u32 s21, $0x9;
	v37 =	vadd.f32 v53, v39;
	v24 =	vadd.f32 v17, v24  }
0x2fe: {  	v48 =	vld [tilespmem:s17+$0xFFFFFFC0];
	s3 =	sshra.s32 s3, $0x2;
	s10 =	spop (v2sf)  }
0x2ff: {  	v55 =	vld [tilespmem:s3+$0x16C50];
	v37 =	vadd.f32 v45, v37;
	(xrf2) =	vadd.scan.msk.f32 $0xffff, v24;
	v24 =	vmul.f32 v17, v17;
	s10 =	smul.f32 $7.812500000e-03, s10  }
0x300: {  	v46 =	vld [tilespmem:s3+$0x16C30]  }
0x301: {  	v57 =	vld [tilespmem:s3+$0x16C00];
	v24 =	vadd.f32 v24, v37;
	(v2sf) =	vpush v25, $0x0;
	s11 =	smul.f32 s10, s10;
	s12 =	spop (v2sf)  }
0x302: {  	v58 =	vld [tilespmem:s3+$0x16C10];
	s12 =	smul.f32 $7.812500000e-03, s12  }
0x303: {  	v49 =	vmov s10;
	(xrf2) =	vadd.scan.msk.f32 $0xffff, v24;
	v24 =	vld [tilespmem:s16+$0xFFFFFFD0]  }
0x304: {  	v41 =	vsub.f32 v22, v49;
	v22 =	vld [tilespmem:s3+$0x16C20];
	s22 =	ssub.f32 s12, s11  }
0x305: {  	v23 =	vld [tilespmem:s16+$0x30];
	v40 =	vadd.f32 v54, v55  }
0x306: {  	v56 =	vld [tilespmem:s3+$0x16C40];
	v51 =	vsub.f32 v20, v49;
	v20 =	vadd.f32 v44, v46;
	s10 =	sadd.f32 $9.999999960e-13, s22  }
0x307: {  	v50 =	vld [tilespmem:s17+$0x0];
	v44 =	vsub.f32 v21, v49;
	v21 =	vadd.f32 v43, v57  }
0x308: {  	v45 =	vsub.f32 v19, v49;
	v19 =	vadd.f32 v24, v58;
	v24 =	vld [tilespmem:s17+$0xFFFFFFF0];
	s25 =	sshra.s32 s10, $0x1;
	s10 =	smul.f32 $5.000000000e-01, s10  }
0x309: {  	v60 =	vld [tilespmem:s3+$0x16C60];
	v25 =	vadd.f32 v48, v21;
	v21 =	vadd.f32 v42, v22;
	v61, _, _ =	vpop (xrf2);
	s11 =	ssub.s32 $0x5F3759DF, s25  }
0x30a: {  	s30 =	simm.s32 $0x189C0;
	v63 =	vld [tilespmem:s3+$0x16C70];
	(v2sf) =	vpush v61, $0xF;
	v22 =	vadd.f32 v59, v19;
	s28 =	smul.f32 s11, s10  }
0x30b: {  	v33 =	vadd.f32 v52, v56;
	v52 =	vld [tilespmem:s30+$0x20];
	v39 =	vsub.f32 v18, v49  }
0x30c: {  	v57 =	vld [tilespmem:s17+$0x10];
	v56 =	vmul.f32 v25, v25;
	v21 =	vadd.f32 v38, v21;
	v48 =	vadd.f32 v22, v25;
	s29 =	smul.f32 s11, s28  }
0x30d: {  	v46 =	vld [tilespmem:s30+$0xFFFFFFE0];
	v19 =	vadd.f32 v50, v33;
	v58, _, _ =	vpop (xrf2);
	v18 =	vadd.f32 v24, v20;
	v24 =	vmul.f32 v22, v22  }
0x30e: {  	v33 =	vld [tilespmem:s17+$0x30];
	s17 =	simm.s32 $0x109C0;
	(v2sf) =	vpush v58, $0xF;
	v59 =	vadd.f32 v21, v48;
	s3 =	ssub.f32 $1.500000000e+00, s29  }
0x30f: {  	v36 =	vadd.f32 v36, v60;
	v50 =	vld [tilespmem:s17+$0x30];
	v60 =	vmul.f32 v21, v21;
	v24 =	vadd.f32 v24, v56  }
0x310: {  	v23 =	vadd.f32 v23, v63;
	v42 =	vld [tilespmem:s17+$0x20];
	v63 =	vmul.f32 v19, v19;
	v61 =	vadd.f32 v18, v59;
	s21 =	spop (v2sf);
	s3 =	smul.f32 s11, s3  }
0x311: {  	s18 =	simm.s32 $0x4;
	v43 =	vld [tilespmem:s17+$0x0];
	v20 =	vadd.f32 v62, v36;
	v62 =	vmul.f32 v18, v18;
	v36 =	vadd.f32 v60, v24;
	s11 =	sshll.u32 s21, $0x9  }
0x312: {  	v48 =	vld [tilespmem:s17+$0x10];
	v24 =	vadd.f32 v57, v40;
	v60 =	vmov s18;
	v37 =	vadd.f32 v19, v61;
	s11 =	sshra.s32 s11, $0x2;
	s10 =	smul.f32 s3, s10  }
0x313: {  	v54 =	vand.u32 $0x7F, v60;
	v38 =	vshll.u32 v60, $0x3;
	v36 =	vadd.f32 v62, v36;
	v57 =	vld [tilespmem:s11+$0x16C50]  }
0x314: {  	v38 =	vand.u32 $0x400, v38;
	v61 =	vor.u32 v54, v16;
	v58 =	vld [tilespmem:s11+$0x16C40];
	v37 =	vadd.f32 v24, v37;
	s10 =	smul.f32 s10, s3  }
0x315: {  	v27 =	vsub.f32 v27, v49;
	v23 =	vadd.f32 v33, v23;
	v54 =	vld [tilespmem:s17+$0xFFFFFFF0];
	v38 =	vor.u32 v38, v61  }
0x316: {  	v56 =	vmul.f32 v24, v24;
	v59 =	vld [tilespmem:s11+$0x16C30];
	v36 =	vadd.f32 v63, v36;
	v62 =	vadd.f32 v20, v37;
	s10 =	ssub.f32 $1.500000000e+00, s10  }
0x317: {  	v26 =	vsub.f32 v26, v49;
	v49 =	vsub.f32 v28, v49;
	v53 =	vld [tilespmem:s17+$0xFFFFFFE0]  }
0x318: {  	v55 =	vld [tilespmem:s17+$0xFFFFFFC0];
	v63 =	vmul.f32 v20, v20;
	v36 =	vadd.f32 v56, v36;
	v33 =	vadd.f32 v23, v62;
	s3 =	smul.f32 s10, s3  }
0x319: {  	v40 =	vld [tilespmem:s30+$0x0];
	v60 =	vmul.f32 v23, v23;
	v48 =	vadd.f32 v48, v57;
	v43 =	vadd.f32 v43, v58;
	s22 =	spop (v2sf)  }
0x31a: {  	v36 =	vadd.f32 v63, v36;
	v28 =	vld.idx.msk [tilespmem:v38+s14+$0x0], $0xffff;
	s10 =	smul.f32 $7.812500000e-03, s22;
	v41 =	vmul.f32 s3, v41;
	v51 =	vmul.f32 s3, v51  }
0x31b: {  	v54 =	vadd.f32 v54, v59;
	v38 =	vld [tilespmem:s11+$0x16C00];
	(xrf2) =	vadd.scan.msk.f32 $0xffff, v33;
	v61 =	vmul.f32 s3, v44;
	v26 =	vmul.f32 s3, v26  }
0x31c: {  	v56 =	vld [tilespmem:s11+$0x16C10];
	v44 =	vadd.f32 v60, v36;
	v45 =	vmul.f32 s3, v45;
	v33 =	vmov s10  }
0x31d: {  	v60 =	vld [tilespmem:s30+$0xFFFFFFC0];
	s10 =	smul.f32 s10, s10;
	v32 =	vsub.f32 v32, v33;
	v57 =	vmul.f32 v61, v2;
	s25 =	spop (v2sf);
	v36 =	vsub.f32 v35, v33  }
0x31e: {  	v26 =	vmul.f32 v26, v3;
	v35 =	vld [tilespmem:s17+$0xFFFFFFD0];
	v37 =	vsub.f32 v34, v33;
	v47 =	vsub.f32 v47, v33;
	s12 =	smul.f32 $7.812500000e-03, s25  }
0x31f: {  	(xrf2) =	vadd.scan.msk.f32 $0xffff, v44;
	v62 =	vmul.f32 v45, v4;
	v44 =	vld [tilespmem:s11+$0x16C20];
	(v2sf) =	vpush v28, $0x0;
	v57 =	vadd.f32 v57, v10  }
0x320: {  	v45 =	vld [tilespmem:s11+$0x16C60];
	v58 =	vadd.f32 v26, v11;
	v26 =	vmul.f32 s3, v27;
	v27 =	vadd.f32 v55, v38;
	s10 =	ssub.f32 s12, s10  }
0x321: {  	v59 =	vld [tilespmem:s30+$0xFFFFFFD0];
	v41 =	vmul.f32 v41, v0;
	v38 =	vsub.f32 v31, v33;
	v61 =	vadd.f32 v62, v12  }
0x322: {  	v31 =	vsub.f32 v30, v33;
	v30 =	vmul.f32 s3, v49;
	v62 =	vmul.f32 v26, v5;
	v26 =	vld [tilespmem:s11+$0x16C70];
	s10 =	sadd.f32 $9.999999960e-13, s10  }
0x323: {  	v55 =	vmul.f32 s3, v39;
	v49 =	vld [tilespmem:s30+$0xFFFFFFF0];
	v39 =	vsub.f32 v29, v33;
	v28 =	vadd.f32 v60, v27  }
0x324: {  	v27 =	vadd.f32 v40, v43;
	v40 =	vld [tilespmem:s30+$0x30];
	v43 =	vmul.f32 v30, v7;
	v63 =	vadd.f32 v35, v56;
	s28 =	sshra.s32 s10, $0x1;
	s13 =	smul.f32 $5.000000000e-01, s10  }
0x325: {  	v53 =	vadd.f32 v53, v44;
	v29 =	vadd.f32 v42, v45;
	v44 =	vmul.f32 v55, v6;
	v60, _, _ =	vpop (xrf2);
	s3 =	ssub.s32 $0x5F3759DF, s28  }
0x326: {  	v30 =	vld [tilespmem:s30+$0x10];
	v42 =	vmul.f32 v51, v1;
	v34 =	vadd.f32 v59, v63;
	(v2sf) =	vpush v60, $0xF;
	s10 =	smul.f32 s3, s13  }
0x327: {  	v56 =	vmul.f32 v28, v28;
	v35 =	vadd.f32 v46, v53;
	v46 =	vadd.f32 v50, v26  }
0x328: {  	s12 =	simm.s32 $0x18A40;
	v51 =	vmul.f32 v27, v27;
	v29 =	vadd.f32 v52, v29;
	v59 =	vadd.f32 v34, v28;
	s29 =	smul.f32 s3, s10  }
0x329: {  	v53 =	vmul.f32 v35, v35;
	v26 =	vadd.f32 v49, v54;
	v50 =	vld [tilespmem:s12+$0xFFFFFFE0];
	v63, _, _ =	vpop (xrf2);
	v40 =	vadd.f32 v40, v46  }
0x32a: {  	v60 =	vmul.f32 v34, v34;
	s10 =	simm.s32 $0x10A40;
	(v2sf) =	vpush v63, $0xF;
	v46 =	vld [tilespmem:s12+$0x20];
	v63 =	vadd.f32 v35, v59;
	s1 =	ssub.f32 $1.500000000e+00, s29  }
0x32b: {  	[tilespmem:s6+$0xFFFFFFE0] =	vst v57;
	s30 =	simm.s32 $0x5;
	v30 =	vadd.f32 v30, v48;
	v54 =	vmul.f32 v26, v26;
	v59 =	vadd.f32 v62, v13;
	v45 =	vld [tilespmem:s10+$0x30]  }
0x32c: {  	[tilespmem:s6+$0xFFFFFFF0] =	vst v58;
	v56 =	vadd.f32 v60, v56;
	v60 =	vmov s30;
	v52 =	vld [tilespmem:s10+$0x20];
	v57 =	vadd.f32 v26, v63;
	s3 =	smul.f32 s3, s1  }
0x32d: {  	[tilespmem:s6+$0x0] =	vst v61;
	v55 =	vmul.f32 v30, v30;
	v49 =	vld [tilespmem:s10+$0xFFFFFFE0];
	v58 =	vand.u32 $0x7F, v60;
	v48 =	vmul.f32 v40, v40  }
0x32e: {  	s11 =	simm.s32 $0x6;
	v56 =	vadd.f32 v53, v56;
	[tilespmem:s6+$0x10] =	vst v59;
	v59 =	vshll.u32 v60, $0x3;
	v53 =	vld [tilespmem:s12+$0x0];
	v57 =	vadd.f32 v27, v57;
	s1 =	smul.f32 s3, s13  }
.LBB2_12:
0x32f: {  	p0 =	sne.s32 s11, $0xC7  }
0x330: {  	v59 =	vand.u32 $0x400, v59;
	v58 =	vor.u32 v58, v16;
	v60 =	vld [tilespmem:s10+$0xFFFFFFC0];
	v54 =	vadd.f32 v54, v56;
	s13 =	smul.f32 s1, s3;
	s1 =	smov.u32 s11;
	s11 =	sadd.s32 $0x1, s11  }
0x331: {  	v56 =	vor.u32 v59, v58;
	v58 =	vld [tilespmem:s10+$0xFFFFFFF0];
	s18 =	spop (v2sf);
	v57 =	vadd.f32 v30, v57;
	v59 =	vmul.f32 v29, v29  }
0x332: {  	v43 =	vadd.f32 v43, v15;
	s18 =	sshll.u32 s18, $0x9;
	v61 =	vld [tilespmem:s10+$0x0];
	v51 =	vadd.f32 v51, v54;
	s21 =	ssub.f32 $1.500000000e+00, s13  }
0x333: {  	v44 =	vadd.f32 v44, v14;
	s13 =	sshra.s32 s18, $0x2;
	v54 =	vld [tilespmem:s10+$0x10];
	v57 =	vadd.f32 v29, v57  }
0x334: {  	v41 =	vadd.f32 v41, v8;
	v62 =	vld [tilespmem:s13+$0x16C50];
	v51 =	vadd.f32 v55, v51;
	s3 =	smul.f32 s21, s3;
	[tilespmem:s6+$0x30] =	vst v43  }
0x335: {  	v43 =	vld [tilespmem:s13+$0x16C40];
	v55 =	vadd.f32 v40, v57;
	s18 =	spop (v2sf);
	v57 =	vsub.f32 v17, v33;
	[tilespmem:s6+$0x20] =	vst v44;
	v17 =	vmovc v23;
	v23 =	vmov v40  }
0x336: {  	v40 =	vld [tilespmem:s13+$0x16C30];
	v33 =	vadd.f32 v59, v51;
	s18 =	smul.f32 $7.812500000e-03, s18;
	v44 =	vmul.f32 s3, v32;
	v51 =	vmul.f32 s3, v36;
	[tilespmem:s6+$0xFFFFFFC0] =	vst v41  }
0x337: {  	v42 =	vadd.f32 v42, v9;
	v36 =	vmul.f32 s3, v37;
	v37 =	vmul.f32 s3, v47;
	v41 =	vld.idx.msk [tilespmem:v56+s14+$0x0], $0xffff;
	(xrf2) =	vadd.scan.msk.f32 $0xffff, v55  }
0x338: {  	v38 =	vmul.f32 s3, v38;
	v47 =	vld [tilespmem:s13+$0x16C00];
	v48 =	vadd.f32 v48, v33;
	v33 =	vmov s18  }
0x339: {  	s18 =	smul.f32 s18, s18;
	v55 =	vld [tilespmem:s13+$0x16C10];
	v56 =	vadd.f32 v54, v62;
	v32 =	vsub.f32 v25, v33;
	s21 =	spop (v2sf);
	v54 =	vmul.f32 v36, v2;
	[tilespmem:s6+$0xFFFFFFD0] =	vst v42;
	s6 =	smov.u32 s15  }
0x33a: {  	v36 =	vsub.f32 v22, v33;
	s15 =	smov.u32 s16;
	s16 =	smov.u32 s17;
	v42 =	vld [tilespmem:s12+$0xFFFFFFC0];
	v43 =	vadd.f32 v61, v43;
	(xrf2) =	vadd.scan.msk.f32 $0xffff, v48;
	s21 =	smul.f32 $7.812500000e-03, s21;
	v61 =	vmul.f32 v37, v3  }
0x33b: {  	v25 =	vmovc v28;
	s17 =	smov.u32 s10;
	v37 =	vsub.f32 v21, v33;
	v48 =	vld [tilespmem:s10+$0xFFFFFFD0];
	v40 =	vadd.f32 v58, v40;
	v58 =	vmul.f32 v38, v4  }
0x33c: {  	v39 =	vmul.f32 s3, v39;
	v22 =	vmovc v34;
	v21 =	vmovc v35;
	v28 =	vadd.f32 v54, v10;
	v59 =	vld [tilespmem:s13+$0x16C20];
	s18 =	ssub.f32 s21, s18;
	v54 =	vadd.f32 v61, v11  }
0x33d: {  	v38 =	vsub.f32 v19, v33;
	v19 =	vmovc v27;
	v34 =	vadd.f32 v60, v47;
	v35 =	vld [tilespmem:s13+$0x16C60];
	v47 =	vmul.f32 s3, v31  }
0x33e: {  	v61 =	vmul.f32 v39, v5;
	v58 =	vadd.f32 v58, v12;
	(v2sf) =	vpush v41, $0x0;
	v60 =	vld [tilespmem:s12+$0xFFFFFFD0];
	s18 =	sadd.f32 $9.999999960e-13, s18;
	[tilespmem:s6+$0xFFFFFFE0] =	vst v28  }
0x33f: {  	v31 =	vsub.f32 v20, v33;
	v20 =	vmovc v29;
	v28 =	vadd.f32 v42, v34;
	v42 =	vld [tilespmem:s13+$0x16C70];
	[tilespmem:s6+$0xFFFFFFF0] =	vst v54;
	v34 =	vmul.f32 s3, v57  }
0x340: {  	v27 =	vadd.f32 v53, v43;
	v41 =	vmul.f32 v44, v0;
	v29 =	vadd.f32 v48, v55;
	v48 =	vld [tilespmem:s12+$0xFFFFFFF0];
	s3 =	sshra.s32 s18, $0x1;
	s13 =	smul.f32 $5.000000000e-01, s18;
	[tilespmem:s6+$0x0] =	vst v58  }
0x341: {  	v39 =	vsub.f32 v24, v33;
	v53 =	vmul.f32 v28, v28;
	v44 =	vadd.f32 v49, v59;
	v49 =	vld [tilespmem:s12+$0x30];
	v43, _, _ =	vpop (xrf2);
	s3 =	ssub.s32 $0x5F3759DF, s3  }
0x342: {  	v24 =	vmovc v30;
	v52 =	vadd.f32 v52, v35;
	(v2sf) =	vpush v43, $0xF;
	s18 =	smul.f32 s3, s13;
	v43 =	vmul.f32 v34, v7  }
0x343: {  	v34 =	vadd.f32 v60, v29;
	v35 =	vadd.f32 v50, v44;
	v30 =	vld [tilespmem:s12+$0x10];
	v44 =	vmul.f32 v47, v6  }
0x344: {  	v29 =	vadd.f32 v46, v52;
	v46 =	vadd.f32 v45, v42;
	v47, _, _ =	vpop (xrf2);
	s18 =	smul.f32 s3, s18;
	v42 =	vmul.f32 v51, v1  }
0x345: {  	s10 =	sadd.s32 $0x80, s10;
	v50 =	vadd.f32 v34, v28;
	v55 =	vmul.f32 v35, v35;
	v57 =	vadd.f32 v48, v40  }
0x346: {  	s12 =	sadd.s32 $0x80, s12;
	v48 =	vmul.f32 v34, v34;
	v45 =	vld [tilespmem:s10+$0x30];
	v40 =	vadd.f32 v49, v46;
	(v2sf) =	vpush v47, $0xF;
	s18 =	ssub.f32 $1.500000000e+00, s18  }
.Ltmp7:
0x347: {  	v49 =	vadd.f32 v61, v13;
	v46 =	vld [tilespmem:s12+$0x20];
	v47 =	vadd.f32 v35, v50;
	v54 =	vmul.f32 v57, v57;
	(pc) =	sbr.rel @p0 .LBB2_12-.Ltmp7, $4  }
0x348: {  	v51 =	vmul.f32 v27, v27;
	v53 =	vadd.f32 v48, v53;
	v50 =	vld [tilespmem:s12+$0xFFFFFFE0];
	v30 =	vadd.f32 v30, v56;
	s3 =	smul.f32 s3, s18  }
0x349: {  	v48 =	vmul.f32 v40, v40;
	v52 =	vld [tilespmem:s10+$0x20];
	v60 =	vadd.f32 v57, v47;
	v47 =	vsub.f32 v18, v33;
	[tilespmem:s6+$0x10] =	vst v49  }
0x34a: {  	v59 =	vmov s1;
	v56 =	vadd.f32 v55, v53;
	v18 =	vmovc v26;
	v26 =	vmovc v57;
	v49 =	vld [tilespmem:s10+$0xFFFFFFE0];
	v55 =	vmul.f32 v30, v30;
	s1 =	smul.f32 s3, s13  }
0x34b: {  	v58 =	vand.u32 $0x7F, v59;
	v59 =	vshll.u32 v59, $0x3;
	v53 =	vld [tilespmem:s12+$0x0];
	v57 =	vadd.f32 v27, v60  }
0x34c: {  	v61 =	vld [tilespmem:s10+$0xFFFFFFF0];
	_ =	sdelay $0x4  }
0x34d: {  	v62 =	vld [tilespmem:s10+$0xFFFFFFC0];
	[tilespmem:$0x1FD20] =	vst v61  }
0x34e: {  	v16 =	vor.u32 v58, v16;
	v58 =	vld [tilespmem:s10+$0x0];
	_ =	sdelay $0x4  }
0x34f: {  	v59 =	vand.u32 $0x400, v59;
	[tilespmem:$0x1FD30] =	vst v58  }
0x350: {  	v16 =	vor.u32 v59, v16;
	v58 =	vld [tilespmem:s10+$0x10];
	_ =	sdelay $0x2  }
0x351: {  	s11 =	spop (v2sf)  }
0x352: {  	s11 =	sshll.u32 s11, $0x9  }
0x353: {  	s11 =	sshra.s32 s11, $0x2;
	v16 =	vld.idx.msk [tilespmem:v16+s14+$0x0], $0xffff;
	[tilespmem:$0x1FD00] =	vst v58  }
0x354: {  	v58 =	vld [tilespmem:s11+$0x16C50];
	_ =	sdelay $0x4  }
0x355: {  	[tilespmem:$0x1FD10] =	vst v58  }
0x356: {  	v58 =	vld [tilespmem:s11+$0x16C40];
	_ =	sdelay $0x4  }
0x357: {  	[tilespmem:$0x1FD40] =	vst v58  }
0x358: {  	v63 =	vld [tilespmem:s11+$0x16C30]  }
0x359: {  	(v2sf) =	vpush v16, $0x0;
	v16 =	vld [tilespmem:s11+$0x16C60]  }
0x35a: {  	v54 =	vadd.f32 v54, v56;
	v58 =	vld [tilespmem:s11+$0x16C00]  }
0x35b: {  	v59 =	vld [tilespmem:s11+$0x16C10]  }
0x35c: {  	v51 =	vadd.f32 v51, v54;
	v61 =	vld [tilespmem:s12+$0xFFFFFFC0]  }
0x35d: {  	v57 =	vadd.f32 v30, v57;
	v56 =	vld [tilespmem:s10+$0xFFFFFFD0]  }
0x35e: {  	v51 =	vadd.f32 v55, v51;
	v60 =	vld [tilespmem:s11+$0x16C20];
	[tilespmem:$0x1FD50] =	vst v16;
	v16 =	vmul.f32 v29, v29  }
0x35f: {  	v57 =	vadd.f32 v29, v57;
	v55 =	vld [tilespmem:s11+$0x16C70]  }
0x360: {  	v16 =	vadd.f32 v16, v51  }
0x361: {  	v57 =	vadd.f32 v40, v57  }
0x362: {  	v16 =	vadd.f32 v48, v16  }
0x363: {  	(xrf2) =	vadd.scan.msk.f32 $0xffff, v57;
	v62 =	vadd.f32 v62, v58;
	v54 =	vld [tilespmem:s12+$0xFFFFFFD0]  }
0x364: {  	[tilespmem:$0x1FD60] =	vst v55;
	(xrf2) =	vadd.scan.msk.f32 $0xffff, v16;
	v16 =	vld [tilespmem:$0x1FD20]  }
0x365: {  	v48 =	vadd.f32 v61, v62;
	v57 =	vld [tilespmem:s12+$0xFFFFFFF0]  }
0x366: {  	v58 =	vld [tilespmem:s12+$0x30]  }
0x367: {  	v56 =	vadd.f32 v56, v59;
	s11 =	sadd.s32 $0x80, s10;
	v59 =	vld [tilespmem:s12+$0x10];
	[tilespmem:$0x1FD90] =	vst v48  }
0x368: {  	v55 =	vld [tilespmem:s11+$0x30]  }
0x369: {  	v61 =	vld [tilespmem:$0x1FD00]  }
0x36a: {  	v62 =	vld [tilespmem:$0x1FD10];
	_ =	sdelay $0x2  }
0x36b: {  	v51 =	vadd.f32 v49, v60;
	v49 =	vadd.f32 v16, v63;
	v63 =	vld [tilespmem:$0x1FD40];
	[tilespmem:$0x1FD80] =	vst v55  }
0x36c: {  	v16 =	vld [tilespmem:s11+$0x20]  }
0x36d: {  	v55 =	vadd.f32 v61, v62;
	v61 =	vld [tilespmem:$0x1FD30]  }
0x36e: {  	v56 =	vadd.f32 v54, v56;
	v54 =	vadd.f32 v50, v51  }
0x36f: {  	s13 =	sadd.s32 $0x80, s12  }
0x370: {  	v60 =	vld [tilespmem:s13+$0xFFFFFFE0];
	[tilespmem:$0x1FDB0] =	vst v54  }
0x371: {  	v50 =	vadd.f32 v56, v48;
	[tilespmem:$0x1FD70] =	vst v16;
	v16 =	vmov v56  }
0x372: {  	[tilespmem:$0x1FDA0] =	vst v56;
	v63 =	vadd.f32 v61, v63;
	v56 =	vmul.f32 v48, v48;
	v16 =	vmul.f32 v16, v16  }
0x373: {  	v48 =	vadd.f32 v57, v49;
	v49 =	vadd.f32 v54, v50;
	v62 =	vld [tilespmem:s11+$0xFFFFFFE0]  }
0x374: {  	s18 =	spop (v2sf);
	v61 =	vadd.f32 v53, v63;
	v53 =	vmul.f32 v54, v54;
	v54 =	vld [tilespmem:$0x1FD50];
	v16 =	vadd.f32 v16, v56  }
0x375: {  	s25 =	spop (v2sf);
	v51 =	vld [tilespmem:s11+$0xFFFFFFC0]  }
0x376: {  	s21 =	spop (v2sf);
	[tilespmem:$0x1FDF0] =	vst v48;
	v16 =	vadd.f32 v53, v16;
	v53 =	vadd.f32 v59, v55;
	v55 =	vld [tilespmem:$0x1FD60]  }
0x377: {  	s21 =	sshll.u32 s21, $0x9;
	v57 =	vld [tilespmem:s11+$0xFFFFFFF0]  }
0x378: {  	s21 =	sshra.s32 s21, $0x2;
	v49 =	vadd.f32 v48, v49;
	v56 =	vld [tilespmem:s11+$0x0]  }
0x379: {  	v50 =	vld [tilespmem:s21+$0x16C00];
	v52 =	vadd.f32 v52, v54  }
0x37a: {  	v49 =	vadd.f32 v61, v49;
	v54 =	vld [tilespmem:s21+$0x16C10];
	[tilespmem:$0x1FDC0] =	vst v61  }
0x37b: {  	v63, _, _ =	vpop (xrf2);
	v59 =	vld [tilespmem:s13+$0xFFFFFFC0];
	v45 =	vadd.f32 v45, v55;
	v55 =	vmul.f32 v61, v61;
	v61 =	vadd.f32 v46, v52  }
0x37c: {  	(v2sf) =	vpush v63, $0xF;
	v63 =	vmul.f32 v48, v48;
	v48 =	vld [tilespmem:s11+$0xFFFFFFD0];
	[tilespmem:$0x1FDE0] =	vst v53  }
0x37d: {  	[tilespmem:$0x1FDD0] =	vst v61  }
0x37e: {  	v63 =	vadd.f32 v63, v16;
	v46 =	vmov v53;
	v52 =	vadd.f32 v53, v49;
	v53 =	vld [tilespmem:s21+$0x16C20]  }
0x37f: {  	v16 =	vadd.f32 v58, v45;
	v58 =	vld [tilespmem:s13+$0xFFFFFFD0]  }
0x380: {  	v45 =	vmul.f32 v46, v46;
	v55 =	vadd.f32 v55, v63;
	v63 =	vld [tilespmem:s21+$0x16C30]  }
0x381: {  	v50 =	vadd.f32 v51, v50;
	v49, _, _ =	vpop (xrf2);
	v46 =	vadd.f32 v61, v52;
	v52 =	vmul.f32 v61, v61;
	v61 =	vld [tilespmem:s11+$0x10]  }
0x382: {  	(v2sf) =	vpush v49, $0xF;
	v51 =	vld [tilespmem:s21+$0x16C40];
	v45 =	vadd.f32 v45, v55  }
0x383: {  	v48 =	vadd.f32 v48, v54;
	v49 =	vadd.f32 v16, v46;
	v55 =	vmul.f32 v16, v16;
	v54 =	vmovc v16;
	v16 =	vld [tilespmem:s13+$0x20]  }
0x384: {  	v45 =	vadd.f32 v52, v45;
	v52 =	vadd.f32 v59, v50;
	v50 =	vld [tilespmem:s13+$0xFFFFFFF0]  }
0x385: {  	v59 =	vld [tilespmem:s21+$0x16C50]  }
0x386: {  	v46 =	vadd.f32 v62, v53;
	v53 =	vadd.f32 v58, v48;
	v48 =	vld [tilespmem:s13+$0x0]  }
0x387: {  	v62 =	vadd.f32 v55, v45;
	v45 =	vadd.f32 v57, v63;
	v57 =	vld [tilespmem:s21+$0x16C60]  }
0x388: {  	v63 =	vld [tilespmem:$0x1FD70];
	v55 =	vadd.f32 v60, v46;
	v46 =	vadd.f32 v53, v52  }
0x389: {  	(xrf2) =	vadd.scan.msk.f32 $0xffff, v49;
	v51 =	vadd.f32 v56, v51;
	v56 =	vmul.f32 v52, v52;
	v60 =	vld [tilespmem:s13+$0x10];
	v58 =	vmul.f32 v53, v53  }
0x38a: {  	s18 =	smul.f32 $7.812500000e-03, s18;
	(xrf2) =	vadd.scan.msk.f32 $0xffff, v62;
	v62 =	vld [tilespmem:$0x1FD80];
	v45 =	vadd.f32 v50, v45;
	v46 =	vadd.f32 v55, v46  }
0x38b: {  	v49 =	vadd.f32 v61, v59;
	v50 =	vld [tilespmem:s21+$0x16C70];
	v56 =	vadd.f32 v58, v56;
	v61 =	vmul.f32 v55, v55  }
0x38c: {  	s28 =	smul.f32 s18, s18;
	v58 =	vadd.f32 v48, v51;
	v46 =	vadd.f32 v45, v46  }
0x38d: {  	s12 =	smul.f32 $7.812500000e-03, s25;
	v48 =	vadd.f32 v63, v57;
	v51 =	vld [tilespmem:s13+$0x30];
	v59 =	vmul.f32 v45, v45;
	v56 =	vadd.f32 v61, v56  }
0x38e: {  	v57 =	vadd.f32 v60, v49;
	v46 =	vadd.f32 v58, v46  }
0x38f: {  	s12 =	ssub.f32 s12, s28;
	v60 =	vadd.f32 v16, v48;
	v61 =	vmul.f32 v58, v58;
	v16 =	vadd.f32 v59, v56  }
0x390: {  	v49 =	vadd.f32 v62, v50;
	v46 =	vadd.f32 v57, v46  }
0x391: {  	s12 =	sadd.f32 $9.999999960e-13, s12;
	v63 =	vmul.f32 v57, v57;
	v16 =	vadd.f32 v61, v16  }
0x392: {  	v56 =	vadd.f32 v51, v49;
	v46 =	vadd.f32 v60, v46  }
0x393: {  	s30 =	smul.f32 $5.000000000e-01, s12;
	s25 =	spop (v2sf);
	v61 =	vmul.f32 v60, v60;
	v16 =	vadd.f32 v63, v16  }
0x394: {  	s29 =	sshra.s32 s12, $0x1;
	s12 =	smul.f32 $7.812500000e-03, s25;
	v62, _, _ =	vpop (xrf2);
	v46 =	vadd.f32 v56, v46  }
0x395: {  	s1 =	smul.f32 s1, s3;
	(v2sf) =	vpush v62, $0xF;
	v63 =	vmul.f32 v56, v56;
	v16 =	vadd.f32 v61, v16  }
0x396: {  	s25 =	smul.f32 s12, s12;
	s13 =	ssub.s32 $0x5F3759DF, s29;
	(xrf2) =	vadd.scan.msk.f32 $0xffff, v46  }
0x397: {  	s22 =	smul.f32 s13, s30;
	s28 =	spop (v2sf);
	v48, _, _ =	vpop (xrf2);
	v16 =	vadd.f32 v63, v16  }
0x398: {  	s28 =	smul.f32 $7.812500000e-03, s28;
	(v2sf) =	vpush v48, $0xF  }
0x399: {  	s1 =	ssub.f32 $1.500000000e+00, s1;
	s22 =	smul.f32 s13, s22;
	(xrf2) =	vadd.scan.msk.f32 $0xffff, v16  }
0x39a: {  	s28 =	ssub.f32 s28, s25  }
0x39b: {  	s3 =	smul.f32 s1, s3;
	s22 =	ssub.f32 $1.500000000e+00, s22  }
0x39c: {  	v17 =	vsub.f32 v17, v33;
	s1 =	sadd.f32 $9.999999960e-13, s28  }
0x39d: {  	v32 =	vmul.f32 s3, v32;
	v38 =	vmul.f32 s3, v38;
	s13 =	smul.f32 s13, s22  }
0x39e: {  	v41 =	vadd.f32 v41, v8;
	v39 =	vmul.f32 s3, v39;
	v17 =	vmul.f32 s3, v17;
	s29 =	sshra.s32 s1, $0x1;
	s22 =	smul.f32 $5.000000000e-01, s1  }
0x39f: {  	v31 =	vmul.f32 s3, v31;
	v38 =	vmul.f32 v38, v4;
	s21 =	smul.f32 s13, s30;
	v61 =	vmov s18;
	s18 =	ssub.s32 $0x5F3759DF, s29  }
0x3a0: {  	v42 =	vadd.f32 v42, v9;
	v39 =	vmul.f32 v39, v5;
	v17 =	vmul.f32 v17, v7;
	s30 =	smul.f32 s18, s22;
	v50, _, _ =	vpop (xrf2)  }
0x3a1: {  	v31 =	vmul.f32 v31, v6;
	v38 =	vadd.f32 v38, v12;
	(v2sf) =	vpush v50, $0xF  }
0x3a2: {  	v39 =	vadd.f32 v39, v13;
	v59 =	vmul.f32 s3, v47;
	v51 =	vmul.f32 s3, v37;
	s25 =	smul.f32 s18, s30  }
0x3a3: {  	v32 =	vmul.f32 v32, v0;
	v17 =	vadd.f32 v17, v15;
	v31 =	vadd.f32 v31, v14;
	s21 =	smul.f32 s21, s13;
	v62, _, _ =	vpop (xrf2)  }
0x3a4: {  	v37 =	vmul.f32 v59, v3;
	v33 =	vmul.f32 v51, v2;
	s25 =	ssub.f32 $1.500000000e+00, s25;
	s28 =	spop (v2sf);
	(v2sf) =	vpush v62, $0xF  }
0x3a5: {  	v32 =	vadd.f32 v32, v8;
	v49 =	vadd.f32 v44, v14;
	s1 =	smul.f32 $7.812500000e-03, s28  }
0x3a6: {  	[tilespmem:s6+$0xFFFFFFC0] =	vst v41;
	v37 =	vadd.f32 v37, v11;
	v33 =	vadd.f32 v33, v10;
	s18 =	smul.f32 s18, s25  }
0x3a7: {  	[tilespmem:s6+$0xFFFFFFD0] =	vst v42;
	v25 =	vsub.f32 v25, v61;
	v22 =	vsub.f32 v22, v61;
	s29 =	smul.f32 s1, s1;
	s30 =	spop (v2sf)  }
0x3a8: {  	[tilespmem:s15+$0x0] =	vst v38;
	v21 =	vsub.f32 v21, v61;
	v19 =	vsub.f32 v19, v61;
	s21 =	ssub.f32 $1.500000000e+00, s21;
	s28 =	smul.f32 $7.812500000e-03, s30  }
0x3a9: {  	v36 =	vmul.f32 s3, v36;
	[tilespmem:s15+$0x10] =	vst v39;
	v20 =	vsub.f32 v20, v61;
	v24 =	vsub.f32 v24, v61;
	s25 =	smul.f32 s18, s22  }
0x3aa: {  	[tilespmem:s15+$0x30] =	vst v17;
	v18 =	vsub.f32 v18, v61;
	v23 =	vsub.f32 v23, v61;
	v63 =	vmov s12;
	s13 =	smul.f32 s21, s13;
	s3 =	ssub.f32 s28, s29  }
0x3ab: {  	[tilespmem:s15+$0x20] =	vst v31;
	v28 =	vsub.f32 v28, v63;
	v34 =	vsub.f32 v34, v63;
	s21 =	smul.f32 s25, s18  }
0x3ac: {  	[tilespmem:s15+$0xFFFFFFC0] =	vst v32;
	v35 =	vsub.f32 v35, v63;
	v27 =	vsub.f32 v27, v63;
	v21 =	vmul.f32 s13, v21;
	s3 =	sadd.f32 $9.999999960e-13, s3  }
0x3ad: {  	v36 =	vmul.f32 v36, v1;
	[tilespmem:s15+$0xFFFFFFF0] =	vst v37;
	v37 =	vsub.f32 v29, v63;
	v16 =	vadd.f32 v43, v15;
	s21 =	ssub.f32 $1.500000000e+00, s21  }
0x3ae: {  	[tilespmem:s6+$0x20] =	vst v49;
	v38 =	vsub.f32 v30, v63;
	v18 =	vmul.f32 s13, v18;
	v21 =	vmul.f32 v21, v2;
	s28 =	sshra.s32 s3, $0x1;
	s22 =	smul.f32 $5.000000000e-01, s3  }
0x3af: {  	[tilespmem:s6+$0x30] =	vst v16;
	v16 =	vadd.f32 v36, v9;
	v25 =	vmul.f32 s13, v25;
	v19 =	vmul.f32 s13, v19;
	s6 =	smul.f32 s21, s18;
	s12 =	ssub.s32 $0x5F3759DF, s28  }
0x3b0: {  	[tilespmem:s15+$0xFFFFFFE0] =	vst v33;
	v24 =	vmul.f32 s13, v24;
	v18 =	vmul.f32 v18, v3;
	v21 =	vadd.f32 v21, v10;
	s29 =	smul.f32 s12, s22;
	s30 =	spop (v2sf)  }
0x3b1: {  	v26 =	vsub.f32 v26, v63;
	v23 =	vmul.f32 s13, v23;
	[tilespmem:s15+$0xFFFFFFD0] =	vst v16;
	v19 =	vmul.f32 v19, v4;
	s3 =	smul.f32 $7.812500000e-03, s30  }
0x3b2: {  	v20 =	vmul.f32 s13, v20;
	v24 =	vmul.f32 v24, v5;
	v18 =	vadd.f32 v18, v11;
	[tilespmem:s16+$0xFFFFFFE0] =	vst v21;
	s29 =	smul.f32 s12, s29  }
0x3b3: {  	v22 =	vmul.f32 s13, v22;
	v23 =	vmul.f32 v23, v7;
	v19 =	vadd.f32 v19, v12;
	v21 =	vld [tilespmem:$0x1FD90];
	s28 =	spop (v2sf);
	s30 =	smul.f32 s3, s3  }
0x3b4: {  	v44 =	vsub.f32 v40, v63;
	v20 =	vmul.f32 v20, v6;
	v24 =	vadd.f32 v24, v13;
	v33 =	vld [tilespmem:$0x1FDA0];
	[tilespmem:s16+$0xFFFFFFF0] =	vst v18;
	s25 =	smul.f32 $7.812500000e-03, s28  }
0x3b5: {  	v25 =	vmul.f32 v25, v0;
	v17 =	vmul.f32 v22, v1;
	v39 =	vadd.f32 v23, v15;
	v48 =	vld [tilespmem:$0x1FDB0];
	[tilespmem:s16+$0x0] =	vst v19;
	s13 =	ssub.f32 $1.500000000e+00, s29  }
0x3b6: {  	v20 =	vadd.f32 v20, v14;
	[tilespmem:s16+$0x10] =	vst v24;
	v42 =	vmul.f32 s6, v28;
	v43 =	vmul.f32 s6, v34;
	s29 =	ssub.f32 s25, s30  }
0x3b7: {  	v41 =	vadd.f32 v25, v8;
	v24 =	vld [tilespmem:$0x1FDC0];
	v46 =	vmul.f32 s6, v35;
	v26 =	vmul.f32 s6, v26;
	s12 =	smul.f32 s12, s13  }
0x3b8: {  	v16 =	vadd.f32 v17, v9;
	[tilespmem:s16+$0x30] =	vst v39;
	v27 =	vmul.f32 s6, v27;
	v30 =	vmul.f32 s6, v38;
	s30 =	sadd.f32 $9.999999960e-13, s29  }
0x3b9: {  	v17 =	vmov s1;
	v59 =	vld [tilespmem:$0x1FDD0];
	v29 =	vmul.f32 s6, v37;
	v31 =	vmul.f32 s6, v44;
	s15 =	smul.f32 s12, s22  }
0x3ba: {  	v21 =	vsub.f32 v21, v17;
	v33 =	vsub.f32 v33, v17;
	v32 =	vmul.f32 v46, v2;
	s18 =	sshra.s32 s30, $0x1;
	s13 =	smul.f32 $5.000000000e-01, s30  }
0x3bb: {  	[tilespmem:s16+$0x20] =	vst v20;
	v47 =	vmul.f32 v26, v3;
	v26 =	vsub.f32 v48, v17;
	v27 =	vmul.f32 v27, v4;
	s1 =	smul.f32 s15, s12;
	s15 =	ssub.s32 $0x5F3759DF, s18  }
0x3bc: {  	v20 =	vld [tilespmem:$0x1FDE0];
	[tilespmem:s16+$0xFFFFFFC0] =	vst v41;
	v51 =	vmul.f32 v30, v5;
	v31 =	vmul.f32 v31, v7;
	v24 =	vsub.f32 v24, v17;
	s21 =	smul.f32 s15, s13  }
0x3bd: {  	v63 =	vld [tilespmem:$0x1FDF0];
	v29 =	vmul.f32 v29, v6;
	v49 =	vadd.f32 v32, v10;
	v18 =	vadd.f32 v47, v11  }
0x3be: {  	v61 =	vmul.f32 v42, v0;
	v50 =	vadd.f32 v27, v12;
	v30 =	vsub.f32 v59, v17;
	s22 =	smul.f32 s15, s21  }
0x3bf: {  	[tilespmem:s16+$0xFFFFFFD0] =	vst v16;
	v16 =	vmul.f32 v43, v1;
	v62 =	vadd.f32 v51, v13;
	v32 =	vadd.f32 v31, v15;
	s1 =	ssub.f32 $1.500000000e+00, s1  }
0x3c0: {  	v29 =	vadd.f32 v29, v14;
	v34 =	vadd.f32 v61, v8;
	s6 =	ssub.f32 $1.500000000e+00, s22  }
0x3c1: {  	v16 =	vadd.f32 v16, v9;
	v20 =	vsub.f32 v20, v17;
	s1 =	smul.f32 s1, s12  }
0x3c2: {  	v27 =	vsub.f32 v63, v17;
	[tilespmem:s17+$0xFFFFFFE0] =	vst v49;
	v17 =	vsub.f32 v54, v17;
	v38 =	vmov s3;
	s6 =	smul.f32 s15, s6  }
0x3c3: {  	[tilespmem:s17+$0xFFFFFFF0] =	vst v18;
	v39 =	vsub.f32 v52, v38;
	v40 =	vsub.f32 v53, v38  }
0x3c4: {  	[tilespmem:s17+$0x0] =	vst v50;
	v41 =	vsub.f32 v55, v38;
	v21 =	vmul.f32 s1, v21;
	v36 =	vmul.f32 s1, v26;
	s25 =	smul.f32 s6, s13  }
0x3c5: {  	[tilespmem:s17+$0x10] =	vst v62;
	v42 =	vsub.f32 v58, v38;
	v37 =	vmul.f32 s1, v27;
	v24 =	vmul.f32 s1, v24  }
0x3c6: {  	[tilespmem:s17+$0x30] =	vst v32;
	v44 =	vsub.f32 v60, v38;
	v20 =	vmul.f32 s1, v20;
	v18 =	vmul.f32 v36, v2;
	s3 =	smul.f32 s25, s6  }
0x3c7: {  	[tilespmem:s17+$0x20] =	vst v29;
	v47 =	vsub.f32 v57, v38;
	v43 =	vmul.f32 s1, v30;
	v26 =	vmul.f32 v37, v3  }
0x3c8: {  	[tilespmem:s17+$0xFFFFFFC0] =	vst v34;
	v17 =	vmul.f32 s1, v17;
	v24 =	vmul.f32 v24, v4;
	v18 =	vadd.f32 v18, v10;
	s28 =	ssub.f32 $1.500000000e+00, s3  }
0x3c9: {  	[tilespmem:s17+$0xFFFFFFD0] =	vst v16;
	v35 =	vmul.f32 s1, v33;
	v20 =	vmul.f32 v20, v5;
	v26 =	vadd.f32 v26, v11  }
0x3ca: {  	v17 =	vmul.f32 v17, v7;
	v48 =	vmul.f32 v43, v6;
	v16 =	vadd.f32 v24, v12;
	[tilespmem:s10+$0xFFFFFFE0] =	vst v18;
	s1 =	smul.f32 s28, s6  }
0x3cb: {  	v49 =	vsub.f32 v45, v38;
	v46 =	vmul.f32 v21, v0;
	v20 =	vadd.f32 v20, v13;
	[tilespmem:s10+$0xFFFFFFF0] =	vst v26  }
0x3cc: {  	v17 =	vadd.f32 v17, v15;
	v51 =	vadd.f32 v48, v14;
	[tilespmem:s10+$0x0] =	vst v16;
	v50 =	vmul.f32 s1, v41  }
0x3cd: {  	v16 =	vmul.f32 v35, v1;
	[tilespmem:s10+$0x10] =	vst v20;
	v18 =	vadd.f32 v46, v8;
	v52 =	vmul.f32 s1, v49  }
0x3ce: {  	[tilespmem:s10+$0x30] =	vst v17;
	v17 =	vsub.f32 v56, v38;
	v19 =	vmul.f32 s1, v42;
	v53 =	vmul.f32 v50, v2  }
0x3cf: {  	[tilespmem:s10+$0x20] =	vst v51;
	v16 =	vadd.f32 v16, v9;
	v21 =	vmul.f32 s1, v47;
	v54 =	vmul.f32 v52, v3  }
0x3d0: {  	[tilespmem:s10+$0xFFFFFFC0] =	vst v18;
	v17 =	vmul.f32 s1, v17;
	v55 =	vmul.f32 v19, v4;
	v56 =	vadd.f32 v53, v10  }
0x3d1: {  	[tilespmem:s10+$0xFFFFFFD0] =	vst v16;
	v57 =	vmul.f32 s1, v44;
	v21 =	vmul.f32 v21, v5;
	v16 =	vadd.f32 v54, v11  }
0x3d2: {  	v58 =	vmul.f32 s1, v39;
	v17 =	vmul.f32 v17, v7;
	v18 =	vadd.f32 v55, v12;
	[tilespmem:s11+$0xFFFFFFE0] =	vst v56  }
0x3d3: {  	v59 =	vmul.f32 s1, v40;
	v60 =	vadd.f32 v21, v13;
	[tilespmem:s11+$0xFFFFFFF0] =	vst v16;
	v16 =	vmul.f32 v57, v6  }
0x3d4: {  	v61 =	vmul.f32 v58, v0;
	v17 =	vadd.f32 v17, v15;
	[tilespmem:s11+$0x0] =	vst v18  }
0x3d5: {  	v62 =	vmul.f32 v59, v1;
	[tilespmem:s11+$0x10] =	vst v60;
	v16 =	vadd.f32 v16, v14  }
.Ltmp8:
0x3d6: {  	s29 =	sadd.s32 s9, s5;
	v63 =	vadd.f32 v61, v8;
	[tilespmem:s11+$0x30] =	vst v17;
	(pc) =	sbr.rel .LBB2_2-.Ltmp8, $4  }
0x3d7: {  	s1 =	smul.u32 $0xC80, s29;
	[tilespmem:s11+$0x20] =	vst v16;
	v16 =	vadd.f32 v62, v9  }
0x3d8: {  	[tilespmem:s11+$0xFFFFFFC0] =	vst v63  }
0x3d9: {  	s2 =	sadd.s32 $0x1, s2;
	s30 =	simm.s32 $0x10800;
	s1 =	sadd.s32 s7, s1;
	[tilespmem:s11+$0xFFFFFFD0] =	vst v16  }
0x3da: {  	[hbm4b:s1+s8] =	stream.linear.scatter [tilespmem:s30], [sflag:$0x6], $0x6400, $0x38;
	[tilespmem:$0x1ED00] =	vst v63  }
.LBB2_15:
0x3db: {  	_ =	sfence.sel $0x180000  }
0x3dc: {  	[bflag:$0x0] =	sbarrier.arrive $0xFFFF  }
0x3dd: {  	_ =	strace $0x90000047  }
0x3de: {  	s0 =	stileid.u32;
	[bflag:$0x2] =	sbarrier.arrive $0xFFFF  }
0x3df: {  	p0 =	sne.s32 s0, $0x0;
	s0 =	rddreg [dreg:$0x7]  }
0x3e0: {  	s0 =	sadd.s32 @!p0 $0x100000, s0  }
0x3e1: {  	[sflag:s0] =	ssyncadd.tile.s32 @!p0 $0x1;
	_ =	shalt  }
.Lfunc_end2:
_tile_overlayer_lowered:
.L_overlay_start_2:
0x3e2: {  	(tag) =	ssettag $0x2  }
0x3e3: {  	s0 =	rddreg [dreg:$0x0];
	s2 =	stileid.u32  }
0x3e4: {  	s1 =	rddreg [dreg:$0x1];
	p0 =	sne.s32 s2, $0x0  }
0x3e5: {  	s3 =	rddreg [dreg:$0x2];
	[bflag:$0x3] =	sbarrier.arrive $0xFFFF;
	s2 =	simm.s32 @!p0 $0x1C07  }
0x3e6: {  	[timem:s3], [sflag:s2] =	dma.local @!p0 [hbm:s0], s1  }
0x3e7: {  	s0 =	simm.s32 @!p0 $0x7  }
0x3e8: {  	_ =	swait.ge @!p0 [sflag:s0], s1  }
0x3e9: {  	s1 =	ssub.s32 @!p0 $0x0, s1;
	[sflag:s0] =	ssyncset.done @!p0 $0x0  }
0x3ea: {  	[sflag:s0] =	ssyncadd.s32 @!p0 s1  }
0x3eb: {  	[bflag:$0x3] =	sbarrier.arrive $0xFFFF  }
0x3ec: {  	_ =	shalt  }

</sc_bundles>
